<compile_context>
chip_gen: v7x
topology: tpu7x:2x2x1
jax: 0.10.2.dev20260603
libtpu: 0.0.44.dev20260713+nightly
codegen_flags: <defaults>
</compile_context>

<pallas_src>
import jax
import jax.numpy as jnp
from jax import lax
from jax.experimental import pallas as pl
from jax.experimental.pallas import tpu as pltpu
from jax.experimental.pallas import tpu_sc as plsc

NC = 2
NS = 16
NW = NC * NS
CH = 128
NBUF = 4


def _make_sc_agg(n_pad, d, n_chunks, ch, e_tile, with_deg):
  rows_per_sub = n_pad // NS
  mesh = plsc.VectorSubcoreMesh(core_axis_name="c", subcore_axis_name="s")

  out_type = [jax.ShapeDtypeStruct((NC, n_pad, d), jnp.float32)]
  slab = n_chunks * ch
  scratch = [
      pltpu.VMEM((slab,), jnp.int32),
      pltpu.VMEM((slab,), jnp.int32),
  ] + [pltpu.VMEM((ch, d), jnp.float32) for _ in range(NBUF)] + [
      pltpu.SemaphoreType.DMA for _ in range(2 * NBUF)
  ] + [
      pltpu.VMEM_SHARED((n_pad, d), jnp.float32),
  ]
  if with_deg:
    out_type.append(jax.ShapeDtypeStruct((NC, n_pad, 16), jnp.float32))
    scratch += [
        pltpu.VMEM((ch, 16), jnp.float32),
        pltpu.SemaphoreType.DMA,
        pltpu.VMEM_SHARED((n_pad, 16), jnp.float32),
    ]

  def body(*refs):
    if with_deg:
      (p_hbm, src_hbm, dst_hbm, z_hbm, z16_hbm, ones_hbm,
       agg_out, deg_out, src_v, dst_v, *rest) = refs
      bufs = rest[:NBUF]
      gsems = rest[NBUF:2 * NBUF]
      ssems = rest[2 * NBUF:3 * NBUF]
      acc_sh, ones_v, dsem, deg_sh = rest[3 * NBUF:]
    else:
      (p_hbm, src_hbm, dst_hbm, z_hbm, agg_out, src_v, dst_v, *rest) = refs
      bufs = rest[:NBUF]
      gsems = rest[NBUF:2 * NBUF]
      ssems = rest[2 * NBUF:3 * NBUF]
      (acc_sh,) = rest[3 * NBUF:]

    c = lax.axis_index("c")
    s = lax.axis_index("s")
    w = c * NS + s
    lo = s * rows_per_sub
    rsl = pl.ds(lo, rows_per_sub)
    esl = pl.ds(w * e_tile, e_tile)
    vsl = pl.ds(0, e_tile)

    pltpu.async_copy(z_hbm.at[rsl], acc_sh.at[rsl], gsems[0])
    pltpu.async_copy(src_hbm.at[esl], src_v.at[vsl], gsems[1])
    pltpu.async_copy(dst_hbm.at[esl], dst_v.at[vsl], gsems[2])
    if with_deg:
      pltpu.async_copy(z16_hbm.at[rsl], deg_sh.at[rsl], gsems[3])
      pltpu.async_copy(ones_hbm, ones_v, ssems[0])
      pltpu.make_async_copy(z16_hbm.at[rsl], deg_sh.at[rsl], gsems[3]).wait()
      pltpu.make_async_copy(ones_hbm, ones_v, ssems[0]).wait()
    pltpu.make_async_copy(z_hbm.at[rsl], acc_sh.at[rsl], gsems[0]).wait()
    pltpu.make_async_copy(src_hbm.at[esl], src_v.at[vsl], gsems[1]).wait()
    pltpu.make_async_copy(dst_hbm.at[esl], dst_v.at[vsl], gsems[2]).wait()
    iota = lax.iota(jnp.int32, 16)
    for t in range((slab - e_tile) // 16):
      tsl = pl.ds(e_tile + t * 16, 16)
      src_v[tsl] = iota + s * 16
      dst_v[tsl] = iota + (n_pad - 16)
    plsc.subcore_barrier()

    def gather(j, k):
      pltpu.async_copy(p_hbm.at[src_v.at[pl.ds(j * ch, ch)]], bufs[k], gsems[k])

    def wait_gather(j, k):
      pltpu.make_async_copy(
          p_hbm.at[src_v.at[pl.ds(j * ch, ch)]], bufs[k], gsems[k]).wait()

    def scatter(j, k):
      dsl = dst_v.at[pl.ds(j * ch, ch)]
      pltpu.async_copy(bufs[k], acc_sh.at[dsl], ssems[k], add=True)
      if with_deg:
        pltpu.async_copy(ones_v, deg_sh.at[dsl], dsem, add=True)

    def wait_scatter(j, k):
      pltpu.make_async_copy(
          bufs[k], acc_sh.at[dst_v.at[pl.ds(j * ch, ch)]], ssems[k]).wait()

    for k in range(NBUF):
      gather(k, k)

    @pl.loop(0, n_chunks, step=NBUF)
    def _(j):
      for k in range(NBUF):
        wait_gather(j + k, k)
        scatter(j + k, k)
      for k in range(NBUF):
        @pl.when(j + k + NBUF < n_chunks)
        def _(k=k):
          wait_scatter(j + k, k)
          gather(j + k + NBUF, k)

    for k in range(NBUF):
      wait_scatter(n_chunks - NBUF + k, k)
    if with_deg:
      @pl.loop(0, n_chunks)
      def _(j):
        pltpu.make_async_copy(
            ones_v, deg_sh.at[dst_v.at[pl.ds(j * ch, ch)]], dsem).wait()

    plsc.subcore_barrier()
    pltpu.sync_copy(acc_sh.at[rsl], agg_out.at[c, rsl])
    if with_deg:
      pltpu.sync_copy(deg_sh.at[rsl], deg_out.at[c, rsl])

  return pl.kernel(
      body, out_type=out_type, mesh=mesh, scratch_types=scratch,
      compiler_params=pltpu.CompilerParams(use_tc_tiling_on_sc=False))


def _proj_call(x, wl, blk):
  n, k = x.shape
  d = wl.shape[1]

  def body(x_ref, wl_ref, p_ref):
    p_ref[...] = jnp.dot(x_ref[...], wl_ref[...],
                         preferred_element_type=jnp.float32)

  return pl.pallas_call(
      body,
      grid=(n // blk,),
      in_specs=[
          pl.BlockSpec((blk, k), lambda i: (i, 0)),
          pl.BlockSpec((k, d), lambda i: (0, 0)),
      ],
      out_specs=pl.BlockSpec((blk, d), lambda i: (i, 0)),
      out_shape=jax.ShapeDtypeStruct((n, d), jnp.float32),
  )(x, wl)


def _mid_layer_call(agg, degp, r, b, wl, blk, first):
  _, n, d = agg.shape
  do = wl.shape[1]
  nblk = n // blk
  aggf = agg.reshape(NC * n, d)
  gf = degp.reshape(NC * n, 16) if first else degp

  def body(a0_ref, a1_ref, g0_ref, g1_ref, r_ref, b_ref, wl_ref, *o_refs):
    a = a0_ref[...] + a1_ref[...]
    if first:
      deg = jnp.maximum(g0_ref[...] + g1_ref[...], 1.0)
      dinv = 1.0 / deg
    else:
      dinv = g0_ref[...]
    h = jnp.maximum(a * dinv[:, 0:1] + r_ref[...] + b_ref[...], 0.0)
    o_refs[0][...] = h
    o_refs[1][...] = jnp.dot(h, wl_ref[...], preferred_element_type=jnp.float32)
    if first:
      o_refs[2][...] = dinv

  g_spec0 = pl.BlockSpec((blk, 16), lambda i: (i, 0))
  g_spec1 = (pl.BlockSpec((blk, 16), lambda i: (i + nblk, 0)) if first
             else g_spec0)
  out_specs = [pl.BlockSpec((blk, d), lambda i: (i, 0)),
               pl.BlockSpec((blk, do), lambda i: (i, 0))]
  out_shape = [jax.ShapeDtypeStruct((n, d), jnp.float32),
               jax.ShapeDtypeStruct((n, do), jnp.float32)]
  if first:
    out_specs.append(pl.BlockSpec((blk, 16), lambda i: (i, 0)))
    out_shape.append(jax.ShapeDtypeStruct((n, 16), jnp.float32))

  return pl.pallas_call(
      body,
      grid=(nblk,),
      in_specs=[
          pl.BlockSpec((blk, d), lambda i: (i, 0)),
          pl.BlockSpec((blk, d), lambda i: (i + nblk, 0)),
          g_spec0,
          g_spec1,
          pl.BlockSpec((blk, d), lambda i: (i, 0)),
          pl.BlockSpec((1, d), lambda i: (0, 0)),
          pl.BlockSpec((d, do), lambda i: (0, 0)),
      ],
      out_specs=out_specs,
      out_shape=out_shape,
  )(aggf, aggf, gf, gf, r, b, wl)


def _final_call(agg, dinv, r, b, blk):
  _, n, d = agg.shape
  nblk = n // blk
  aggf = agg.reshape(NC * n, d)

  def body(a0_ref, a1_ref, g_ref, r_ref, b_ref, o_ref):
    a = a0_ref[...] + a1_ref[...]
    o_ref[...] = a * g_ref[...][:, 0:1] + r_ref[...] + b_ref[...]

  return pl.pallas_call(
      body,
      grid=(nblk,),
      in_specs=[
          pl.BlockSpec((blk, d), lambda i: (i, 0)),
          pl.BlockSpec((blk, d), lambda i: (i + nblk, 0)),
          pl.BlockSpec((blk, 16), lambda i: (i, 0)),
          pl.BlockSpec((blk, d), lambda i: (i, 0)),
          pl.BlockSpec((1, d), lambda i: (0, 0)),
      ],
      out_specs=pl.BlockSpec((blk, d), lambda i: (i, 0)),
      out_shape=jax.ShapeDtypeStruct((n, d), jnp.float32),
  )(aggf, aggf, dinv, r, b)


def kernel(x, edge_index, Wl1, Wr1, b1, Wl2, Wr2, b2, Wl3, Wr3, b3):
  n, d_in = x.shape
  e = edge_index.shape[1]
  d_h = Wl1.shape[1]
  n_cls = Wl3.shape[1]
  do = 16

  n_pad = -(-(n + 16) // 128) * 128
  e_tile = e // NW
  ch = CH
  n_chunks = -(-e_tile // (ch * NBUF)) * NBUF

  srcC = edge_index[0]
  dstC = edge_index[1]

  zeros_d = jnp.zeros((n_pad, d_h), jnp.float32)
  zeros_16 = jnp.zeros((n_pad, 16), jnp.float32)
  ones_16 = jnp.ones((ch, 16), jnp.float32)

  wl3p = jnp.zeros((d_h, do), jnp.float32).at[:, :n_cls].set(Wl3)
  wr3p = jnp.zeros((d_h, do), jnp.float32).at[:, :n_cls].set(Wr3)
  b3p = jnp.zeros((1, do), jnp.float32).at[0, :n_cls].set(b3)

  blk = n_pad // 8
  xp = jnp.pad(x, ((0, n_pad - n), (0, 0)))

  p1 = _proj_call(xp, Wl1, blk)
  agg1, degp = _make_sc_agg(n_pad, d_h, n_chunks, ch, e_tile, True)(
      p1, srcC, dstC, zeros_d, zeros_16, ones_16)
  r1 = _proj_call(xp, Wr1, blk)
  h1, p2, dinv = _mid_layer_call(
      agg1, degp, r1, b1.reshape(1, d_h), Wl2, blk, True)

  agg2, = _make_sc_agg(n_pad, d_h, n_chunks, ch, e_tile, False)(p2, srcC, dstC, zeros_d)
  r2 = _proj_call(h1, Wr2, blk)
  h2, p3 = _mid_layer_call(
      agg2, dinv, r2, b2.reshape(1, d_h), wl3p, blk, False)

  zeros_do = zeros_16 if do == 16 else jnp.zeros((n_pad, do), jnp.float32)
  agg3, = _make_sc_agg(n_pad, do, n_chunks, ch, e_tile, False)(p3, srcC, dstC, zeros_do)
  r3 = _proj_call(h2, wr3p, blk)
  out = _final_call(agg3, dinv, r3, b3p, blk)
  return out[:n, :n_cls]

# --- scband reference (transcript-rebuilt; emitter-appended) ---
"""Pipeline reference for scband-graph-sage-26164940767482 (READ-ONLY COPY).

The authoritative reference and input builder live on the scoring server;
editing this copy changes nothing except your own understanding.
"""

import jax, jax.numpy as jnp
import numpy as np


def _sage_conv(x, src, dst, Wl, Wr, b):
    N = x.shape[0]
    msg = x[src]
    agg = jax.ops.segment_sum(msg, dst, num_segments=N)
    deg = jax.ops.segment_sum(jnp.ones((src.shape[0],), x.dtype), dst, num_segments=N)
    agg = agg / jnp.maximum(deg, 1.0)[:, None]
    return agg @ Wl + x @ Wr + b


def setup_inputs(seed: int = 0) -> dict:
    key = jax.random.key(seed)
    ks = jax.random.split(key, 12)
    N, E, d_in, d_h, n_cls = 10000, 320000, 128, 64, 6
    x = jax.random.normal(ks[0], (N, d_in), dtype=jnp.float32)
    edge_index = jax.random.randint(ks[1], (2, E), 0, N, dtype=jnp.int32)

    def lin(k, fi, fo):
        s = 1.0 / np.sqrt(fi)
        return jax.random.uniform(k, (fi, fo), jnp.float32, -s, s)

    Wl1 = lin(ks[2], d_in, d_h)
    Wr1 = lin(ks[3], d_in, d_h)
    b1 = jnp.zeros((d_h,), jnp.float32)
    Wl2 = lin(ks[4], d_h, d_h)
    Wr2 = lin(ks[5], d_h, d_h)
    b2 = jnp.zeros((d_h,), jnp.float32)
    Wl3 = lin(ks[6], d_h, n_cls)
    Wr3 = lin(ks[7], d_h, n_cls)
    b3 = jnp.zeros((n_cls,), jnp.float32)
    return {"x": x, "edge_index": edge_index, "Wl1": Wl1, "Wr1": Wr1, "b1": b1,
            "Wl2": Wl2, "Wr2": Wr2, "b2": b2, "Wl3": Wl3, "Wr3": Wr3, "b3": b3}


def reference(x, edge_index, Wl1, Wr1, b1, Wl2, Wr2, b2, Wl3, Wr3, b3):
    src, dst = edge_index[0], edge_index[1]
    h = _sage_conv(x, src, dst, Wl1, Wr1, b1)
    h = jax.nn.relu(h)
    # dropout is identity in eval mode
    h = _sage_conv(h, src, dst, Wl2, Wr2, b2)
    h = jax.nn.relu(h)
    out = _sage_conv(h, src, dst, Wl3, Wr3, b3)
    return out

if __name__ == "__main__":
    import jax
    _d = setup_inputs()
    print(jax.jit(kernel)(*tuple(_d.values())))

</pallas_src>

<mosaic_0001>
#map = affine_map<(d0, d1) -> (0, 0)>
#map1 = affine_map<(d0, d1) -> (0)>
#map2 = affine_map<(d0, d1) -> (0, 0, 0)>
module attributes {stable_mosaic.version = 14 : i64} {
  func.func @body(%arg0: i32, %arg1: i32, %arg2: memref<10112x64xf32, #tpu.memory_space<hbm>>, %arg3: memref<320000xi32, #tpu.memory_space<hbm>>, %arg4: memref<320000xi32, #tpu.memory_space<hbm>>, %arg5: memref<10112x64xf32, #tpu.memory_space<hbm>>, %arg6: memref<2x10112x64xf32, #tpu.memory_space<hbm>>, %arg7: memref<10240xi32, #tpu.memory_space<vmem>>, %arg8: memref<10240xi32, #tpu.memory_space<vmem>>, %arg9: memref<128x64xf32, #tpu.memory_space<vmem>>, %arg10: memref<128x64xf32, #tpu.memory_space<vmem>>, %arg11: memref<128x64xf32, #tpu.memory_space<vmem>>, %arg12: memref<128x64xf32, #tpu.memory_space<vmem>>, %arg13: memref<!tpu.dma_semaphore, #tpu.memory_space<semaphore_mem>>, %arg14: memref<!tpu.dma_semaphore, #tpu.memory_space<semaphore_mem>>, %arg15: memref<!tpu.dma_semaphore, #tpu.memory_space<semaphore_mem>>, %arg16: memref<!tpu.dma_semaphore, #tpu.memory_space<semaphore_mem>>, %arg17: memref<!tpu.dma_semaphore, #tpu.memory_space<semaphore_mem>>, %arg18: memref<!tpu.dma_semaphore, #tpu.memory_space<semaphore_mem>>, %arg19: memref<!tpu.dma_semaphore, #tpu.memory_space<semaphore_mem>>, %arg20: memref<!tpu.dma_semaphore, #tpu.memory_space<semaphore_mem>>, %arg21: memref<10112x64xf32, #tpu.memory_space<vmem_shared>>) attributes {dimension_semantics = [#tpu.dimension_semantics<core_parallel>, #tpu.dimension_semantics<subcore_parallel>], iteration_bounds = array<i64: 2, 16>, scalar_prefetch = 0 : i64, scratch_operands = 15 : i64, tpu.core_type = #tpu.core_type<sc_vector_subcore>, window_params = [{transform_indices = #map}, {transform_indices = #map1}, {transform_indices = #map1}, {transform_indices = #map}, {transform_indices = #map2}]} {
    %mul3A = arith.constant 16 : i32
    %mul3A_0 = arith.muli %arg0, %mul3A : i32
    %add3A = arith.addi %mul3A_0, %arg1 : i32
    %mul3A_1 = arith.constant 632 : i32
    %mul3A_2 = arith.muli %arg1, %mul3A_1 : i32
    %mul3A_3 = arith.constant 10000 : i32
    %mul3A_4 = arith.muli %add3A, %mul3A_3 : i32
    %dma_start3A = arith.constant 0 : i32
    %dma_start3A_5 = tpu.memref_slice %arg21[%mul3A_2, %dma_start3A] : memref<10112x64xf32, #tpu.memory_space<vmem_shared>> -> memref<632x64xf32, #tpu.memory_space<vmem_shared>>
    %dma_start3A_6 = arith.constant 0 : i32
    %dma_start3A_7 = tpu.memref_slice %arg5[%mul3A_2, %dma_start3A_6] : memref<10112x64xf32, #tpu.memory_space<hbm>> -> memref<632x64xf32, #tpu.memory_space<hbm>>
    tpu.enqueue_dma source(%dma_start3A_7 : memref<632x64xf32, #tpu.memory_space<hbm>>) target(%dma_start3A_5 : memref<632x64xf32, #tpu.memory_space<vmem_shared>>) target_semaphore(%arg13 : memref<!tpu.dma_semaphore, #tpu.memory_space<semaphore_mem>>)
    %dma_start3A_8 = arith.constant 0 : i32
    %dma_start3A_9 = tpu.memref_slice %arg7[%dma_start3A_8] : memref<10240xi32, #tpu.memory_space<vmem>> -> memref<10000xi32, #tpu.memory_space<vmem>>
    %dma_start3A_10 = tpu.memref_slice %arg3[%mul3A_4] : memref<320000xi32, #tpu.memory_space<hbm>> -> memref<10000xi32, #tpu.memory_space<hbm>>
    %dma_start3A_11 = arith.constant 0 : i32
    %dma_start3A_12 = tpu.memref_slice %arg7[%dma_start3A_11] : memref<10240xi32, #tpu.memory_space<vmem>> -> memref<10000xi32, #tpu.memory_space<vmem>>
    %dma_start3A_13 = tpu.memref_slice %arg3[%mul3A_4] : memref<320000xi32, #tpu.memory_space<hbm>> -> memref<10000xi32, #tpu.memory_space<hbm>>
    tpu.enqueue_dma source(%dma_start3A_13 : memref<10000xi32, #tpu.memory_space<hbm>>) target(%dma_start3A_12 : memref<10000xi32, #tpu.memory_space<vmem>>) target_semaphore(%arg14 : memref<!tpu.dma_semaphore, #tpu.memory_space<semaphore_mem>>)
    %dma_start3A_14 = arith.constant 0 : i32
    %dma_start3A_15 = tpu.memref_slice %arg8[%dma_start3A_14] : memref<10240xi32, #tpu.memory_space<vmem>> -> memref<10000xi32, #tpu.memory_space<vmem>>
    %dma_start3A_16 = tpu.memref_slice %arg4[%mul3A_4] : memref<320000xi32, #tpu.memory_space<hbm>> -> memref<10000xi32, #tpu.memory_space<hbm>>
    %dma_start3A_17 = arith.constant 0 : i32
    %dma_start3A_18 = tpu.memref_slice %arg8[%dma_start3A_17] : memref<10240xi32, #tpu.memory_space<vmem>> -> memref<10000xi32, #tpu.memory_space<vmem>>
    %dma_start3A_19 = tpu.memref_slice %arg4[%mul3A_4] : memref<320000xi32, #tpu.memory_space<hbm>> -> memref<10000xi32, #tpu.memory_space<hbm>>
    tpu.enqueue_dma source(%dma_start3A_19 : memref<10000xi32, #tpu.memory_space<hbm>>) target(%dma_start3A_18 : memref<10000xi32, #tpu.memory_space<vmem>>) target_semaphore(%arg15 : memref<!tpu.dma_semaphore, #tpu.memory_space<semaphore_mem>>)
    %dma_wait3A = arith.constant 0 : i32
    %dma_wait3A_20 = tpu.memref_slice %arg21[%mul3A_2, %dma_wait3A] : memref<10112x64xf32, #tpu.memory_space<vmem_shared>> -> memref<632x64xf32, #tpu.memory_space<vmem_shared>>
    %dma_wait3A_21 = arith.constant 0 : i32
    %dma_wait3A_22 = tpu.memref_slice %arg5[%mul3A_2, %dma_wait3A_21] : memref<10112x64xf32, #tpu.memory_space<hbm>> -> memref<632x64xf32, #tpu.memory_space<hbm>>
    tpu.wait_dma2 semaphore(%arg13 : memref<!tpu.dma_semaphore, #tpu.memory_space<semaphore_mem>>) src(%dma_wait3A_22 : memref<632x64xf32, #tpu.memory_space<hbm>>) dst(%dma_wait3A_20 : memref<632x64xf32, #tpu.memory_space<vmem_shared>>)
    %dma_wait3A_23 = arith.constant 0 : i32
    %dma_wait3A_24 = tpu.memref_slice %arg7[%dma_wait3A_23] : memref<10240xi32, #tpu.memory_space<vmem>> -> memref<10000xi32, #tpu.memory_space<vmem>>
    %dma_wait3A_25 = tpu.memref_slice %arg3[%mul3A_4] : memref<320000xi32, #tpu.memory_space<hbm>> -> memref<10000xi32, #tpu.memory_space<hbm>>
    %dma_wait3A_26 = arith.constant 0 : i32
    %dma_wait3A_27 = tpu.memref_slice %arg7[%dma_wait3A_26] : memref<10240xi32, #tpu.memory_space<vmem>> -> memref<10000xi32, #tpu.memory_space<vmem>>
    %dma_wait3A_28 = tpu.memref_slice %arg3[%mul3A_4] : memref<320000xi32, #tpu.memory_space<hbm>> -> memref<10000xi32, #tpu.memory_space<hbm>>
    tpu.wait_dma2 semaphore(%arg14 : memref<!tpu.dma_semaphore, #tpu.memory_space<semaphore_mem>>) src(%dma_wait3A_28 : memref<10000xi32, #tpu.memory_space<hbm>>) dst(%dma_wait3A_27 : memref<10000xi32, #tpu.memory_space<vmem>>)
    %dma_wait3A_29 = arith.constant 0 : i32
    %dma_wait3A_30 = tpu.memref_slice %arg8[%dma_wait3A_29] : memref<10240xi32, #tpu.memory_space<vmem>> -> memref<10000xi32, #tpu.memory_space<vmem>>
    %dma_wait3A_31 = tpu.memref_slice %arg4[%mul3A_4] : memref<320000xi32, #tpu.memory_space<hbm>> -> memref<10000xi32, #tpu.memory_space<hbm>>
    %dma_wait3A_32 = arith.constant 0 : i32
    %dma_wait3A_33 = tpu.memref_slice %arg8[%dma_wait3A_32] : memref<10240xi32, #tpu.memory_space<vmem>> -> memref<10000xi32, #tpu.memory_space<vmem>>
    %dma_wait3A_34 = tpu.memref_slice %arg4[%mul3A_4] : memref<320000xi32, #tpu.memory_space<hbm>> -> memref<10000xi32, #tpu.memory_space<hbm>>
    tpu.wait_dma2 semaphore(%arg15 : memref<!tpu.dma_semaphore, #tpu.memory_space<semaphore_mem>>) src(%dma_wait3A_34 : memref<10000xi32, #tpu.memory_space<hbm>>) dst(%dma_wait3A_33 : memref<10000xi32, #tpu.memory_space<vmem>>)
    %iota3A = tpu.iota {dimensions = array<i32: 0>} : vector<16xi32>
    %mul3A_35 = arith.constant 16 : i32
    %mul3A_36 = arith.muli %arg1, %mul3A_35 : i32
    %add3A_37 = vector.broadcast %mul3A_36 : i32 to vector<16xi32>
    %add3A_38 = arith.addi %iota3A, %add3A_37 : vector<16xi32>
    %swap3A = arith.constant 10000 : index
    %swap3A_39 = tpu.vector_load %arg7[%swap3A] {strides = array<i32>} : memref<10240xi32, #tpu.memory_space<vmem>>, vector<16xi32>,
    %swap3A_40 = vector.shape_cast %swap3A_39 : vector<16xi32> to vector<16xi32>
    %swap3A_41 = vector.shape_cast %add3A_38 : vector<16xi32> to vector<16xi32>
    tpu.vector_store %arg7[%swap3A], %swap3A_41 {strides = array<i32>} : memref<10240xi32, #tpu.memory_space<vmem>>, vector<16xi32>,
    %add3A_42 = arith.constant 10096 : i32
    %add3A_43 = vector.broadcast %add3A_42 : i32 to vector<16xi32>
    %add3A_44 = arith.addi %iota3A, %add3A_43 : vector<16xi32>
    %swap3A_45 = arith.constant 10000 : index
    %swap3A_46 = tpu.vector_load %arg8[%swap3A_45] {strides = array<i32>} : memref<10240xi32, #tpu.memory_space<vmem>>, vector<16xi32>,
    %swap3A_47 = vector.shape_cast %swap3A_46 : vector<16xi32> to vector<16xi32>
    %swap3A_48 = vector.shape_cast %add3A_44 : vector<16xi32> to vector<16xi32>
    tpu.vector_store %arg8[%swap3A_45], %swap3A_48 {strides = array<i32>} : memref<10240xi32, #tpu.memory_space<vmem>>, vector<16xi32>,
    %mul3A_49 = arith.constant 16 : i32
    %mul3A_50 = arith.muli %arg1, %mul3A_49 : i32
    %add3A_51 = vector.broadcast %mul3A_50 : i32 to vector<16xi32>
    %add3A_52 = arith.addi %iota3A, %add3A_51 : vector<16xi32>
    %swap3A_53 = arith.constant 10016 : index
    %swap3A_54 = tpu.vector_load %arg7[%swap3A_53] {strides = array<i32>} : memref<10240xi32, #tpu.memory_space<vmem>>, vector<16xi32>,
    %swap3A_55 = vector.shape_cast %swap3A_54 : vector<16xi32> to vector<16xi32>
    %swap3A_56 = vector.shape_cast %add3A_52 : vector<16xi32> to vector<16xi32>
    tpu.vector_store %arg7[%swap3A_53], %swap3A_56 {strides = array<i32>} : memref<10240xi32, #tpu.memory_space<vmem>>, vector<16xi32>,
    %add3A_57 = arith.constant 10096 : i32
    %add3A_58 = vector.broadcast %add3A_57 : i32 to vector<16xi32>
    %add3A_59 = arith.addi %iota3A, %add3A_58 : vector<16xi32>
    %swap3A_60 = arith.constant 10016 : index
    %swap3A_61 = tpu.vector_load %arg8[%swap3A_60] {strides = array<i32>} : memref<10240xi32, #tpu.memory_space<vmem>>, vector<16xi32>,
    %swap3A_62 = vector.shape_cast %swap3A_61 : vector<16xi32> to vector<16xi32>
    %swap3A_63 = vector.shape_cast %add3A_59 : vector<16xi32> to vector<16xi32>
    tpu.vector_store %arg8[%swap3A_60], %swap3A_63 {strides = array<i32>} : memref<10240xi32, #tpu.memory_space<vmem>>, vector<16xi32>,
    %mul3A_64 = arith.constant 16 : i32
    %mul3A_65 = arith.muli %arg1, %mul3A_64 : i32
    %add3A_66 = vector.broadcast %mul3A_65 : i32 to vector<16xi32>
    %add3A_67 = arith.addi %iota3A, %add3A_66 : vector<16xi32>
    %swap3A_68 = arith.constant 10032 : index
    %swap3A_69 = tpu.vector_load %arg7[%swap3A_68] {strides = array<i32>} : memref<10240xi32, #tpu.memory_space<vmem>>, vector<16xi32>,
    %swap3A_70 = vector.shape_cast %swap3A_69 : vector<16xi32> to vector<16xi32>
    %swap3A_71 = vector.shape_cast %add3A_67 : vector<16xi32> to vector<16xi32>
    tpu.vector_store %arg7[%swap3A_68], %swap3A_71 {strides = array<i32>} : memref<10240xi32, #tpu.memory_space<vmem>>, vector<16xi32>,
    %add3A_72 = arith.constant 10096 : i32
    %add3A_73 = vector.broadcast %add3A_72 : i32 to vector<16xi32>
    %add3A_74 = arith.addi %iota3A, %add3A_73 : vector<16xi32>
    %swap3A_75 = arith.constant 10032 : index
    %swap3A_76 = tpu.vector_load %arg8[%swap3A_75] {strides = array<i32>} : memref<10240xi32, #tpu.memory_space<vmem>>, vector<16xi32>,
    %swap3A_77 = vector.shape_cast %swap3A_76 : vector<16xi32> to vector<16xi32>
    %swap3A_78 = vector.shape_cast %add3A_74 : vector<16xi32> to vector<16xi32>
    tpu.vector_store %arg8[%swap3A_75], %swap3A_78 {strides = array<i32>} : memref<10240xi32, #tpu.memory_space<vmem>>, vector<16xi32>,
    %mul3A_79 = arith.constant 16 : i32
    %mul3A_80 = arith.muli %arg1, %mul3A_79 : i32
    %add3A_81 = vector.broadcast %mul3A_80 : i32 to vector<16xi32>
    %add3A_82 = arith.addi %iota3A, %add3A_81 : vector<16xi32>
    %swap3A_83 = arith.constant 10048 : index
    %swap3A_84 = tpu.vector_load %arg7[%swap3A_83] {strides = array<i32>} : memref<10240xi32, #tpu.memory_space<vmem>>, vector<16xi32>,
    %swap3A_85 = vector.shape_cast %swap3A_84 : vector<16xi32> to vector<16xi32>
    %swap3A_86 = vector.shape_cast %add3A_82 : vector<16xi32> to vector<16xi32>
    tpu.vector_store %arg7[%swap3A_83], %swap3A_86 {strides = array<i32>} : memref<10240xi32, #tpu.memory_space<vmem>>, vector<16xi32>,
    %add3A_87 = arith.constant 10096 : i32
    %add3A_88 = vector.broadcast %add3A_87 : i32 to vector<16xi32>
    %add3A_89 = arith.addi %iota3A, %add3A_88 : vector<16xi32>
    %swap3A_90 = arith.constant 10048 : index
    %swap3A_91 = tpu.vector_load %arg8[%swap3A_90] {strides = array<i32>} : memref<10240xi32, #tpu.memory_space<vmem>>, vector<16xi32>,
    %swap3A_92 = vector.shape_cast %swap3A_91 : vector<16xi32> to vector<16xi32>
    %swap3A_93 = vector.shape_cast %add3A_89 : vector<16xi32> to vector<16xi32>
    tpu.vector_store %arg8[%swap3A_90], %swap3A_93 {strides = array<i32>} : memref<10240xi32, #tpu.memory_space<vmem>>, vector<16xi32>,
    %mul3A_94 = arith.constant 16 : i32
    %mul3A_95 = arith.muli %arg1, %mul3A_94 : i32
    %add3A_96 = vector.broadcast %mul3A_95 : i32 to vector<16xi32>
    %add3A_97 = arith.addi %iota3A, %add3A_96 : vector<16xi32>
    %swap3A_98 = arith.constant 10064 : index
    %swap3A_99 = tpu.vector_load %arg7[%swap3A_98] {strides = array<i32>} : memref<10240xi32, #tpu.memory_space<vmem>>, vector<16xi32>,
    %swap3A_100 = vector.shape_cast %swap3A_99 : vector<16xi32> to vector<16xi32>
    %swap3A_101 = vector.shape_cast %add3A_97 : vector<16xi32> to vector<16xi32>
    tpu.vector_store %arg7[%swap3A_98], %swap3A_101 {strides = array<i32>} : memref<10240xi32, #tpu.memory_space<vmem>>, vector<16xi32>,
    %add3A_102 = arith.constant 10096 : i32
    %add3A_103 = vector.broadcast %add3A_102 : i32 to vector<16xi32>
    %add3A_104 = arith.addi %iota3A, %add3A_103 : vector<16xi32>
    %swap3A_105 = arith.constant 10064 : index
    %swap3A_106 = tpu.vector_load %arg8[%swap3A_105] {strides = array<i32>} : memref<10240xi32, #tpu.memory_space<vmem>>, vector<16xi32>,
    %swap3A_107 = vector.shape_cast %swap3A_106 : vector<16xi32> to vector<16xi32>
    %swap3A_108 = vector.shape_cast %add3A_104 : vector<16xi32> to vector<16xi32>
    tpu.vector_store %arg8[%swap3A_105], %swap3A_108 {strides = array<i32>} : memref<10240xi32, #tpu.memory_space<vmem>>, vector<16xi32>,
    %mul3A_109 = arith.constant 16 : i32
    %mul3A_110 = arith.muli %arg1, %mul3A_109 : i32
    %add3A_111 = vector.broadcast %mul3A_110 : i32 to vector<16xi32>
    %add3A_112 = arith.addi %iota3A, %add3A_111 : vector<16xi32>
    %swap3A_113 = arith.constant 10080 : index
    %swap3A_114 = tpu.vector_load %arg7[%swap3A_113] {strides = array<i32>} : memref<10240xi32, #tpu.memory_space<vmem>>, vector<16xi32>,
    %swap3A_115 = vector.shape_cast %swap3A_114 : vector<16xi32> to vector<16xi32>
    %swap3A_116 = vector.shape_cast %add3A_112 : vector<16xi32> to vector<16xi32>
    tpu.vector_store %arg7[%swap3A_113], %swap3A_116 {strides = array<i32>} : memref<10240xi32, #tpu.memory_space<vmem>>, vector<16xi32>,
    %add3A_117 = arith.constant 10096 : i32
    %add3A_118 = vector.broadcast %add3A_117 : i32 to vector<16xi32>
    %add3A_119 = arith.addi %iota3A, %add3A_118 : vector<16xi32>
    %swap3A_120 = arith.constant 10080 : index
    %swap3A_121 = tpu.vector_load %arg8[%swap3A_120] {strides = array<i32>} : memref<10240xi32, #tpu.memory_space<vmem>>, vector<16xi32>,
    %swap3A_122 = vector.shape_cast %swap3A_121 : vector<16xi32> to vector<16xi32>
    %swap3A_123 = vector.shape_cast %add3A_119 : vector<16xi32> to vector<16xi32>
    tpu.vector_store %arg8[%swap3A_120], %swap3A_123 {strides = array<i32>} : memref<10240xi32, #tpu.memory_space<vmem>>, vector<16xi32>,
    %mul3A_124 = arith.constant 16 : i32
    %mul3A_125 = arith.muli %arg1, %mul3A_124 : i32
    %add3A_126 = vector.broadcast %mul3A_125 : i32 to vector<16xi32>
    %add3A_127 = arith.addi %iota3A, %add3A_126 : vector<16xi32>
    %swap3A_128 = arith.constant 10096 : index
    %swap3A_129 = tpu.vector_load %arg7[%swap3A_128] {strides = array<i32>} : memref<10240xi32, #tpu.memory_space<vmem>>, vector<16xi32>,
    %swap3A_130 = vector.shape_cast %swap3A_129 : vector<16xi32> to vector<16xi32>
    %swap3A_131 = vector.shape_cast %add3A_127 : vector<16xi32> to vector<16xi32>
    tpu.vector_store %arg7[%swap3A_128], %swap3A_131 {strides = array<i32>} : memref<10240xi32, #tpu.memory_space<vmem>>, vector<16xi32>,
    %add3A_132 = arith.constant 10096 : i32
    %add3A_133 = vector.broadcast %add3A_132 : i32 to vector<16xi32>
    %add3A_134 = arith.addi %iota3A, %add3A_133 : vector<16xi32>
    %swap3A_135 = arith.constant 10096 : index
    %swap3A_136 = tpu.vector_load %arg8[%swap3A_135] {strides = array<i32>} : memref<10240xi32, #tpu.memory_space<vmem>>, vector<16xi32>,
    %swap3A_137 = vector.shape_cast %swap3A_136 : vector<16xi32> to vector<16xi32>
    %swap3A_138 = vector.shape_cast %add3A_134 : vector<16xi32> to vector<16xi32>
    tpu.vector_store %arg8[%swap3A_135], %swap3A_138 {strides = array<i32>} : memref<10240xi32, #tpu.memory_space<vmem>>, vector<16xi32>,
    %mul3A_139 = arith.constant 16 : i32
    %mul3A_140 = arith.muli %arg1, %mul3A_139 : i32
    %add3A_141 = vector.broadcast %mul3A_140 : i32 to vector<16xi32>
    %add3A_142 = arith.addi %iota3A, %add3A_141 : vector<16xi32>
    %swap3A_143 = arith.constant 10112 : index
    %swap3A_144 = tpu.vector_load %arg7[%swap3A_143] {strides = array<i32>} : memref<10240xi32, #tpu.memory_space<vmem>>, vector<16xi32>,
    %swap3A_145 = vector.shape_cast %swap3A_144 : vector<16xi32> to vector<16xi32>
    %swap3A_146 = vector.shape_cast %add3A_142 : vector<16xi32> to vector<16xi32>
    tpu.vector_store %arg7[%swap3A_143], %swap3A_146 {strides = array<i32>} : memref<10240xi32, #tpu.memory_space<vmem>>, vector<16xi32>,
    %add3A_147 = arith.constant 10096 : i32
    %add3A_148 = vector.broadcast %add3A_147 : i32 to vector<16xi32>
    %add3A_149 = arith.addi %iota3A, %add3A_148 : vector<16xi32>
    %swap3A_150 = arith.constant 10112 : index
    %swap3A_151 = tpu.vector_load %arg8[%swap3A_150] {strides = array<i32>} : memref<10240xi32, #tpu.memory_space<vmem>>, vector<16xi32>,
    %swap3A_152 = vector.shape_cast %swap3A_151 : vector<16xi32> to vector<16xi32>
    %swap3A_153 = vector.shape_cast %add3A_149 : vector<16xi32> to vector<16xi32>
    tpu.vector_store %arg8[%swap3A_150], %swap3A_153 {strides = array<i32>} : memref<10240xi32, #tpu.memory_space<vmem>>, vector<16xi32>,
    %mul3A_154 = arith.constant 16 : i32
    %mul3A_155 = arith.muli %arg1, %mul3A_154 : i32
    %add3A_156 = vector.broadcast %mul3A_155 : i32 to vector<16xi32>
    %add3A_157 = arith.addi %iota3A, %add3A_156 : vector<16xi32>
    %swap3A_158 = arith.constant 10128 : index
    %swap3A_159 = tpu.vector_load %arg7[%swap3A_158] {strides = array<i32>} : memref<10240xi32, #tpu.memory_space<vmem>>, vector<16xi32>,
    %swap3A_160 = vector.shape_cast %swap3A_159 : vector<16xi32> to vector<16xi32>
    %swap3A_161 = vector.shape_cast %add3A_157 : vector<16xi32> to vector<16xi32>
    tpu.vector_store %arg7[%swap3A_158], %swap3A_161 {strides = array<i32>} : memref<10240xi32, #tpu.memory_space<vmem>>, vector<16xi32>,
    %add3A_162 = arith.constant 10096 : i32
    %add3A_163 = vector.broadcast %add3A_162 : i32 to vector<16xi32>
    %add3A_164 = arith.addi %iota3A, %add3A_163 : vector<16xi32>
    %swap3A_165 = arith.constant 10128 : index
    %swap3A_166 = tpu.vector_load %arg8[%swap3A_165] {strides = array<i32>} : memref<10240xi32, #tpu.memory_space<vmem>>, vector<16xi32>,
    %swap3A_167 = vector.shape_cast %swap3A_166 : vector<16xi32> to vector<16xi32>
    %swap3A_168 = vector.shape_cast %add3A_164 : vector<16xi32> to vector<16xi32>
    tpu.vector_store %arg8[%swap3A_165], %swap3A_168 {strides = array<i32>} : memref<10240xi32, #tpu.memory_space<vmem>>, vector<16xi32>,
    %mul3A_169 = arith.constant 16 : i32
    %mul3A_170 = arith.muli %arg1, %mul3A_169 : i32
    %add3A_171 = vector.broadcast %mul3A_170 : i32 to vector<16xi32>
    %add3A_172 = arith.addi %iota3A, %add3A_171 : vector<16xi32>
    %swap3A_173 = arith.constant 10144 : index
    %swap3A_174 = tpu.vector_load %arg7[%swap3A_173] {strides = array<i32>} : memref<10240xi32, #tpu.memory_space<vmem>>, vector<16xi32>,
    %swap3A_175 = vector.shape_cast %swap3A_174 : vector<16xi32> to vector<16xi32>
    %swap3A_176 = vector.shape_cast %add3A_172 : vector<16xi32> to vector<16xi32>
    tpu.vector_store %arg7[%swap3A_173], %swap3A_176 {strides = array<i32>} : memref<10240xi32, #tpu.memory_space<vmem>>, vector<16xi32>,
    %add3A_177 = arith.constant 10096 : i32
    %add3A_178 = vector.broadcast %add3A_177 : i32 to vector<16xi32>
    %add3A_179 = arith.addi %iota3A, %add3A_178 : vector<16xi32>
    %swap3A_180 = arith.constant 10144 : index
    %swap3A_181 = tpu.vector_load %arg8[%swap3A_180] {strides = array<i32>} : memref<10240xi32, #tpu.memory_space<vmem>>, vector<16xi32>,
    %swap3A_182 = vector.shape_cast %swap3A_181 : vector<16xi32> to vector<16xi32>
    %swap3A_183 = vector.shape_cast %add3A_179 : vector<16xi32> to vector<16xi32>
    tpu.vector_store %arg8[%swap3A_180], %swap3A_183 {strides = array<i32>} : memref<10240xi32, #tpu.memory_space<vmem>>, vector<16xi32>,
    %mul3A_184 = arith.constant 16 : i32
    %mul3A_185 = arith.muli %arg1, %mul3A_184 : i32
    %add3A_186 = vector.broadcast %mul3A_185 : i32 to vector<16xi32>
    %add3A_187 = arith.addi %iota3A, %add3A_186 : vector<16xi32>
    %swap3A_188 = arith.constant 10160 : index
    %swap3A_189 = tpu.vector_load %arg7[%swap3A_188] {strides = array<i32>} : memref<10240xi32, #tpu.memory_space<vmem>>, vector<16xi32>,
    %swap3A_190 = vector.shape_cast %swap3A_189 : vector<16xi32> to vector<16xi32>
    %swap3A_191 = vector.shape_cast %add3A_187 : vector<16xi32> to vector<16xi32>
    tpu.vector_store %arg7[%swap3A_188], %swap3A_191 {strides = array<i32>} : memref<10240xi32, #tpu.memory_space<vmem>>, vector<16xi32>,
    %add3A_192 = arith.constant 10096 : i32
    %add3A_193 = vector.broadcast %add3A_192 : i32 to vector<16xi32>
    %add3A_194 = arith.addi %iota3A, %add3A_193 : vector<16xi32>
    %swap3A_195 = arith.constant 10160 : index
    %swap3A_196 = tpu.vector_load %arg8[%swap3A_195] {strides = array<i32>} : memref<10240xi32, #tpu.memory_space<vmem>>, vector<16xi32>,
    %swap3A_197 = vector.shape_cast %swap3A_196 : vector<16xi32> to vector<16xi32>
    %swap3A_198 = vector.shape_cast %add3A_194 : vector<16xi32> to vector<16xi32>
    tpu.vector_store %arg8[%swap3A_195], %swap3A_198 {strides = array<i32>} : memref<10240xi32, #tpu.memory_space<vmem>>, vector<16xi32>,
    %mul3A_199 = arith.constant 16 : i32
    %mul3A_200 = arith.muli %arg1, %mul3A_199 : i32
    %add3A_201 = vector.broadcast %mul3A_200 : i32 to vector<16xi32>
    %add3A_202 = arith.addi %iota3A, %add3A_201 : vector<16xi32>
    %swap3A_203 = arith.constant 10176 : index
    %swap3A_204 = tpu.vector_load %arg7[%swap3A_203] {strides = array<i32>} : memref<10240xi32, #tpu.memory_space<vmem>>, vector<16xi32>,
    %swap3A_205 = vector.shape_cast %swap3A_204 : vector<16xi32> to vector<16xi32>
    %swap3A_206 = vector.shape_cast %add3A_202 : vector<16xi32> to vector<16xi32>
    tpu.vector_store %arg7[%swap3A_203], %swap3A_206 {strides = array<i32>} : memref<10240xi32, #tpu.memory_space<vmem>>, vector<16xi32>,
    %add3A_207 = arith.constant 10096 : i32
    %add3A_208 = vector.broadcast %add3A_207 : i32 to vector<16xi32>
    %add3A_209 = arith.addi %iota3A, %add3A_208 : vector<16xi32>
    %swap3A_210 = arith.constant 10176 : index
    %swap3A_211 = tpu.vector_load %arg8[%swap3A_210] {strides = array<i32>} : memref<10240xi32, #tpu.memory_space<vmem>>, vector<16xi32>,
    %swap3A_212 = vector.shape_cast %swap3A_211 : vector<16xi32> to vector<16xi32>
    %swap3A_213 = vector.shape_cast %add3A_209 : vector<16xi32> to vector<16xi32>
    tpu.vector_store %arg8[%swap3A_210], %swap3A_213 {strides = array<i32>} : memref<10240xi32, #tpu.memory_space<vmem>>, vector<16xi32>,
    %mul3A_214 = arith.constant 16 : i32
    %mul3A_215 = arith.muli %arg1, %mul3A_214 : i32
    %add3A_216 = vector.broadcast %mul3A_215 : i32 to vector<16xi32>
    %add3A_217 = arith.addi %iota3A, %add3A_216 : vector<16xi32>
    %swap3A_218 = arith.constant 10192 : index
    %swap3A_219 = tpu.vector_load %arg7[%swap3A_218] {strides = array<i32>} : memref<10240xi32, #tpu.memory_space<vmem>>, vector<16xi32>,
    %swap3A_220 = vector.shape_cast %swap3A_219 : vector<16xi32> to vector<16xi32>
    %swap3A_221 = vector.shape_cast %add3A_217 : vector<16xi32> to vector<16xi32>
    tpu.vector_store %arg7[%swap3A_218], %swap3A_221 {strides = array<i32>} : memref<10240xi32, #tpu.memory_space<vmem>>, vector<16xi32>,
    %add3A_222 = arith.constant 10096 : i32
    %add3A_223 = vector.broadcast %add3A_222 : i32 to vector<16xi32>
    %add3A_224 = arith.addi %iota3A, %add3A_223 : vector<16xi32>
    %swap3A_225 = arith.constant 10192 : index
    %swap3A_226 = tpu.vector_load %arg8[%swap3A_225] {strides = array<i32>} : memref<10240xi32, #tpu.memory_space<vmem>>, vector<16xi32>,
    %swap3A_227 = vector.shape_cast %swap3A_226 : vector<16xi32> to vector<16xi32>
    %swap3A_228 = vector.shape_cast %add3A_224 : vector<16xi32> to vector<16xi32>
    tpu.vector_store %arg8[%swap3A_225], %swap3A_228 {strides = array<i32>} : memref<10240xi32, #tpu.memory_space<vmem>>, vector<16xi32>,
    %mul3A_229 = arith.constant 16 : i32
    %mul3A_230 = arith.muli %arg1, %mul3A_229 : i32
    %add3A_231 = vector.broadcast %mul3A_230 : i32 to vector<16xi32>
    %add3A_232 = arith.addi %iota3A, %add3A_231 : vector<16xi32>
    %swap3A_233 = arith.constant 10208 : index
    %swap3A_234 = tpu.vector_load %arg7[%swap3A_233] {strides = array<i32>} : memref<10240xi32, #tpu.memory_space<vmem>>, vector<16xi32>,
    %swap3A_235 = vector.shape_cast %swap3A_234 : vector<16xi32> to vector<16xi32>
    %swap3A_236 = vector.shape_cast %add3A_232 : vector<16xi32> to vector<16xi32>
    tpu.vector_store %arg7[%swap3A_233], %swap3A_236 {strides = array<i32>} : memref<10240xi32, #tpu.memory_space<vmem>>, vector<16xi32>,
    %add3A_237 = arith.constant 10096 : i32
    %add3A_238 = vector.broadcast %add3A_237 : i32 to vector<16xi32>
    %add3A_239 = arith.addi %iota3A, %add3A_238 : vector<16xi32>
    %swap3A_240 = arith.constant 10208 : index
    %swap3A_241 = tpu.vector_load %arg8[%swap3A_240] {strides = array<i32>} : memref<10240xi32, #tpu.memory_space<vmem>>, vector<16xi32>,
    %swap3A_242 = vector.shape_cast %swap3A_241 : vector<16xi32> to vector<16xi32>
    %swap3A_243 = vector.shape_cast %add3A_239 : vector<16xi32> to vector<16xi32>
    tpu.vector_store %arg8[%swap3A_240], %swap3A_243 {strides = array<i32>} : memref<10240xi32, #tpu.memory_space<vmem>>, vector<16xi32>,
    %mul3A_244 = arith.constant 16 : i32
    %mul3A_245 = arith.muli %arg1, %mul3A_244 : i32
    %add3A_246 = vector.broadcast %mul3A_245 : i32 to vector<16xi32>
    %add3A_247 = arith.addi %iota3A, %add3A_246 : vector<16xi32>
    %swap3A_248 = arith.constant 10224 : index
    %swap3A_249 = tpu.vector_load %arg7[%swap3A_248] {strides = array<i32>} : memref<10240xi32, #tpu.memory_space<vmem>>, vector<16xi32>,
    %swap3A_250 = vector.shape_cast %swap3A_249 : vector<16xi32> to vector<16xi32>
    %swap3A_251 = vector.shape_cast %add3A_247 : vector<16xi32> to vector<16xi32>
    tpu.vector_store %arg7[%swap3A_248], %swap3A_251 {strides = array<i32>} : memref<10240xi32, #tpu.memory_space<vmem>>, vector<16xi32>,
    %add3A_252 = arith.constant 10096 : i32
    %add3A_253 = vector.broadcast %add3A_252 : i32 to vector<16xi32>
    %add3A_254 = arith.addi %iota3A, %add3A_253 : vector<16xi32>
    %swap3A_255 = arith.constant 10224 : index
    %swap3A_256 = tpu.vector_load %arg8[%swap3A_255] {strides = array<i32>} : memref<10240xi32, #tpu.memory_space<vmem>>, vector<16xi32>,
    %swap3A_257 = vector.shape_cast %swap3A_256 : vector<16xi32> to vector<16xi32>
    %swap3A_258 = vector.shape_cast %add3A_254 : vector<16xi32> to vector<16xi32>
    tpu.vector_store %arg8[%swap3A_255], %swap3A_258 {strides = array<i32>} : memref<10240xi32, #tpu.memory_space<vmem>>, vector<16xi32>,
    %barrier3A = arith.constant 0 : index
    tpu.barrier barrier_id(%barrier3A)
    %dma_start3A_259 = arith.constant 0 : i32
    %dma_start3A_260 = tpu.memref_slice %arg7[%dma_start3A_259] : memref<10240xi32, #tpu.memory_space<vmem>> -> memref<128xi32, #tpu.memory_space<vmem>>
    %dma_start3A_261 = arith.constant 0 : i32
    %dma_start3A_262 = arith.constant 0 : i32
    %dma_start3A_263 = tpu.memref_slice %arg2[%dma_start3A_261, %dma_start3A_262] : memref<10112x64xf32, #tpu.memory_space<hbm>> -> memref<10112x64xf32, #tpu.memory_space<hbm>>
    tpu.enqueue_indirect_dma source(%dma_start3A_263 : memref<10112x64xf32, #tpu.memory_space<hbm>>) target(%arg9 : memref<128x64xf32, #tpu.memory_space<vmem>>) offsets(%dma_start3A_260 : memref<128xi32, #tpu.memory_space<vmem>>) semaphore(%arg13 : memref<!tpu.dma_semaphore, #tpu.memory_space<semaphore_mem>>)
    %dma_start3A_264 = arith.constant 128 : i32
    %dma_start3A_265 = tpu.memref_slice %arg7[%dma_start3A_264] : memref<10240xi32, #tpu.memory_space<vmem>> -> memref<128xi32, #tpu.memory_space<vmem>>
    %dma_start3A_266 = arith.constant 0 : i32
    %dma_start3A_267 = arith.constant 0 : i32
    %dma_start3A_268 = tpu.memref_slice %arg2[%dma_start3A_266, %dma_start3A_267] : memref<10112x64xf32, #tpu.memory_space<hbm>> -> memref<10112x64xf32, #tpu.memory_space<hbm>>
    tpu.enqueue_indirect_dma source(%dma_start3A_268 : memref<10112x64xf32, #tpu.memory_space<hbm>>) target(%arg10 : memref<128x64xf32, #tpu.memory_space<vmem>>) offsets(%dma_start3A_265 : memref<128xi32, #tpu.memory_space<vmem>>) semaphore(%arg14 : memref<!tpu.dma_semaphore, #tpu.memory_space<semaphore_mem>>)
    %dma_start3A_269 = arith.constant 256 : i32
    %dma_start3A_270 = tpu.memref_slice %arg7[%dma_start3A_269] : memref<10240xi32, #tpu.memory_space<vmem>> -> memref<128xi32, #tpu.memory_space<vmem>>
    %dma_start3A_271 = arith.constant 0 : i32
    %dma_start3A_272 = arith.constant 0 : i32
    %dma_start3A_273 = tpu.memref_slice %arg2[%dma_start3A_271, %dma_start3A_272] : memref<10112x64xf32, #tpu.memory_space<hbm>> -> memref<10112x64xf32, #tpu.memory_space<hbm>>
    tpu.enqueue_indirect_dma source(%dma_start3A_273 : memref<10112x64xf32, #tpu.memory_space<hbm>>) target(%arg11 : memref<128x64xf32, #tpu.memory_space<vmem>>) offsets(%dma_start3A_270 : memref<128xi32, #tpu.memory_space<vmem>>) semaphore(%arg15 : memref<!tpu.dma_semaphore, #tpu.memory_space<semaphore_mem>>)
    %dma_start3A_274 = arith.constant 384 : i32
    %dma_start3A_275 = tpu.memref_slice %arg7[%dma_start3A_274] : memref<10240xi32, #tpu.memory_space<vmem>> -> memref<128xi32, #tpu.memory_space<vmem>>
    %dma_start3A_276 = arith.constant 0 : i32
    %dma_start3A_277 = arith.constant 0 : i32
    %dma_start3A_278 = tpu.memref_slice %arg2[%dma_start3A_276, %dma_start3A_277] : memref<10112x64xf32, #tpu.memory_space<hbm>> -> memref<10112x64xf32, #tpu.memory_space<hbm>>
    tpu.enqueue_indirect_dma source(%dma_start3A_278 : memref<10112x64xf32, #tpu.memory_space<hbm>>) target(%arg12 : memref<128x64xf32, #tpu.memory_space<vmem>>) offsets(%dma_start3A_275 : memref<128xi32, #tpu.memory_space<vmem>>) semaphore(%arg16 : memref<!tpu.dma_semaphore, #tpu.memory_space<semaphore_mem>>)
    %scan3A = arith.constant 0 : i32
    %scan3A_279 = arith.constant 20 : i32
    %scan3A_280 = arith.addi %scan3A, %scan3A_279 : i32
    %scan3A_281 = arith.constant 1 : i32
    scf.for %scan3A_304 = %scan3A to %scan3A_280 step %scan3A_281  : i32 {
      %mul3A_305 = arith.constant 4 : i32
      %mul3A_306 = arith.muli %scan3A_304, %mul3A_305 : i32
      %add3A_307 = arith.constant 0 : i32
      %add3A_308 = arith.addi %add3A_307, %mul3A_306 : i32
      %add3A_309 = arith.constant 0 : i32
      %add3A_310 = arith.addi %add3A_308, %add3A_309 : i32
      %mul3A_311 = arith.constant 128 : i32
      %mul3A_312 = arith.muli %add3A_310, %mul3A_311 : i32
      %dma_wait3A_313 = tpu.memref_slice %arg7[%mul3A_312] : memref<10240xi32, #tpu.memory_space<vmem>> -> memref<128xi32, #tpu.memory_space<vmem>>
      %dma_wait3A_314 = arith.constant 0 : i32
      %dma_wait3A_315 = arith.constant 0 : i32
      %dma_wait3A_316 = tpu.memref_slice %arg2[%dma_wait3A_314, %dma_wait3A_315] : memref<10112x64xf32, #tpu.memory_space<hbm>> -> memref<10112x64xf32, #tpu.memory_space<hbm>>
      tpu.wait_indirect_dma semaphore(%arg13 : memref<!tpu.dma_semaphore, #tpu.memory_space<semaphore_mem>>) src(%dma_wait3A_316 : memref<10112x64xf32, #tpu.memory_space<hbm>>) dst(%arg9 : memref<128x64xf32, #tpu.memory_space<vmem>>)
      %add3A_317 = arith.constant 0 : i32
      %add3A_318 = arith.addi %add3A_308, %add3A_317 : i32
      %mul3A_319 = arith.constant 128 : i32
      %mul3A_320 = arith.muli %add3A_318, %mul3A_319 : i32
      %dma_start3A_321 = tpu.memref_slice %arg8[%mul3A_320] : memref<10240xi32, #tpu.memory_space<vmem>> -> memref<128xi32, #tpu.memory_space<vmem>>
      %dma_start3A_322 = arith.constant 0 : i32
      %dma_start3A_323 = arith.constant 0 : i32
      %dma_start3A_324 = tpu.memref_slice %arg21[%dma_start3A_322, %dma_start3A_323] : memref<10112x64xf32, #tpu.memory_space<vmem_shared>> -> memref<10112x64xf32, #tpu.memory_space<vmem_shared>>
      tpu.enqueue_indirect_dma source(%arg9 : memref<128x64xf32, #tpu.memory_space<vmem>>) target(%dma_start3A_324 : memref<10112x64xf32, #tpu.memory_space<vmem_shared>>) offsets(%dma_start3A_321 : memref<128xi32, #tpu.memory_space<vmem>>) semaphore(%arg17 : memref<!tpu.dma_semaphore, #tpu.memory_space<semaphore_mem>>) {add = true}
      %add3A_325 = arith.constant 1 : i32
      %add3A_326 = arith.addi %add3A_308, %add3A_325 : i32
      %mul3A_327 = arith.constant 128 : i32
      %mul3A_328 = arith.muli %add3A_326, %mul3A_327 : i32
      %dma_wait3A_329 = tpu.memref_slice %arg7[%mul3A_328] : memref<10240xi32, #tpu.memory_space<vmem>> -> memref<128xi32, #tpu.memory_space<vmem>>
      %dma_wait3A_330 = arith.constant 0 : i32
      %dma_wait3A_331 = arith.constant 0 : i32
      %dma_wait3A_332 = tpu.memref_slice %arg2[%dma_wait3A_330, %dma_wait3A_331] : memref<10112x64xf32, #tpu.memory_space<hbm>> -> memref<10112x64xf32, #tpu.memory_space<hbm>>
      tpu.wait_indirect_dma semaphore(%arg14 : memref<!tpu.dma_semaphore, #tpu.memory_space<semaphore_mem>>) src(%dma_wait3A_332 : memref<10112x64xf32, #tpu.memory_space<hbm>>) dst(%arg10 : memref<128x64xf32, #tpu.memory_space<vmem>>)
      %add3A_333 = arith.constant 1 : i32
      %add3A_334 = arith.addi %add3A_308, %add3A_333 : i32
      %mul3A_335 = arith.constant 128 : i32
      %mul3A_336 = arith.muli %add3A_334, %mul3A_335 : i32
      %dma_start3A_337 = tpu.memref_slice %arg8[%mul3A_336] : memref<10240xi32, #tpu.memory_space<vmem>> -> memref<128xi32, #tpu.memory_space<vmem>>
      %dma_start3A_338 = arith.constant 0 : i32
      %dma_start3A_339 = arith.constant 0 : i32
      %dma_start3A_340 = tpu.memref_slice %arg21[%dma_start3A_338, %dma_start3A_339] : memref<10112x64xf32, #tpu.memory_space<vmem_shared>> -> memref<10112x64xf32, #tpu.memory_space<vmem_shared>>
      tpu.enqueue_indirect_dma source(%arg10 : memref<128x64xf32, #tpu.memory_space<vmem>>) target(%dma_start3A_340 : memref<10112x64xf32, #tpu.memory_space<vmem_shared>>) offsets(%dma_start3A_337 : memref<128xi32, #tpu.memory_space<vmem>>) semaphore(%arg18 : memref<!tpu.dma_semaphore, #tpu.memory_space<semaphore_mem>>) {add = true}
      %add3A_341 = arith.constant 2 : i32
      %add3A_342 = arith.addi %add3A_308, %add3A_341 : i32
      %mul3A_343 = arith.constant 128 : i32
      %mul3A_344 = arith.muli %add3A_342, %mul3A_343 : i32
      %dma_wait3A_345 = tpu.memref_slice %arg7[%mul3A_344] : memref<10240xi32, #tpu.memory_space<vmem>> -> memref<128xi32, #tpu.memory_space<vmem>>
      %dma_wait3A_346 = arith.constant 0 : i32
      %dma_wait3A_347 = arith.constant 0 : i32
      %dma_wait3A_348 = tpu.memref_slice %arg2[%dma_wait3A_346, %dma_wait3A_347] : memref<10112x64xf32, #tpu.memory_space<hbm>> -> memref<10112x64xf32, #tpu.memory_space<hbm>>
      tpu.wait_indirect_dma semaphore(%arg15 : memref<!tpu.dma_semaphore, #tpu.memory_space<semaphore_mem>>) src(%dma_wait3A_348 : memref<10112x64xf32, #tpu.memory_space<hbm>>) dst(%arg11 : memref<128x64xf32, #tpu.memory_space<vmem>>)
      %add3A_349 = arith.constant 2 : i32
      %add3A_350 = arith.addi %add3A_308, %add3A_349 : i32
      %mul3A_351 = arith.constant 128 : i32
      %mul3A_352 = arith.muli %add3A_350, %mul3A_351 : i32
      %dma_start3A_353 = tpu.memref_slice %arg8[%mul3A_352] : memref<10240xi32, #tpu.memory_space<vmem>> -> memref<128xi32, #tpu.memory_space<vmem>>
      %dma_start3A_354 = arith.constant 0 : i32
      %dma_start3A_355 = arith.constant 0 : i32
      %dma_start3A_356 = tpu.memref_slice %arg21[%dma_start3A_354, %dma_start3A_355] : memref<10112x64xf32, #tpu.memory_space<vmem_shared>> -> memref<10112x64xf32, #tpu.memory_space<vmem_shared>>
      tpu.enqueue_indirect_dma source(%arg11 : memref<128x64xf32, #tpu.memory_space<vmem>>) target(%dma_start3A_356 : memref<10112x64xf32, #tpu.memory_space<vmem_shared>>) offsets(%dma_start3A_353 : memref<128xi32, #tpu.memory_space<vmem>>) semaphore(%arg19 : memref<!tpu.dma_semaphore, #tpu.memory_space<semaphore_mem>>) {add = true}
      %add3A_357 = arith.constant 3 : i32
      %add3A_358 = arith.addi %add3A_308, %add3A_357 : i32
      %mul3A_359 = arith.constant 128 : i32
      %mul3A_360 = arith.muli %add3A_358, %mul3A_359 : i32
      %dma_wait3A_361 = tpu.memref_slice %arg7[%mul3A_360] : memref<10240xi32, #tpu.memory_space<vmem>> -> memref<128xi32, #tpu.memory_space<vmem>>
      %dma_wait3A_362 = arith.constant 0 : i32
      %dma_wait3A_363 = arith.constant 0 : i32
      %dma_wait3A_364 = tpu.memref_slice %arg2[%dma_wait3A_362, %dma_wait3A_363] : memref<10112x64xf32, #tpu.memory_space<hbm>> -> memref<10112x64xf32, #tpu.memory_space<hbm>>
      tpu.wait_indirect_dma semaphore(%arg16 : memref<!tpu.dma_semaphore, #tpu.memory_space<semaphore_mem>>) src(%dma_wait3A_364 : memref<10112x64xf32, #tpu.memory_space<hbm>>) dst(%arg12 : memref<128x64xf32, #tpu.memory_space<vmem>>)
      %add3A_365 = arith.constant 3 : i32
      %add3A_366 = arith.addi %add3A_308, %add3A_365 : i32
      %mul3A_367 = arith.constant 128 : i32
      %mul3A_368 = arith.muli %add3A_366, %mul3A_367 : i32
      %dma_start3A_369 = tpu.memref_slice %arg8[%mul3A_368] : memref<10240xi32, #tpu.memory_space<vmem>> -> memref<128xi32, #tpu.memory_space<vmem>>
      %dma_start3A_370 = arith.constant 0 : i32
      %dma_start3A_371 = arith.constant 0 : i32
      %dma_start3A_372 = tpu.memref_slice %arg21[%dma_start3A_370, %dma_start3A_371] : memref<10112x64xf32, #tpu.memory_space<vmem_shared>> -> memref<10112x64xf32, #tpu.memory_space<vmem_shared>>
      tpu.enqueue_indirect_dma source(%arg12 : memref<128x64xf32, #tpu.memory_space<vmem>>) target(%dma_start3A_372 : memref<10112x64xf32, #tpu.memory_space<vmem_shared>>) offsets(%dma_start3A_369 : memref<128xi32, #tpu.memory_space<vmem>>) semaphore(%arg20 : memref<!tpu.dma_semaphore, #tpu.memory_space<semaphore_mem>>) {add = true}
      %add3A_373 = arith.constant 0 : i32
      %add3A_374 = arith.addi %add3A_308, %add3A_373 : i32
      %add3A_375 = arith.constant 4 : i32
      %add3A_376 = arith.addi %add3A_374, %add3A_375 : i32
      %lt3A = arith.constant 80 : i32
      %lt3A_377 = arith.cmpi slt, %add3A_376, %lt3A : i32
      %convert_element_type3A = arith.extui %lt3A_377 : i1 to i32
      %cond3A = arith.constant 0 : i32
      %cond3A_378 = arith.cmpi ne, %convert_element_type3A, %cond3A : i32
      scf.if %cond3A_378 {
        %add3A_406 = arith.constant 0 : i32
        %add3A_407 = arith.addi %add3A_308, %add3A_406 : i32
        %mul3A_408 = arith.constant 128 : i32
        %mul3A_409 = arith.muli %add3A_407, %mul3A_408 : i32
        %dma_wait3A_410 = tpu.memref_slice %arg8[%mul3A_409] : memref<10240xi32, #tpu.memory_space<vmem>> -> memref<128xi32, #tpu.memory_space<vmem>>
        %dma_wait3A_411 = arith.constant 0 : i32
        %dma_wait3A_412 = arith.constant 0 : i32
        %dma_wait3A_413 = tpu.memref_slice %arg21[%dma_wait3A_411, %dma_wait3A_412] : memref<10112x64xf32, #tpu.memory_space<vmem_shared>> -> memref<10112x64xf32, #tpu.memory_space<vmem_shared>>
        tpu.wait_indirect_dma semaphore(%arg17 : memref<!tpu.dma_semaphore, #tpu.memory_space<semaphore_mem>>) src(%arg9 : memref<128x64xf32, #tpu.memory_space<vmem>>) dst(%dma_wait3A_413 : memref<10112x64xf32, #tpu.memory_space<vmem_shared>>)
        %add3A_414 = arith.constant 0 : i32
        %add3A_415 = arith.addi %add3A_308, %add3A_414 : i32
        %add3A_416 = arith.constant 4 : i32
        %add3A_417 = arith.addi %add3A_415, %add3A_416 : i32
        %mul3A_418 = arith.constant 128 : i32
        %mul3A_419 = arith.muli %add3A_417, %mul3A_418 : i32
        %dma_start3A_420 = tpu.memref_slice %arg7[%mul3A_419] : memref<10240xi32, #tpu.memory_space<vmem>> -> memref<128xi32, #tpu.memory_space<vmem>>
        %dma_start3A_421 = arith.constant 0 : i32
        %dma_start3A_422 = arith.constant 0 : i32
        %dma_start3A_423 = tpu.memref_slice %arg2[%dma_start3A_421, %dma_start3A_422] : memref<10112x64xf32, #tpu.memory_space<hbm>> -> memref<10112x64xf32, #tpu.memory_space<hbm>>
        tpu.enqueue_indirect_dma source(%dma_start3A_423 : memref<10112x64xf32, #tpu.memory_space<hbm>>) target(%arg9 : memref<128x64xf32, #tpu.memory_space<vmem>>) offsets(%dma_start3A_420 : memref<128xi32, #tpu.memory_space<vmem>>) semaphore(%arg13 : memref<!tpu.dma_semaphore, #tpu.memory_space<semaphore_mem>>)
      } else {
      }
      %add3A_379 = arith.constant 1 : i32
      %add3A_380 = arith.addi %add3A_308, %add3A_379 : i32
      %add3A_381 = arith.constant 4 : i32
      %add3A_382 = arith.addi %add3A_380, %add3A_381 : i32
      %lt3A_383 = arith.constant 80 : i32
      %lt3A_384 = arith.cmpi slt, %add3A_382, %lt3A_383 : i32
      %convert_element_type3A_385 = arith.extui %lt3A_384 : i1 to i32
      %cond3A_386 = arith.constant 0 : i32
      %cond3A_387 = arith.cmpi ne, %convert_element_type3A_385, %cond3A_386 : i32
      scf.if %cond3A_387 {
        %add3A_406 = arith.constant 1 : i32
        %add3A_407 = arith.addi %add3A_308, %add3A_406 : i32
        %mul3A_408 = arith.constant 128 : i32
        %mul3A_409 = arith.muli %add3A_407, %mul3A_408 : i32
        %dma_wait3A_410 = tpu.memref_slice %arg8[%mul3A_409] : memref<10240xi32, #tpu.memory_space<vmem>> -> memref<128xi32, #tpu.memory_space<vmem>>
        %dma_wait3A_411 = arith.constant 0 : i32
        %dma_wait3A_412 = arith.constant 0 : i32
        %dma_wait3A_413 = tpu.memref_slice %arg21[%dma_wait3A_411, %dma_wait3A_412] : memref<10112x64xf32, #tpu.memory_space<vmem_shared>> -> memref<10112x64xf32, #tpu.memory_space<vmem_shared>>
        tpu.wait_indirect_dma semaphore(%arg18 : memref<!tpu.dma_semaphore, #tpu.memory_space<semaphore_mem>>) src(%arg10 : memref<128x64xf32, #tpu.memory_space<vmem>>) dst(%dma_wait3A_413 : memref<10112x64xf32, #tpu.memory_space<vmem_shared>>)
        %add3A_414 = arith.constant 1 : i32
        %add3A_415 = arith.addi %add3A_308, %add3A_414 : i32
        %add3A_416 = arith.constant 4 : i32
        %add3A_417 = arith.addi %add3A_415, %add3A_416 : i32
        %mul3A_418 = arith.constant 128 : i32
        %mul3A_419 = arith.muli %add3A_417, %mul3A_418 : i32
        %dma_start3A_420 = tpu.memref_slice %arg7[%mul3A_419] : memref<10240xi32, #tpu.memory_space<vmem>> -> memref<128xi32, #tpu.memory_space<vmem>>
        %dma_start3A_421 = arith.constant 0 : i32
        %dma_start3A_422 = arith.constant 0 : i32
        %dma_start3A_423 = tpu.memref_slice %arg2[%dma_start3A_421, %dma_start3A_422] : memref<10112x64xf32, #tpu.memory_space<hbm>> -> memref<10112x64xf32, #tpu.memory_space<hbm>>
        tpu.enqueue_indirect_dma source(%dma_start3A_423 : memref<10112x64xf32, #tpu.memory_space<hbm>>) target(%arg10 : memref<128x64xf32, #tpu.memory_space<vmem>>) offsets(%dma_start3A_420 : memref<128xi32, #tpu.memory_space<vmem>>) semaphore(%arg14 : memref<!tpu.dma_semaphore, #tpu.memory_space<semaphore_mem>>)
      } else {
      }
      %add3A_388 = arith.constant 2 : i32
      %add3A_389 = arith.addi %add3A_308, %add3A_388 : i32
      %add3A_390 = arith.constant 4 : i32
      %add3A_391 = arith.addi %add3A_389, %add3A_390 : i32
      %lt3A_392 = arith.constant 80 : i32
      %lt3A_393 = arith.cmpi slt, %add3A_391, %lt3A_392 : i32
      %convert_element_type3A_394 = arith.extui %lt3A_393 : i1 to i32
      %cond3A_395 = arith.constant 0 : i32
      %cond3A_396 = arith.cmpi ne, %convert_element_type3A_394, %cond3A_395 : i32
      scf.if %cond3A_396 {
        %add3A_406 = arith.constant 2 : i32
        %add3A_407 = arith.addi %add3A_308, %add3A_406 : i32
        %mul3A_408 = arith.constant 128 : i32
        %mul3A_409 = arith.muli %add3A_407, %mul3A_408 : i32
        %dma_wait3A_410 = tpu.memref_slice %arg8[%mul3A_409] : memref<10240xi32, #tpu.memory_space<vmem>> -> memref<128xi32, #tpu.memory_space<vmem>>
        %dma_wait3A_411 = arith.constant 0 : i32
        %dma_wait3A_412 = arith.constant 0 : i32
        %dma_wait3A_413 = tpu.memref_slice %arg21[%dma_wait3A_411, %dma_wait3A_412] : memref<10112x64xf32, #tpu.memory_space<vmem_shared>> -> memref<10112x64xf32, #tpu.memory_space<vmem_shared>>
        tpu.wait_indirect_dma semaphore(%arg19 : memref<!tpu.dma_semaphore, #tpu.memory_space<semaphore_mem>>) src(%arg11 : memref<128x64xf32, #tpu.memory_space<vmem>>) dst(%dma_wait3A_413 : memref<10112x64xf32, #tpu.memory_space<vmem_shared>>)
        %add3A_414 = arith.constant 2 : i32
        %add3A_415 = arith.addi %add3A_308, %add3A_414 : i32
        %add3A_416 = arith.constant 4 : i32
        %add3A_417 = arith.addi %add3A_415, %add3A_416 : i32
        %mul3A_418 = arith.constant 128 : i32
        %mul3A_419 = arith.muli %add3A_417, %mul3A_418 : i32
        %dma_start3A_420 = tpu.memref_slice %arg7[%mul3A_419] : memref<10240xi32, #tpu.memory_space<vmem>> -> memref<128xi32, #tpu.memory_space<vmem>>
        %dma_start3A_421 = arith.constant 0 : i32
        %dma_start3A_422 = arith.constant 0 : i32
        %dma_start3A_423 = tpu.memref_slice %arg2[%dma_start3A_421, %dma_start3A_422] : memref<10112x64xf32, #tpu.memory_space<hbm>> -> memref<10112x64xf32, #tpu.memory_space<hbm>>
        tpu.enqueue_indirect_dma source(%dma_start3A_423 : memref<10112x64xf32, #tpu.memory_space<hbm>>) target(%arg11 : memref<128x64xf32, #tpu.memory_space<vmem>>) offsets(%dma_start3A_420 : memref<128xi32, #tpu.memory_space<vmem>>) semaphore(%arg15 : memref<!tpu.dma_semaphore, #tpu.memory_space<semaphore_mem>>)
      } else {
      }
      %add3A_397 = arith.constant 3 : i32
      %add3A_398 = arith.addi %add3A_308, %add3A_397 : i32
      %add3A_399 = arith.constant 4 : i32
      %add3A_400 = arith.addi %add3A_398, %add3A_399 : i32
      %lt3A_401 = arith.constant 80 : i32
      %lt3A_402 = arith.cmpi slt, %add3A_400, %lt3A_401 : i32
      %convert_element_type3A_403 = arith.extui %lt3A_402 : i1 to i32
      %cond3A_404 = arith.constant 0 : i32
      %cond3A_405 = arith.cmpi ne, %convert_element_type3A_403, %cond3A_404 : i32
      scf.if %cond3A_405 {
        %add3A_406 = arith.constant 3 : i32
        %add3A_407 = arith.addi %add3A_308, %add3A_406 : i32
        %mul3A_408 = arith.constant 128 : i32
        %mul3A_409 = arith.muli %add3A_407, %mul3A_408 : i32
        %dma_wait3A_410 = tpu.memref_slice %arg8[%mul3A_409] : memref<10240xi32, #tpu.memory_space<vmem>> -> memref<128xi32, #tpu.memory_space<vmem>>
        %dma_wait3A_411 = arith.constant 0 : i32
        %dma_wait3A_412 = arith.constant 0 : i32
        %dma_wait3A_413 = tpu.memref_slice %arg21[%dma_wait3A_411, %dma_wait3A_412] : memref<10112x64xf32, #tpu.memory_space<vmem_shared>> -> memref<10112x64xf32, #tpu.memory_space<vmem_shared>>
        tpu.wait_indirect_dma semaphore(%arg20 : memref<!tpu.dma_semaphore, #tpu.memory_space<semaphore_mem>>) src(%arg12 : memref<128x64xf32, #tpu.memory_space<vmem>>) dst(%dma_wait3A_413 : memref<10112x64xf32, #tpu.memory_space<vmem_shared>>)
        %add3A_414 = arith.constant 3 : i32
        %add3A_415 = arith.addi %add3A_308, %add3A_414 : i32
        %add3A_416 = arith.constant 4 : i32
        %add3A_417 = arith.addi %add3A_415, %add3A_416 : i32
        %mul3A_418 = arith.constant 128 : i32
        %mul3A_419 = arith.muli %add3A_417, %mul3A_418 : i32
        %dma_start3A_420 = tpu.memref_slice %arg7[%mul3A_419] : memref<10240xi32, #tpu.memory_space<vmem>> -> memref<128xi32, #tpu.memory_space<vmem>>
        %dma_start3A_421 = arith.constant 0 : i32
        %dma_start3A_422 = arith.constant 0 : i32
        %dma_start3A_423 = tpu.memref_slice %arg2[%dma_start3A_421, %dma_start3A_422] : memref<10112x64xf32, #tpu.memory_space<hbm>> -> memref<10112x64xf32, #tpu.memory_space<hbm>>
        tpu.enqueue_indirect_dma source(%dma_start3A_423 : memref<10112x64xf32, #tpu.memory_space<hbm>>) target(%arg12 : memref<128x64xf32, #tpu.memory_space<vmem>>) offsets(%dma_start3A_420 : memref<128xi32, #tpu.memory_space<vmem>>) semaphore(%arg16 : memref<!tpu.dma_semaphore, #tpu.memory_space<semaphore_mem>>)
      } else {
      }
    }
    %scan3A_282 = arith.constant 20 : i32
    %dma_wait3A_283 = arith.constant 9728 : i32
    %dma_wait3A_284 = tpu.memref_slice %arg8[%dma_wait3A_283] : memref<10240xi32, #tpu.memory_space<vmem>> -> memref<128xi32, #tpu.memory_space<vmem>>
    %dma_wait3A_285 = arith.constant 0 : i32
    %dma_wait3A_286 = arith.constant 0 : i32
    %dma_wait3A_287 = tpu.memref_slice %arg21[%dma_wait3A_285, %dma_wait3A_286] : memref<10112x64xf32, #tpu.memory_space<vmem_shared>> -> memref<10112x64xf32, #tpu.memory_space<vmem_shared>>
    tpu.wait_indirect_dma semaphore(%arg17 : memref<!tpu.dma_semaphore, #tpu.memory_space<semaphore_mem>>) src(%arg9 : memref<128x64xf32, #tpu.memory_space<vmem>>) dst(%dma_wait3A_287 : memref<10112x64xf32, #tpu.memory_space<vmem_shared>>)
    %dma_wait3A_288 = arith.constant 9856 : i32
    %dma_wait3A_289 = tpu.memref_slice %arg8[%dma_wait3A_288] : memref<10240xi32, #tpu.memory_space<vmem>> -> memref<128xi32, #tpu.memory_space<vmem>>
    %dma_wait3A_290 = arith.constant 0 : i32
    %dma_wait3A_291 = arith.constant 0 : i32
    %dma_wait3A_292 = tpu.memref_slice %arg21[%dma_wait3A_290, %dma_wait3A_291] : memref<10112x64xf32, #tpu.memory_space<vmem_shared>> -> memref<10112x64xf32, #tpu.memory_space<vmem_shared>>
    tpu.wait_indirect_dma semaphore(%arg18 : memref<!tpu.dma_semaphore, #tpu.memory_space<semaphore_mem>>) src(%arg10 : memref<128x64xf32, #tpu.memory_space<vmem>>) dst(%dma_wait3A_292 : memref<10112x64xf32, #tpu.memory_space<vmem_shared>>)
    %dma_wait3A_293 = arith.constant 9984 : i32
    %dma_wait3A_294 = tpu.memref_slice %arg8[%dma_wait3A_293] : memref<10240xi32, #tpu.memory_space<vmem>> -> memref<128xi32, #tpu.memory_space<vmem>>
    %dma_wait3A_295 = arith.constant 0 : i32
    %dma_wait3A_296 = arith.constant 0 : i32
    %dma_wait3A_297 = tpu.memref_slice %arg21[%dma_wait3A_295, %dma_wait3A_296] : memref<10112x64xf32, #tpu.memory_space<vmem_shared>> -> memref<10112x64xf32, #tpu.memory_space<vmem_shared>>
    tpu.wait_indirect_dma semaphore(%arg19 : memref<!tpu.dma_semaphore, #tpu.memory_space<semaphore_mem>>) src(%arg11 : memref<128x64xf32, #tpu.memory_space<vmem>>) dst(%dma_wait3A_297 : memref<10112x64xf32, #tpu.memory_space<vmem_shared>>)
    %dma_wait3A_298 = arith.constant 10112 : i32
    %dma_wait3A_299 = tpu.memref_slice %arg8[%dma_wait3A_298] : memref<10240xi32, #tpu.memory_space<vmem>> -> memref<128xi32, #tpu.memory_space<vmem>>
    %dma_wait3A_300 = arith.constant 0 : i32
    %dma_wait3A_301 = arith.constant 0 : i32
    %dma_wait3A_302 = tpu.memref_slice %arg21[%dma_wait3A_300, %dma_wait3A_301] : memref<10112x64xf32, #tpu.memory_space<vmem_shared>> -> memref<10112x64xf32, #tpu.memory_space<vmem_shared>>
    tpu.wait_indirect_dma semaphore(%arg20 : memref<!tpu.dma_semaphore, #tpu.memory_space<semaphore_mem>>) src(%arg12 : memref<128x64xf32, #tpu.memory_space<vmem>>) dst(%dma_wait3A_302 : memref<10112x64xf32, #tpu.memory_space<vmem_shared>>)
    %barrier3A_303 = arith.constant 0 : index
    tpu.barrier barrier_id(%barrier3A_303)
    "tpu.region"() ({
      %run_scoped3A = tpu.sem_alloc : memref<!tpu.dma_semaphore, #tpu.memory_space<semaphore_mem>>
      %dma_start3A_304 = arith.constant 0 : i32
      %dma_start3A_305 = tpu.memref_slice %arg6[%arg0, %mul3A_2, %dma_start3A_304] : memref<2x10112x64xf32, #tpu.memory_space<hbm>> -> memref<1x632x64xf32, #tpu.memory_space<hbm>>
      %dma_start3A_306 = tpu.memref_squeeze %dma_start3A_305 : memref<1x632x64xf32, #tpu.memory_space<hbm>> -> memref<632x64xf32, #tpu.memory_space<hbm>>
      %dma_start3A_307 = arith.constant 0 : i32
      %dma_start3A_308 = tpu.memref_slice %arg21[%mul3A_2, %dma_start3A_307] : memref<10112x64xf32, #tpu.memory_space<vmem_shared>> -> memref<632x64xf32, #tpu.memory_space<vmem_shared>>
      tpu.enqueue_dma source(%dma_start3A_308 : memref<632x64xf32, #tpu.memory_space<vmem_shared>>) target(%dma_start3A_306 : memref<632x64xf32, #tpu.memory_space<hbm>>) target_semaphore(%run_scoped3A : memref<!tpu.dma_semaphore, #tpu.memory_space<semaphore_mem>>)
      %dma_wait3A_309 = arith.constant 0 : i32
      %dma_wait3A_310 = tpu.memref_slice %arg6[%arg0, %mul3A_2, %dma_wait3A_309] : memref<2x10112x64xf32, #tpu.memory_space<hbm>> -> memref<1x632x64xf32, #tpu.memory_space<hbm>>
      %dma_wait3A_311 = tpu.memref_squeeze %dma_wait3A_310 : memref<1x632x64xf32, #tpu.memory_space<hbm>> -> memref<632x64xf32, #tpu.memory_space<hbm>>
      %dma_wait3A_312 = arith.constant 0 : i32
      %dma_wait3A_313 = tpu.memref_slice %arg21[%mul3A_2, %dma_wait3A_312] : memref<10112x64xf32, #tpu.memory_space<vmem_shared>> -> memref<632x64xf32, #tpu.memory_space<vmem_shared>>
      tpu.wait_dma2 semaphore(%run_scoped3A : memref<!tpu.dma_semaphore, #tpu.memory_space<semaphore_mem>>) src(%dma_wait3A_313 : memref<632x64xf32, #tpu.memory_space<vmem_shared>>) dst(%dma_wait3A_311 : memref<632x64xf32, #tpu.memory_space<hbm>>)
      tpu.yield
    }) : () -> ()
    return
  }
}

#map = affine_map<(d0, d1) -> (0, 0)>
#map1 = affine_map<(d0, d1) -> (0)>
#map2 = affine_map<(d0, d1) -> (0, 0, 0)>
module attributes {stable_mosaic.version = 14 : i64} {
  func.func @body(%arg0: i32, %arg1: i32, %arg2: memref<10112x16xf32, #tpu.memory_space<hbm>>, %arg3: memref<320000xi32, #tpu.memory_space<hbm>>, %arg4: memref<320000xi32, #tpu.memory_space<hbm>>, %arg5: memref<10112x16xf32, #tpu.memory_space<hbm>>, %arg6: memref<2x10112x16xf32, #tpu.memory_space<hbm>>, %arg7: memref<10240xi32, #tpu.memory_space<vmem>>, %arg8: memref<10240xi32, #tpu.memory_space<vmem>>, %arg9: memref<128x16xf32, #tpu.memory_space<vmem>>, %arg10: memref<128x16xf32, #tpu.memory_space<vmem>>, %arg11: memref<128x16xf32, #tpu.memory_space<vmem>>, %arg12: memref<128x16xf32, #tpu.memory_space<vmem>>, %arg13: memref<!tpu.dma_semaphore, #tpu.memory_space<semaphore_mem>>, %arg14: memref<!tpu.dma_semaphore, #tpu.memory_space<semaphore_mem>>, %arg15: memref<!tpu.dma_semaphore, #tpu.memory_space<semaphore_mem>>, %arg16: memref<!tpu.dma_semaphore, #tpu.memory_space<semaphore_mem>>, %arg17: memref<!tpu.dma_semaphore, #tpu.memory_space<semaphore_mem>>, %arg18: memref<!tpu.dma_semaphore, #tpu.memory_space<semaphore_mem>>, %arg19: memref<!tpu.dma_semaphore, #tpu.memory_space<semaphore_mem>>, %arg20: memref<!tpu.dma_semaphore, #tpu.memory_space<semaphore_mem>>, %arg21: memref<10112x16xf32, #tpu.memory_space<vmem_shared>>) attributes {dimension_semantics = [#tpu.dimension_semantics<core_parallel>, #tpu.dimension_semantics<subcore_parallel>], iteration_bounds = array<i64: 2, 16>, scalar_prefetch = 0 : i64, scratch_operands = 15 : i64, tpu.core_type = #tpu.core_type<sc_vector_subcore>, window_params = [{transform_indices = #map}, {transform_indices = #map1}, {transform_indices = #map1}, {transform_indices = #map}, {transform_indices = #map2}]} {
    %mul3A = arith.constant 16 : i32
    %mul3A_0 = arith.muli %arg0, %mul3A : i32
    %add3A = arith.addi %mul3A_0, %arg1 : i32
    %mul3A_1 = arith.constant 632 : i32
    %mul3A_2 = arith.muli %arg1, %mul3A_1 : i32
    %mul3A_3 = arith.constant 10000 : i32
    %mul3A_4 = arith.muli %add3A, %mul3A_3 : i32
    %dma_start3A = arith.constant 0 : i32
    %dma_start3A_5 = tpu.memref_slice %arg21[%mul3A_2, %dma_start3A] : memref<10112x16xf32, #tpu.memory_space<vmem_shared>> -> memref<632x16xf32, #tpu.memory_space<vmem_shared>>
    %dma_start3A_6 = arith.constant 0 : i32
    %dma_start3A_7 = tpu.memref_slice %arg5[%mul3A_2, %dma_start3A_6] : memref<10112x16xf32, #tpu.memory_space<hbm>> -> memref<632x16xf32, #tpu.memory_space<hbm>>
    tpu.enqueue_dma source(%dma_start3A_7 : memref<632x16xf32, #tpu.memory_space<hbm>>) target(%dma_start3A_5 : memref<632x16xf32, #tpu.memory_space<vmem_shared>>) target_semaphore(%arg13 : memref<!tpu.dma_semaphore, #tpu.memory_space<semaphore_mem>>)
    %dma_start3A_8 = arith.constant 0 : i32
    %dma_start3A_9 = tpu.memref_slice %arg7[%dma_start3A_8] : memref<10240xi32, #tpu.memory_space<vmem>> -> memref<10000xi32, #tpu.memory_space<vmem>>
    %dma_start3A_10 = tpu.memref_slice %arg3[%mul3A_4] : memref<320000xi32, #tpu.memory_space<hbm>> -> memref<10000xi32, #tpu.memory_space<hbm>>
    %dma_start3A_11 = arith.constant 0 : i32
    %dma_start3A_12 = tpu.memref_slice %arg7[%dma_start3A_11] : memref<10240xi32, #tpu.memory_space<vmem>> -> memref<10000xi32, #tpu.memory_space<vmem>>
    %dma_start3A_13 = tpu.memref_slice %arg3[%mul3A_4] : memref<320000xi32, #tpu.memory_space<hbm>> -> memref<10000xi32, #tpu.memory_space<hbm>>
    tpu.enqueue_dma source(%dma_start3A_13 : memref<10000xi32, #tpu.memory_space<hbm>>) target(%dma_start3A_12 : memref<10000xi32, #tpu.memory_space<vmem>>) target_semaphore(%arg14 : memref<!tpu.dma_semaphore, #tpu.memory_space<semaphore_mem>>)
    %dma_start3A_14 = arith.constant 0 : i32
    %dma_start3A_15 = tpu.memref_slice %arg8[%dma_start3A_14] : memref<10240xi32, #tpu.memory_space<vmem>> -> memref<10000xi32, #tpu.memory_space<vmem>>
    %dma_start3A_16 = tpu.memref_slice %arg4[%mul3A_4] : memref<320000xi32, #tpu.memory_space<hbm>> -> memref<10000xi32, #tpu.memory_space<hbm>>
    %dma_start3A_17 = arith.constant 0 : i32
    %dma_start3A_18 = tpu.memref_slice %arg8[%dma_start3A_17] : memref<10240xi32, #tpu.memory_space<vmem>> -> memref<10000xi32, #tpu.memory_space<vmem>>
    %dma_start3A_19 = tpu.memref_slice %arg4[%mul3A_4] : memref<320000xi32, #tpu.memory_space<hbm>> -> memref<10000xi32, #tpu.memory_space<hbm>>
    tpu.enqueue_dma source(%dma_start3A_19 : memref<10000xi32, #tpu.memory_space<hbm>>) target(%dma_start3A_18 : memref<10000xi32, #tpu.memory_space<vmem>>) target_semaphore(%arg15 : memref<!tpu.dma_semaphore, #tpu.memory_space<semaphore_mem>>)
    %dma_wait3A = arith.constant 0 : i32
    %dma_wait3A_20 = tpu.memref_slice %arg21[%mul3A_2, %dma_wait3A] : memref<10112x16xf32, #tpu.memory_space<vmem_shared>> -> memref<632x16xf32, #tpu.memory_space<vmem_shared>>
    %dma_wait3A_21 = arith.constant 0 : i32
    %dma_wait3A_22 = tpu.memref_slice %arg5[%mul3A_2, %dma_wait3A_21] : memref<10112x16xf32, #tpu.memory_space<hbm>> -> memref<632x16xf32, #tpu.memory_space<hbm>>
    tpu.wait_dma2 semaphore(%arg13 : memref<!tpu.dma_semaphore, #tpu.memory_space<semaphore_mem>>) src(%dma_wait3A_22 : memref<632x16xf32, #tpu.memory_space<hbm>>) dst(%dma_wait3A_20 : memref<632x16xf32, #tpu.memory_space<vmem_shared>>)
    %dma_wait3A_23 = arith.constant 0 : i32
    %dma_wait3A_24 = tpu.memref_slice %arg7[%dma_wait3A_23] : memref<10240xi32, #tpu.memory_space<vmem>> -> memref<10000xi32, #tpu.memory_space<vmem>>
    %dma_wait3A_25 = tpu.memref_slice %arg3[%mul3A_4] : memref<320000xi32, #tpu.memory_space<hbm>> -> memref<10000xi32, #tpu.memory_space<hbm>>
    %dma_wait3A_26 = arith.constant 0 : i32
    %dma_wait3A_27 = tpu.memref_slice %arg7[%dma_wait3A_26] : memref<10240xi32, #tpu.memory_space<vmem>> -> memref<10000xi32, #tpu.memory_space<vmem>>
    %dma_wait3A_28 = tpu.memref_slice %arg3[%mul3A_4] : memref<320000xi32, #tpu.memory_space<hbm>> -> memref<10000xi32, #tpu.memory_space<hbm>>
    tpu.wait_dma2 semaphore(%arg14 : memref<!tpu.dma_semaphore, #tpu.memory_space<semaphore_mem>>) src(%dma_wait3A_28 : memref<10000xi32, #tpu.memory_space<hbm>>) dst(%dma_wait3A_27 : memref<10000xi32, #tpu.memory_space<vmem>>)
    %dma_wait3A_29 = arith.constant 0 : i32
    %dma_wait3A_30 = tpu.memref_slice %arg8[%dma_wait3A_29] : memref<10240xi32, #tpu.memory_space<vmem>> -> memref<10000xi32, #tpu.memory_space<vmem>>
    %dma_wait3A_31 = tpu.memref_slice %arg4[%mul3A_4] : memref<320000xi32, #tpu.memory_space<hbm>> -> memref<10000xi32, #tpu.memory_space<hbm>>
    %dma_wait3A_32 = arith.constant 0 : i32
    %dma_wait3A_33 = tpu.memref_slice %arg8[%dma_wait3A_32] : memref<10240xi32, #tpu.memory_space<vmem>> -> memref<10000xi32, #tpu.memory_space<vmem>>
    %dma_wait3A_34 = tpu.memref_slice %arg4[%mul3A_4] : memref<320000xi32, #tpu.memory_space<hbm>> -> memref<10000xi32, #tpu.memory_space<hbm>>
    tpu.wait_dma2 semaphore(%arg15 : memref<!tpu.dma_semaphore, #tpu.memory_space<semaphore_mem>>) src(%dma_wait3A_34 : memref<10000xi32, #tpu.memory_space<hbm>>) dst(%dma_wait3A_33 : memref<10000xi32, #tpu.memory_space<vmem>>)
    %iota3A = tpu.iota {dimensions = array<i32: 0>} : vector<16xi32>
    %mul3A_35 = arith.constant 16 : i32
    %mul3A_36 = arith.muli %arg1, %mul3A_35 : i32
    %add3A_37 = vector.broadcast %mul3A_36 : i32 to vector<16xi32>
    %add3A_38 = arith.addi %iota3A, %add3A_37 : vector<16xi32>
    %swap3A = arith.constant 10000 : index
    %swap3A_39 = tpu.vector_load %arg7[%swap3A] {strides = array<i32>} : memref<10240xi32, #tpu.memory_space<vmem>>, vector<16xi32>,
    %swap3A_40 = vector.shape_cast %swap3A_39 : vector<16xi32> to vector<16xi32>
    %swap3A_41 = vector.shape_cast %add3A_38 : vector<16xi32> to vector<16xi32>
    tpu.vector_store %arg7[%swap3A], %swap3A_41 {strides = array<i32>} : memref<10240xi32, #tpu.memory_space<vmem>>, vector<16xi32>,
    %add3A_42 = arith.constant 10096 : i32
    %add3A_43 = vector.broadcast %add3A_42 : i32 to vector<16xi32>
    %add3A_44 = arith.addi %iota3A, %add3A_43 : vector<16xi32>
    %swap3A_45 = arith.constant 10000 : index
    %swap3A_46 = tpu.vector_load %arg8[%swap3A_45] {strides = array<i32>} : memref<10240xi32, #tpu.memory_space<vmem>>, vector<16xi32>,
    %swap3A_47 = vector.shape_cast %swap3A_46 : vector<16xi32> to vector<16xi32>
    %swap3A_48 = vector.shape_cast %add3A_44 : vector<16xi32> to vector<16xi32>
    tpu.vector_store %arg8[%swap3A_45], %swap3A_48 {strides = array<i32>} : memref<10240xi32, #tpu.memory_space<vmem>>, vector<16xi32>,
    %mul3A_49 = arith.constant 16 : i32
    %mul3A_50 = arith.muli %arg1, %mul3A_49 : i32
    %add3A_51 = vector.broadcast %mul3A_50 : i32 to vector<16xi32>
    %add3A_52 = arith.addi %iota3A, %add3A_51 : vector<16xi32>
    %swap3A_53 = arith.constant 10016 : index
    %swap3A_54 = tpu.vector_load %arg7[%swap3A_53] {strides = array<i32>} : memref<10240xi32, #tpu.memory_space<vmem>>, vector<16xi32>,
    %swap3A_55 = vector.shape_cast %swap3A_54 : vector<16xi32> to vector<16xi32>
    %swap3A_56 = vector.shape_cast %add3A_52 : vector<16xi32> to vector<16xi32>
    tpu.vector_store %arg7[%swap3A_53], %swap3A_56 {strides = array<i32>} : memref<10240xi32, #tpu.memory_space<vmem>>, vector<16xi32>,
    %add3A_57 = arith.constant 10096 : i32
    %add3A_58 = vector.broadcast %add3A_57 : i32 to vector<16xi32>
    %add3A_59 = arith.addi %iota3A, %add3A_58 : vector<16xi32>
    %swap3A_60 = arith.constant 10016 : index
    %swap3A_61 = tpu.vector_load %arg8[%swap3A_60] {strides = array<i32>} : memref<10240xi32, #tpu.memory_space<vmem>>, vector<16xi32>,
    %swap3A_62 = vector.shape_cast %swap3A_61 : vector<16xi32> to vector<16xi32>
    %swap3A_63 = vector.shape_cast %add3A_59 : vector<16xi32> to vector<16xi32>
    tpu.vector_store %arg8[%swap3A_60], %swap3A_63 {strides = array<i32>} : memref<10240xi32, #tpu.memory_space<vmem>>, vector<16xi32>,
    %mul3A_64 = arith.constant 16 : i32
    %mul3A_65 = arith.muli %arg1, %mul3A_64 : i32
    %add3A_66 = vector.broadcast %mul3A_65 : i32 to vector<16xi32>
    %add3A_67 = arith.addi %iota3A, %add3A_66 : vector<16xi32>
    %swap3A_68 = arith.constant 10032 : index
    %swap3A_69 = tpu.vector_load %arg7[%swap3A_68] {strides = array<i32>} : memref<10240xi32, #tpu.memory_space<vmem>>, vector<16xi32>,
    %swap3A_70 = vector.shape_cast %swap3A_69 : vector<16xi32> to vector<16xi32>
    %swap3A_71 = vector.shape_cast %add3A_67 : vector<16xi32> to vector<16xi32>
    tpu.vector_store %arg7[%swap3A_68], %swap3A_71 {strides = array<i32>} : memref<10240xi32, #tpu.memory_space<vmem>>, vector<16xi32>,
    %add3A_72 = arith.constant 10096 : i32
    %add3A_73 = vector.broadcast %add3A_72 : i32 to vector<16xi32>
    %add3A_74 = arith.addi %iota3A, %add3A_73 : vector<16xi32>
    %swap3A_75 = arith.constant 10032 : index
    %swap3A_76 = tpu.vector_load %arg8[%swap3A_75] {strides = array<i32>} : memref<10240xi32, #tpu.memory_space<vmem>>, vector<16xi32>,
    %swap3A_77 = vector.shape_cast %swap3A_76 : vector<16xi32> to vector<16xi32>
    %swap3A_78 = vector.shape_cast %add3A_74 : vector<16xi32> to vector<16xi32>
    tpu.vector_store %arg8[%swap3A_75], %swap3A_78 {strides = array<i32>} : memref<10240xi32, #tpu.memory_space<vmem>>, vector<16xi32>,
    %mul3A_79 = arith.constant 16 : i32
    %mul3A_80 = arith.muli %arg1, %mul3A_79 : i32
    %add3A_81 = vector.broadcast %mul3A_80 : i32 to vector<16xi32>
    %add3A_82 = arith.addi %iota3A, %add3A_81 : vector<16xi32>
    %swap3A_83 = arith.constant 10048 : index
    %swap3A_84 = tpu.vector_load %arg7[%swap3A_83] {strides = array<i32>} : memref<10240xi32, #tpu.memory_space<vmem>>, vector<16xi32>,
    %swap3A_85 = vector.shape_cast %swap3A_84 : vector<16xi32> to vector<16xi32>
    %swap3A_86 = vector.shape_cast %add3A_82 : vector<16xi32> to vector<16xi32>
    tpu.vector_store %arg7[%swap3A_83], %swap3A_86 {strides = array<i32>} : memref<10240xi32, #tpu.memory_space<vmem>>, vector<16xi32>,
    %add3A_87 = arith.constant 10096 : i32
    %add3A_88 = vector.broadcast %add3A_87 : i32 to vector<16xi32>
    %add3A_89 = arith.addi %iota3A, %add3A_88 : vector<16xi32>
    %swap3A_90 = arith.constant 10048 : index
    %swap3A_91 = tpu.vector_load %arg8[%swap3A_90] {strides = array<i32>} : memref<10240xi32, #tpu.memory_space<vmem>>, vector<16xi32>,
    %swap3A_92 = vector.shape_cast %swap3A_91 : vector<16xi32> to vector<16xi32>
    %swap3A_93 = vector.shape_cast %add3A_89 : vector<16xi32> to vector<16xi32>
    tpu.vector_store %arg8[%swap3A_90], %swap3A_93 {strides = array<i32>} : memref<10240xi32, #tpu.memory_space<vmem>>, vector<16xi32>,
    %mul3A_94 = arith.constant 16 : i32
    %mul3A_95 = arith.muli %arg1, %mul3A_94 : i32
    %add3A_96 = vector.broadcast %mul3A_95 : i32 to vector<16xi32>
    %add3A_97 = arith.addi %iota3A, %add3A_96 : vector<16xi32>
    %swap3A_98 = arith.constant 10064 : index
    %swap3A_99 = tpu.vector_load %arg7[%swap3A_98] {strides = array<i32>} : memref<10240xi32, #tpu.memory_space<vmem>>, vector<16xi32>,
    %swap3A_100 = vector.shape_cast %swap3A_99 : vector<16xi32> to vector<16xi32>
    %swap3A_101 = vector.shape_cast %add3A_97 : vector<16xi32> to vector<16xi32>
    tpu.vector_store %arg7[%swap3A_98], %swap3A_101 {strides = array<i32>} : memref<10240xi32, #tpu.memory_space<vmem>>, vector<16xi32>,
    %add3A_102 = arith.constant 10096 : i32
    %add3A_103 = vector.broadcast %add3A_102 : i32 to vector<16xi32>
    %add3A_104 = arith.addi %iota3A, %add3A_103 : vector<16xi32>
    %swap3A_105 = arith.constant 10064 : index
    %swap3A_106 = tpu.vector_load %arg8[%swap3A_105] {strides = array<i32>} : memref<10240xi32, #tpu.memory_space<vmem>>, vector<16xi32>,
    %swap3A_107 = vector.shape_cast %swap3A_106 : vector<16xi32> to vector<16xi32>
    %swap3A_108 = vector.shape_cast %add3A_104 : vector<16xi32> to vector<16xi32>
    tpu.vector_store %arg8[%swap3A_105], %swap3A_108 {strides = array<i32>} : memref<10240xi32, #tpu.memory_space<vmem>>, vector<16xi32>,
    %mul3A_109 = arith.constant 16 : i32
    %mul3A_110 = arith.muli %arg1, %mul3A_109 : i32
    %add3A_111 = vector.broadcast %mul3A_110 : i32 to vector<16xi32>
    %add3A_112 = arith.addi %iota3A, %add3A_111 : vector<16xi32>
    %swap3A_113 = arith.constant 10080 : index
    %swap3A_114 = tpu.vector_load %arg7[%swap3A_113] {strides = array<i32>} : memref<10240xi32, #tpu.memory_space<vmem>>, vector<16xi32>,
    %swap3A_115 = vector.shape_cast %swap3A_114 : vector<16xi32> to vector<16xi32>
    %swap3A_116 = vector.shape_cast %add3A_112 : vector<16xi32> to vector<16xi32>
    tpu.vector_store %arg7[%swap3A_113], %swap3A_116 {strides = array<i32>} : memref<10240xi32, #tpu.memory_space<vmem>>, vector<16xi32>,
    %add3A_117 = arith.constant 10096 : i32
    %add3A_118 = vector.broadcast %add3A_117 : i32 to vector<16xi32>
    %add3A_119 = arith.addi %iota3A, %add3A_118 : vector<16xi32>
    %swap3A_120 = arith.constant 10080 : index
    %swap3A_121 = tpu.vector_load %arg8[%swap3A_120] {strides = array<i32>} : memref<10240xi32, #tpu.memory_space<vmem>>, vector<16xi32>,
    %swap3A_122 = vector.shape_cast %swap3A_121 : vector<16xi32> to vector<16xi32>
    %swap3A_123 = vector.shape_cast %add3A_119 : vector<16xi32> to vector<16xi32>
    tpu.vector_store %arg8[%swap3A_120], %swap3A_123 {strides = array<i32>} : memref<10240xi32, #tpu.memory_space<vmem>>, vector<16xi32>,
    %mul3A_124 = arith.constant 16 : i32
    %mul3A_125 = arith.muli %arg1, %mul3A_124 : i32
    %add3A_126 = vector.broadcast %mul3A_125 : i32 to vector<16xi32>
    %add3A_127 = arith.addi %iota3A, %add3A_126 : vector<16xi32>
    %swap3A_128 = arith.constant 10096 : index
    %swap3A_129 = tpu.vector_load %arg7[%swap3A_128] {strides = array<i32>} : memref<10240xi32, #tpu.memory_space<vmem>>, vector<16xi32>,
    %swap3A_130 = vector.shape_cast %swap3A_129 : vector<16xi32> to vector<16xi32>
    %swap3A_131 = vector.shape_cast %add3A_127 : vector<16xi32> to vector<16xi32>
    tpu.vector_store %arg7[%swap3A_128], %swap3A_131 {strides = array<i32>} : memref<10240xi32, #tpu.memory_space<vmem>>, vector<16xi32>,
    %add3A_132 = arith.constant 10096 : i32
    %add3A_133 = vector.broadcast %add3A_132 : i32 to vector<16xi32>
    %add3A_134 = arith.addi %iota3A, %add3A_133 : vector<16xi32>
    %swap3A_135 = arith.constant 10096 : index
    %swap3A_136 = tpu.vector_load %arg8[%swap3A_135] {strides = array<i32>} : memref<10240xi32, #tpu.memory_space<vmem>>, vector<16xi32>,
    %swap3A_137 = vector.shape_cast %swap3A_136 : vector<16xi32> to vector<16xi32>
    %swap3A_138 = vector.shape_cast %add3A_134 : vector<16xi32> to vector<16xi32>
    tpu.vector_store %arg8[%swap3A_135], %swap3A_138 {strides = array<i32>} : memref<10240xi32, #tpu.memory_space<vmem>>, vector<16xi32>,
    %mul3A_139 = arith.constant 16 : i32
    %mul3A_140 = arith.muli %arg1, %mul3A_139 : i32
    %add3A_141 = vector.broadcast %mul3A_140 : i32 to vector<16xi32>
    %add3A_142 = arith.addi %iota3A, %add3A_141 : vector<16xi32>
    %swap3A_143 = arith.constant 10112 : index
    %swap3A_144 = tpu.vector_load %arg7[%swap3A_143] {strides = array<i32>} : memref<10240xi32, #tpu.memory_space<vmem>>, vector<16xi32>,
    %swap3A_145 = vector.shape_cast %swap3A_144 : vector<16xi32> to vector<16xi32>
    %swap3A_146 = vector.shape_cast %add3A_142 : vector<16xi32> to vector<16xi32>
    tpu.vector_store %arg7[%swap3A_143], %swap3A_146 {strides = array<i32>} : memref<10240xi32, #tpu.memory_space<vmem>>, vector<16xi32>,
    %add3A_147 = arith.constant 10096 : i32
    %add3A_148 = vector.broadcast %add3A_147 : i32 to vector<16xi32>
    %add3A_149 = arith.addi %iota3A, %add3A_148 : vector<16xi32>
    %swap3A_150 = arith.constant 10112 : index
    %swap3A_151 = tpu.vector_load %arg8[%swap3A_150] {strides = array<i32>} : memref<10240xi32, #tpu.memory_space<vmem>>, vector<16xi32>,
    %swap3A_152 = vector.shape_cast %swap3A_151 : vector<16xi32> to vector<16xi32>
    %swap3A_153 = vector.shape_cast %add3A_149 : vector<16xi32> to vector<16xi32>
    tpu.vector_store %arg8[%swap3A_150], %swap3A_153 {strides = array<i32>} : memref<10240xi32, #tpu.memory_space<vmem>>, vector<16xi32>,
    %mul3A_154 = arith.constant 16 : i32
    %mul3A_155 = arith.muli %arg1, %mul3A_154 : i32
    %add3A_156 = vector.broadcast %mul3A_155 : i32 to vector<16xi32>
    %add3A_157 = arith.addi %iota3A, %add3A_156 : vector<16xi32>
    %swap3A_158 = arith.constant 10128 : index
    %swap3A_159 = tpu.vector_load %arg7[%swap3A_158] {strides = array<i32>} : memref<10240xi32, #tpu.memory_space<vmem>>, vector<16xi32>,
    %swap3A_160 = vector.shape_cast %swap3A_159 : vector<16xi32> to vector<16xi32>
    %swap3A_161 = vector.shape_cast %add3A_157 : vector<16xi32> to vector<16xi32>
    tpu.vector_store %arg7[%swap3A_158], %swap3A_161 {strides = array<i32>} : memref<10240xi32, #tpu.memory_space<vmem>>, vector<16xi32>,
    %add3A_162 = arith.constant 10096 : i32
    %add3A_163 = vector.broadcast %add3A_162 : i32 to vector<16xi32>
    %add3A_164 = arith.addi %iota3A, %add3A_163 : vector<16xi32>
    %swap3A_165 = arith.constant 10128 : index
    %swap3A_166 = tpu.vector_load %arg8[%swap3A_165] {strides = array<i32>} : memref<10240xi32, #tpu.memory_space<vmem>>, vector<16xi32>,
    %swap3A_167 = vector.shape_cast %swap3A_166 : vector<16xi32> to vector<16xi32>
    %swap3A_168 = vector.shape_cast %add3A_164 : vector<16xi32> to vector<16xi32>
    tpu.vector_store %arg8[%swap3A_165], %swap3A_168 {strides = array<i32>} : memref<10240xi32, #tpu.memory_space<vmem>>, vector<16xi32>,
    %mul3A_169 = arith.constant 16 : i32
    %mul3A_170 = arith.muli %arg1, %mul3A_169 : i32
    %add3A_171 = vector.broadcast %mul3A_170 : i32 to vector<16xi32>
    %add3A_172 = arith.addi %iota3A, %add3A_171 : vector<16xi32>
    %swap3A_173 = arith.constant 10144 : index
    %swap3A_174 = tpu.vector_load %arg7[%swap3A_173] {strides = array<i32>} : memref<10240xi32, #tpu.memory_space<vmem>>, vector<16xi32>,
    %swap3A_175 = vector.shape_cast %swap3A_174 : vector<16xi32> to vector<16xi32>
    %swap3A_176 = vector.shape_cast %add3A_172 : vector<16xi32> to vector<16xi32>
    tpu.vector_store %arg7[%swap3A_173], %swap3A_176 {strides = array<i32>} : memref<10240xi32, #tpu.memory_space<vmem>>, vector<16xi32>,
    %add3A_177 = arith.constant 10096 : i32
    %add3A_178 = vector.broadcast %add3A_177 : i32 to vector<16xi32>
    %add3A_179 = arith.addi %iota3A, %add3A_178 : vector<16xi32>
    %swap3A_180 = arith.constant 10144 : index
    %swap3A_181 = tpu.vector_load %arg8[%swap3A_180] {strides = array<i32>} : memref<10240xi32, #tpu.memory_space<vmem>>, vector<16xi32>,
    %swap3A_182 = vector.shape_cast %swap3A_181 : vector<16xi32> to vector<16xi32>
    %swap3A_183 = vector.shape_cast %add3A_179 : vector<16xi32> to vector<16xi32>
    tpu.vector_store %arg8[%swap3A_180], %swap3A_183 {strides = array<i32>} : memref<10240xi32, #tpu.memory_space<vmem>>, vector<16xi32>,
    %mul3A_184 = arith.constant 16 : i32
    %mul3A_185 = arith.muli %arg1, %mul3A_184 : i32
    %add3A_186 = vector.broadcast %mul3A_185 : i32 to vector<16xi32>
    %add3A_187 = arith.addi %iota3A, %add3A_186 : vector<16xi32>
    %swap3A_188 = arith.constant 10160 : index
    %swap3A_189 = tpu.vector_load %arg7[%swap3A_188] {strides = array<i32>} : memref<10240xi32, #tpu.memory_space<vmem>>, vector<16xi32>,
    %swap3A_190 = vector.shape_cast %swap3A_189 : vector<16xi32> to vector<16xi32>
    %swap3A_191 = vector.shape_cast %add3A_187 : vector<16xi32> to vector<16xi32>
    tpu.vector_store %arg7[%swap3A_188], %swap3A_191 {strides = array<i32>} : memref<10240xi32, #tpu.memory_space<vmem>>, vector<16xi32>,
    %add3A_192 = arith.constant 10096 : i32
    %add3A_193 = vector.broadcast %add3A_192 : i32 to vector<16xi32>
    %add3A_194 = arith.addi %iota3A, %add3A_193 : vector<16xi32>
    %swap3A_195 = arith.constant 10160 : index
    %swap3A_196 = tpu.vector_load %arg8[%swap3A_195] {strides = array<i32>} : memref<10240xi32, #tpu.memory_space<vmem>>, vector<16xi32>,
    %swap3A_197 = vector.shape_cast %swap3A_196 : vector<16xi32> to vector<16xi32>
    %swap3A_198 = vector.shape_cast %add3A_194 : vector<16xi32> to vector<16xi32>
    tpu.vector_store %arg8[%swap3A_195], %swap3A_198 {strides = array<i32>} : memref<10240xi32, #tpu.memory_space<vmem>>, vector<16xi32>,
    %mul3A_199 = arith.constant 16 : i32
    %mul3A_200 = arith.muli %arg1, %mul3A_199 : i32
    %add3A_201 = vector.broadcast %mul3A_200 : i32 to vector<16xi32>
    %add3A_202 = arith.addi %iota3A, %add3A_201 : vector<16xi32>
    %swap3A_203 = arith.constant 10176 : index
    %swap3A_204 = tpu.vector_load %arg7[%swap3A_203] {strides = array<i32>} : memref<10240xi32, #tpu.memory_space<vmem>>, vector<16xi32>,
    %swap3A_205 = vector.shape_cast %swap3A_204 : vector<16xi32> to vector<16xi32>
    %swap3A_206 = vector.shape_cast %add3A_202 : vector<16xi32> to vector<16xi32>
    tpu.vector_store %arg7[%swap3A_203], %swap3A_206 {strides = array<i32>} : memref<10240xi32, #tpu.memory_space<vmem>>, vector<16xi32>,
    %add3A_207 = arith.constant 10096 : i32
    %add3A_208 = vector.broadcast %add3A_207 : i32 to vector<16xi32>
    %add3A_209 = arith.addi %iota3A, %add3A_208 : vector<16xi32>
    %swap3A_210 = arith.constant 10176 : index
    %swap3A_211 = tpu.vector_load %arg8[%swap3A_210] {strides = array<i32>} : memref<10240xi32, #tpu.memory_space<vmem>>, vector<16xi32>,
    %swap3A_212 = vector.shape_cast %swap3A_211 : vector<16xi32> to vector<16xi32>
    %swap3A_213 = vector.shape_cast %add3A_209 : vector<16xi32> to vector<16xi32>
    tpu.vector_store %arg8[%swap3A_210], %swap3A_213 {strides = array<i32>} : memref<10240xi32, #tpu.memory_space<vmem>>, vector<16xi32>,
    %mul3A_214 = arith.constant 16 : i32
    %mul3A_215 = arith.muli %arg1, %mul3A_214 : i32
    %add3A_216 = vector.broadcast %mul3A_215 : i32 to vector<16xi32>
    %add3A_217 = arith.addi %iota3A, %add3A_216 : vector<16xi32>
    %swap3A_218 = arith.constant 10192 : index
    %swap3A_219 = tpu.vector_load %arg7[%swap3A_218] {strides = array<i32>} : memref<10240xi32, #tpu.memory_space<vmem>>, vector<16xi32>,
    %swap3A_220 = vector.shape_cast %swap3A_219 : vector<16xi32> to vector<16xi32>
    %swap3A_221 = vector.shape_cast %add3A_217 : vector<16xi32> to vector<16xi32>
    tpu.vector_store %arg7[%swap3A_218], %swap3A_221 {strides = array<i32>} : memref<10240xi32, #tpu.memory_space<vmem>>, vector<16xi32>,
    %add3A_222 = arith.constant 10096 : i32
    %add3A_223 = vector.broadcast %add3A_222 : i32 to vector<16xi32>
    %add3A_224 = arith.addi %iota3A, %add3A_223 : vector<16xi32>
    %swap3A_225 = arith.constant 10192 : index
    %swap3A_226 = tpu.vector_load %arg8[%swap3A_225] {strides = array<i32>} : memref<10240xi32, #tpu.memory_space<vmem>>, vector<16xi32>,
    %swap3A_227 = vector.shape_cast %swap3A_226 : vector<16xi32> to vector<16xi32>
    %swap3A_228 = vector.shape_cast %add3A_224 : vector<16xi32> to vector<16xi32>
    tpu.vector_store %arg8[%swap3A_225], %swap3A_228 {strides = array<i32>} : memref<10240xi32, #tpu.memory_space<vmem>>, vector<16xi32>,
    %mul3A_229 = arith.constant 16 : i32
    %mul3A_230 = arith.muli %arg1, %mul3A_229 : i32
    %add3A_231 = vector.broadcast %mul3A_230 : i32 to vector<16xi32>
    %add3A_232 = arith.addi %iota3A, %add3A_231 : vector<16xi32>
    %swap3A_233 = arith.constant 10208 : index
    %swap3A_234 = tpu.vector_load %arg7[%swap3A_233] {strides = array<i32>} : memref<10240xi32, #tpu.memory_space<vmem>>, vector<16xi32>,
    %swap3A_235 = vector.shape_cast %swap3A_234 : vector<16xi32> to vector<16xi32>
    %swap3A_236 = vector.shape_cast %add3A_232 : vector<16xi32> to vector<16xi32>
    tpu.vector_store %arg7[%swap3A_233], %swap3A_236 {strides = array<i32>} : memref<10240xi32, #tpu.memory_space<vmem>>, vector<16xi32>,
    %add3A_237 = arith.constant 10096 : i32
    %add3A_238 = vector.broadcast %add3A_237 : i32 to vector<16xi32>
    %add3A_239 = arith.addi %iota3A, %add3A_238 : vector<16xi32>
    %swap3A_240 = arith.constant 10208 : index
    %swap3A_241 = tpu.vector_load %arg8[%swap3A_240] {strides = array<i32>} : memref<10240xi32, #tpu.memory_space<vmem>>, vector<16xi32>,
    %swap3A_242 = vector.shape_cast %swap3A_241 : vector<16xi32> to vector<16xi32>
    %swap3A_243 = vector.shape_cast %add3A_239 : vector<16xi32> to vector<16xi32>
    tpu.vector_store %arg8[%swap3A_240], %swap3A_243 {strides = array<i32>} : memref<10240xi32, #tpu.memory_space<vmem>>, vector<16xi32>,
    %mul3A_244 = arith.constant 16 : i32
    %mul3A_245 = arith.muli %arg1, %mul3A_244 : i32
    %add3A_246 = vector.broadcast %mul3A_245 : i32 to vector<16xi32>
    %add3A_247 = arith.addi %iota3A, %add3A_246 : vector<16xi32>
    %swap3A_248 = arith.constant 10224 : index
    %swap3A_249 = tpu.vector_load %arg7[%swap3A_248] {strides = array<i32>} : memref<10240xi32, #tpu.memory_space<vmem>>, vector<16xi32>,
    %swap3A_250 = vector.shape_cast %swap3A_249 : vector<16xi32> to vector<16xi32>
    %swap3A_251 = vector.shape_cast %add3A_247 : vector<16xi32> to vector<16xi32>
    tpu.vector_store %arg7[%swap3A_248], %swap3A_251 {strides = array<i32>} : memref<10240xi32, #tpu.memory_space<vmem>>, vector<16xi32>,
    %add3A_252 = arith.constant 10096 : i32
    %add3A_253 = vector.broadcast %add3A_252 : i32 to vector<16xi32>
    %add3A_254 = arith.addi %iota3A, %add3A_253 : vector<16xi32>
    %swap3A_255 = arith.constant 10224 : index
    %swap3A_256 = tpu.vector_load %arg8[%swap3A_255] {strides = array<i32>} : memref<10240xi32, #tpu.memory_space<vmem>>, vector<16xi32>,
    %swap3A_257 = vector.shape_cast %swap3A_256 : vector<16xi32> to vector<16xi32>
    %swap3A_258 = vector.shape_cast %add3A_254 : vector<16xi32> to vector<16xi32>
    tpu.vector_store %arg8[%swap3A_255], %swap3A_258 {strides = array<i32>} : memref<10240xi32, #tpu.memory_space<vmem>>, vector<16xi32>,
    %barrier3A = arith.constant 0 : index
    tpu.barrier barrier_id(%barrier3A)
    %dma_start3A_259 = arith.constant 0 : i32
    %dma_start3A_260 = tpu.memref_slice %arg7[%dma_start3A_259] : memref<10240xi32, #tpu.memory_space<vmem>> -> memref<128xi32, #tpu.memory_space<vmem>>
    %dma_start3A_261 = arith.constant 0 : i32
    %dma_start3A_262 = arith.constant 0 : i32
    %dma_start3A_263 = tpu.memref_slice %arg2[%dma_start3A_261, %dma_start3A_262] : memref<10112x16xf32, #tpu.memory_space<hbm>> -> memref<10112x16xf32, #tpu.memory_space<hbm>>
    tpu.enqueue_indirect_dma source(%dma_start3A_263 : memref<10112x16xf32, #tpu.memory_space<hbm>>) target(%arg9 : memref<128x16xf32, #tpu.memory_space<vmem>>) offsets(%dma_start3A_260 : memref<128xi32, #tpu.memory_space<vmem>>) semaphore(%arg13 : memref<!tpu.dma_semaphore, #tpu.memory_space<semaphore_mem>>)
    %dma_start3A_264 = arith.constant 128 : i32
    %dma_start3A_265 = tpu.memref_slice %arg7[%dma_start3A_264] : memref<10240xi32, #tpu.memory_space<vmem>> -> memref<128xi32, #tpu.memory_space<vmem>>
    %dma_start3A_266 = arith.constant 0 : i32
    %dma_start3A_267 = arith.constant 0 : i32
    %dma_start3A_268 = tpu.memref_slice %arg2[%dma_start3A_266, %dma_start3A_267] : memref<10112x16xf32, #tpu.memory_space<hbm>> -> memref<10112x16xf32, #tpu.memory_space<hbm>>
    tpu.enqueue_indirect_dma source(%dma_start3A_268 : memref<10112x16xf32, #tpu.memory_space<hbm>>) target(%arg10 : memref<128x16xf32, #tpu.memory_space<vmem>>) offsets(%dma_start3A_265 : memref<128xi32, #tpu.memory_space<vmem>>) semaphore(%arg14 : memref<!tpu.dma_semaphore, #tpu.memory_space<semaphore_mem>>)
    %dma_start3A_269 = arith.constant 256 : i32
    %dma_start3A_270 = tpu.memref_slice %arg7[%dma_start3A_269] : memref<10240xi32, #tpu.memory_space<vmem>> -> memref<128xi32, #tpu.memory_space<vmem>>
    %dma_start3A_271 = arith.constant 0 : i32
    %dma_start3A_272 = arith.constant 0 : i32
    %dma_start3A_273 = tpu.memref_slice %arg2[%dma_start3A_271, %dma_start3A_272] : memref<10112x16xf32, #tpu.memory_space<hbm>> -> memref<10112x16xf32, #tpu.memory_space<hbm>>
    tpu.enqueue_indirect_dma source(%dma_start3A_273 : memref<10112x16xf32, #tpu.memory_space<hbm>>) target(%arg11 : memref<128x16xf32, #tpu.memory_space<vmem>>) offsets(%dma_start3A_270 : memref<128xi32, #tpu.memory_space<vmem>>) semaphore(%arg15 : memref<!tpu.dma_semaphore, #tpu.memory_space<semaphore_mem>>)
    %dma_start3A_274 = arith.constant 384 : i32
    %dma_start3A_275 = tpu.memref_slice %arg7[%dma_start3A_274] : memref<10240xi32, #tpu.memory_space<vmem>> -> memref<128xi32, #tpu.memory_space<vmem>>
    %dma_start3A_276 = arith.constant 0 : i32
    %dma_start3A_277 = arith.constant 0 : i32
    %dma_start3A_278 = tpu.memref_slice %arg2[%dma_start3A_276, %dma_start3A_277] : memref<10112x16xf32, #tpu.memory_space<hbm>> -> memref<10112x16xf32, #tpu.memory_space<hbm>>
    tpu.enqueue_indirect_dma source(%dma_start3A_278 : memref<10112x16xf32, #tpu.memory_space<hbm>>) target(%arg12 : memref<128x16xf32, #tpu.memory_space<vmem>>) offsets(%dma_start3A_275 : memref<128xi32, #tpu.memory_space<vmem>>) semaphore(%arg16 : memref<!tpu.dma_semaphore, #tpu.memory_space<semaphore_mem>>)
    %scan3A = arith.constant 0 : i32
    %scan3A_279 = arith.constant 20 : i32
    %scan3A_280 = arith.addi %scan3A, %scan3A_279 : i32
    %scan3A_281 = arith.constant 1 : i32
    scf.for %scan3A_304 = %scan3A to %scan3A_280 step %scan3A_281  : i32 {
      %mul3A_305 = arith.constant 4 : i32
      %mul3A_306 = arith.muli %scan3A_304, %mul3A_305 : i32
      %add3A_307 = arith.constant 0 : i32
      %add3A_308 = arith.addi %add3A_307, %mul3A_306 : i32
      %add3A_309 = arith.constant 0 : i32
      %add3A_310 = arith.addi %add3A_308, %add3A_309 : i32
      %mul3A_311 = arith.constant 128 : i32
      %mul3A_312 = arith.muli %add3A_310, %mul3A_311 : i32
      %dma_wait3A_313 = tpu.memref_slice %arg7[%mul3A_312] : memref<10240xi32, #tpu.memory_space<vmem>> -> memref<128xi32, #tpu.memory_space<vmem>>
      %dma_wait3A_314 = arith.constant 0 : i32
      %dma_wait3A_315 = arith.constant 0 : i32
      %dma_wait3A_316 = tpu.memref_slice %arg2[%dma_wait3A_314, %dma_wait3A_315] : memref<10112x16xf32, #tpu.memory_space<hbm>> -> memref<10112x16xf32, #tpu.memory_space<hbm>>
      tpu.wait_indirect_dma semaphore(%arg13 : memref<!tpu.dma_semaphore, #tpu.memory_space<semaphore_mem>>) src(%dma_wait3A_316 : memref<10112x16xf32, #tpu.memory_space<hbm>>) dst(%arg9 : memref<128x16xf32, #tpu.memory_space<vmem>>)
      %add3A_317 = arith.constant 0 : i32
      %add3A_318 = arith.addi %add3A_308, %add3A_317 : i32
      %mul3A_319 = arith.constant 128 : i32
      %mul3A_320 = arith.muli %add3A_318, %mul3A_319 : i32
      %dma_start3A_321 = tpu.memref_slice %arg8[%mul3A_320] : memref<10240xi32, #tpu.memory_space<vmem>> -> memref<128xi32, #tpu.memory_space<vmem>>
      %dma_start3A_322 = arith.constant 0 : i32
      %dma_start3A_323 = arith.constant 0 : i32
      %dma_start3A_324 = tpu.memref_slice %arg21[%dma_start3A_322, %dma_start3A_323] : memref<10112x16xf32, #tpu.memory_space<vmem_shared>> -> memref<10112x16xf32, #tpu.memory_space<vmem_shared>>
      tpu.enqueue_indirect_dma source(%arg9 : memref<128x16xf32, #tpu.memory_space<vmem>>) target(%dma_start3A_324 : memref<10112x16xf32, #tpu.memory_space<vmem_shared>>) offsets(%dma_start3A_321 : memref<128xi32, #tpu.memory_space<vmem>>) semaphore(%arg17 : memref<!tpu.dma_semaphore, #tpu.memory_space<semaphore_mem>>) {add = true}
      %add3A_325 = arith.constant 1 : i32
      %add3A_326 = arith.addi %add3A_308, %add3A_325 : i32
      %mul3A_327 = arith.constant 128 : i32
      %mul3A_328 = arith.muli %add3A_326, %mul3A_327 : i32
      %dma_wait3A_329 = tpu.memref_slice %arg7[%mul3A_328] : memref<10240xi32, #tpu.memory_space<vmem>> -> memref<128xi32, #tpu.memory_space<vmem>>
      %dma_wait3A_330 = arith.constant 0 : i32
      %dma_wait3A_331 = arith.constant 0 : i32
      %dma_wait3A_332 = tpu.memref_slice %arg2[%dma_wait3A_330, %dma_wait3A_331] : memref<10112x16xf32, #tpu.memory_space<hbm>> -> memref<10112x16xf32, #tpu.memory_space<hbm>>
      tpu.wait_indirect_dma semaphore(%arg14 : memref<!tpu.dma_semaphore, #tpu.memory_space<semaphore_mem>>) src(%dma_wait3A_332 : memref<10112x16xf32, #tpu.memory_space<hbm>>) dst(%arg10 : memref<128x16xf32, #tpu.memory_space<vmem>>)
      %add3A_333 = arith.constant 1 : i32
      %add3A_334 = arith.addi %add3A_308, %add3A_333 : i32
      %mul3A_335 = arith.constant 128 : i32
      %mul3A_336 = arith.muli %add3A_334, %mul3A_335 : i32
      %dma_start3A_337 = tpu.memref_slice %arg8[%mul3A_336] : memref<10240xi32, #tpu.memory_space<vmem>> -> memref<128xi32, #tpu.memory_space<vmem>>
      %dma_start3A_338 = arith.constant 0 : i32
      %dma_start3A_339 = arith.constant 0 : i32
      %dma_start3A_340 = tpu.memref_slice %arg21[%dma_start3A_338, %dma_start3A_339] : memref<10112x16xf32, #tpu.memory_space<vmem_shared>> -> memref<10112x16xf32, #tpu.memory_space<vmem_shared>>
      tpu.enqueue_indirect_dma source(%arg10 : memref<128x16xf32, #tpu.memory_space<vmem>>) target(%dma_start3A_340 : memref<10112x16xf32, #tpu.memory_space<vmem_shared>>) offsets(%dma_start3A_337 : memref<128xi32, #tpu.memory_space<vmem>>) semaphore(%arg18 : memref<!tpu.dma_semaphore, #tpu.memory_space<semaphore_mem>>) {add = true}
      %add3A_341 = arith.constant 2 : i32
      %add3A_342 = arith.addi %add3A_308, %add3A_341 : i32
      %mul3A_343 = arith.constant 128 : i32
      %mul3A_344 = arith.muli %add3A_342, %mul3A_343 : i32
      %dma_wait3A_345 = tpu.memref_slice %arg7[%mul3A_344] : memref<10240xi32, #tpu.memory_space<vmem>> -> memref<128xi32, #tpu.memory_space<vmem>>
      %dma_wait3A_346 = arith.constant 0 : i32
      %dma_wait3A_347 = arith.constant 0 : i32
      %dma_wait3A_348 = tpu.memref_slice %arg2[%dma_wait3A_346, %dma_wait3A_347] : memref<10112x16xf32, #tpu.memory_space<hbm>> -> memref<10112x16xf32, #tpu.memory_space<hbm>>
      tpu.wait_indirect_dma semaphore(%arg15 : memref<!tpu.dma_semaphore, #tpu.memory_space<semaphore_mem>>) src(%dma_wait3A_348 : memref<10112x16xf32, #tpu.memory_space<hbm>>) dst(%arg11 : memref<128x16xf32, #tpu.memory_space<vmem>>)
      %add3A_349 = arith.constant 2 : i32
      %add3A_350 = arith.addi %add3A_308, %add3A_349 : i32
      %mul3A_351 = arith.constant 128 : i32
      %mul3A_352 = arith.muli %add3A_350, %mul3A_351 : i32
      %dma_start3A_353 = tpu.memref_slice %arg8[%mul3A_352] : memref<10240xi32, #tpu.memory_space<vmem>> -> memref<128xi32, #tpu.memory_space<vmem>>
      %dma_start3A_354 = arith.constant 0 : i32
      %dma_start3A_355 = arith.constant 0 : i32
      %dma_start3A_356 = tpu.memref_slice %arg21[%dma_start3A_354, %dma_start3A_355] : memref<10112x16xf32, #tpu.memory_space<vmem_shared>> -> memref<10112x16xf32, #tpu.memory_space<vmem_shared>>
      tpu.enqueue_indirect_dma source(%arg11 : memref<128x16xf32, #tpu.memory_space<vmem>>) target(%dma_start3A_356 : memref<10112x16xf32, #tpu.memory_space<vmem_shared>>) offsets(%dma_start3A_353 : memref<128xi32, #tpu.memory_space<vmem>>) semaphore(%arg19 : memref<!tpu.dma_semaphore, #tpu.memory_space<semaphore_mem>>) {add = true}
      %add3A_357 = arith.constant 3 : i32
      %add3A_358 = arith.addi %add3A_308, %add3A_357 : i32
      %mul3A_359 = arith.constant 128 : i32
      %mul3A_360 = arith.muli %add3A_358, %mul3A_359 : i32
      %dma_wait3A_361 = tpu.memref_slice %arg7[%mul3A_360] : memref<10240xi32, #tpu.memory_space<vmem>> -> memref<128xi32, #tpu.memory_space<vmem>>
      %dma_wait3A_362 = arith.constant 0 : i32
      %dma_wait3A_363 = arith.constant 0 : i32
      %dma_wait3A_364 = tpu.memref_slice %arg2[%dma_wait3A_362, %dma_wait3A_363] : memref<10112x16xf32, #tpu.memory_space<hbm>> -> memref<10112x16xf32, #tpu.memory_space<hbm>>
      tpu.wait_indirect_dma semaphore(%arg16 : memref<!tpu.dma_semaphore, #tpu.memory_space<semaphore_mem>>) src(%dma_wait3A_364 : memref<10112x16xf32, #tpu.memory_space<hbm>>) dst(%arg12 : memref<128x16xf32, #tpu.memory_space<vmem>>)
      %add3A_365 = arith.constant 3 : i32
      %add3A_366 = arith.addi %add3A_308, %add3A_365 : i32
      %mul3A_367 = arith.constant 128 : i32
      %mul3A_368 = arith.muli %add3A_366, %mul3A_367 : i32
      %dma_start3A_369 = tpu.memref_slice %arg8[%mul3A_368] : memref<10240xi32, #tpu.memory_space<vmem>> -> memref<128xi32, #tpu.memory_space<vmem>>
      %dma_start3A_370 = arith.constant 0 : i32
      %dma_start3A_371 = arith.constant 0 : i32
      %dma_start3A_372 = tpu.memref_slice %arg21[%dma_start3A_370, %dma_start3A_371] : memref<10112x16xf32, #tpu.memory_space<vmem_shared>> -> memref<10112x16xf32, #tpu.memory_space<vmem_shared>>
      tpu.enqueue_indirect_dma source(%arg12 : memref<128x16xf32, #tpu.memory_space<vmem>>) target(%dma_start3A_372 : memref<10112x16xf32, #tpu.memory_space<vmem_shared>>) offsets(%dma_start3A_369 : memref<128xi32, #tpu.memory_space<vmem>>) semaphore(%arg20 : memref<!tpu.dma_semaphore, #tpu.memory_space<semaphore_mem>>) {add = true}
      %add3A_373 = arith.constant 0 : i32
      %add3A_374 = arith.addi %add3A_308, %add3A_373 : i32
      %add3A_375 = arith.constant 4 : i32
      %add3A_376 = arith.addi %add3A_374, %add3A_375 : i32
      %lt3A = arith.constant 80 : i32
      %lt3A_377 = arith.cmpi slt, %add3A_376, %lt3A : i32
      %convert_element_type3A = arith.extui %lt3A_377 : i1 to i32
      %cond3A = arith.constant 0 : i32
      %cond3A_378 = arith.cmpi ne, %convert_element_type3A, %cond3A : i32
      scf.if %cond3A_378 {
        %add3A_406 = arith.constant 0 : i32
        %add3A_407 = arith.addi %add3A_308, %add3A_406 : i32
        %mul3A_408 = arith.constant 128 : i32
        %mul3A_409 = arith.muli %add3A_407, %mul3A_408 : i32
        %dma_wait3A_410 = tpu.memref_slice %arg8[%mul3A_409] : memref<10240xi32, #tpu.memory_space<vmem>> -> memref<128xi32, #tpu.memory_space<vmem>>
        %dma_wait3A_411 = arith.constant 0 : i32
        %dma_wait3A_412 = arith.constant 0 : i32
        %dma_wait3A_413 = tpu.memref_slice %arg21[%dma_wait3A_411, %dma_wait3A_412] : memref<10112x16xf32, #tpu.memory_space<vmem_shared>> -> memref<10112x16xf32, #tpu.memory_space<vmem_shared>>
        tpu.wait_indirect_dma semaphore(%arg17 : memref<!tpu.dma_semaphore, #tpu.memory_space<semaphore_mem>>) src(%arg9 : memref<128x16xf32, #tpu.memory_space<vmem>>) dst(%dma_wait3A_413 : memref<10112x16xf32, #tpu.memory_space<vmem_shared>>)
        %add3A_414 = arith.constant 0 : i32
        %add3A_415 = arith.addi %add3A_308, %add3A_414 : i32
        %add3A_416 = arith.constant 4 : i32
        %add3A_417 = arith.addi %add3A_415, %add3A_416 : i32
        %mul3A_418 = arith.constant 128 : i32
        %mul3A_419 = arith.muli %add3A_417, %mul3A_418 : i32
        %dma_start3A_420 = tpu.memref_slice %arg7[%mul3A_419] : memref<10240xi32, #tpu.memory_space<vmem>> -> memref<128xi32, #tpu.memory_space<vmem>>
        %dma_start3A_421 = arith.constant 0 : i32
        %dma_start3A_422 = arith.constant 0 : i32
        %dma_start3A_423 = tpu.memref_slice %arg2[%dma_start3A_421, %dma_start3A_422] : memref<10112x16xf32, #tpu.memory_space<hbm>> -> memref<10112x16xf32, #tpu.memory_space<hbm>>
        tpu.enqueue_indirect_dma source(%dma_start3A_423 : memref<10112x16xf32, #tpu.memory_space<hbm>>) target(%arg9 : memref<128x16xf32, #tpu.memory_space<vmem>>) offsets(%dma_start3A_420 : memref<128xi32, #tpu.memory_space<vmem>>) semaphore(%arg13 : memref<!tpu.dma_semaphore, #tpu.memory_space<semaphore_mem>>)
      } else {
      }
      %add3A_379 = arith.constant 1 : i32
      %add3A_380 = arith.addi %add3A_308, %add3A_379 : i32
      %add3A_381 = arith.constant 4 : i32
      %add3A_382 = arith.addi %add3A_380, %add3A_381 : i32
      %lt3A_383 = arith.constant 80 : i32
      %lt3A_384 = arith.cmpi slt, %add3A_382, %lt3A_383 : i32
      %convert_element_type3A_385 = arith.extui %lt3A_384 : i1 to i32
      %cond3A_386 = arith.constant 0 : i32
      %cond3A_387 = arith.cmpi ne, %convert_element_type3A_385, %cond3A_386 : i32
      scf.if %cond3A_387 {
        %add3A_406 = arith.constant 1 : i32
        %add3A_407 = arith.addi %add3A_308, %add3A_406 : i32
        %mul3A_408 = arith.constant 128 : i32
        %mul3A_409 = arith.muli %add3A_407, %mul3A_408 : i32
        %dma_wait3A_410 = tpu.memref_slice %arg8[%mul3A_409] : memref<10240xi32, #tpu.memory_space<vmem>> -> memref<128xi32, #tpu.memory_space<vmem>>
        %dma_wait3A_411 = arith.constant 0 : i32
        %dma_wait3A_412 = arith.constant 0 : i32
        %dma_wait3A_413 = tpu.memref_slice %arg21[%dma_wait3A_411, %dma_wait3A_412] : memref<10112x16xf32, #tpu.memory_space<vmem_shared>> -> memref<10112x16xf32, #tpu.memory_space<vmem_shared>>
        tpu.wait_indirect_dma semaphore(%arg18 : memref<!tpu.dma_semaphore, #tpu.memory_space<semaphore_mem>>) src(%arg10 : memref<128x16xf32, #tpu.memory_space<vmem>>) dst(%dma_wait3A_413 : memref<10112x16xf32, #tpu.memory_space<vmem_shared>>)
        %add3A_414 = arith.constant 1 : i32
        %add3A_415 = arith.addi %add3A_308, %add3A_414 : i32
        %add3A_416 = arith.constant 4 : i32
        %add3A_417 = arith.addi %add3A_415, %add3A_416 : i32
        %mul3A_418 = arith.constant 128 : i32
        %mul3A_419 = arith.muli %add3A_417, %mul3A_418 : i32
        %dma_start3A_420 = tpu.memref_slice %arg7[%mul3A_419] : memref<10240xi32, #tpu.memory_space<vmem>> -> memref<128xi32, #tpu.memory_space<vmem>>
        %dma_start3A_421 = arith.constant 0 : i32
        %dma_start3A_422 = arith.constant 0 : i32
        %dma_start3A_423 = tpu.memref_slice %arg2[%dma_start3A_421, %dma_start3A_422] : memref<10112x16xf32, #tpu.memory_space<hbm>> -> memref<10112x16xf32, #tpu.memory_space<hbm>>
        tpu.enqueue_indirect_dma source(%dma_start3A_423 : memref<10112x16xf32, #tpu.memory_space<hbm>>) target(%arg10 : memref<128x16xf32, #tpu.memory_space<vmem>>) offsets(%dma_start3A_420 : memref<128xi32, #tpu.memory_space<vmem>>) semaphore(%arg14 : memref<!tpu.dma_semaphore, #tpu.memory_space<semaphore_mem>>)
      } else {
      }
      %add3A_388 = arith.constant 2 : i32
      %add3A_389 = arith.addi %add3A_308, %add3A_388 : i32
      %add3A_390 = arith.constant 4 : i32
      %add3A_391 = arith.addi %add3A_389, %add3A_390 : i32
      %lt3A_392 = arith.constant 80 : i32
      %lt3A_393 = arith.cmpi slt, %add3A_391, %lt3A_392 : i32
      %convert_element_type3A_394 = arith.extui %lt3A_393 : i1 to i32
      %cond3A_395 = arith.constant 0 : i32
      %cond3A_396 = arith.cmpi ne, %convert_element_type3A_394, %cond3A_395 : i32
      scf.if %cond3A_396 {
        %add3A_406 = arith.constant 2 : i32
        %add3A_407 = arith.addi %add3A_308, %add3A_406 : i32
        %mul3A_408 = arith.constant 128 : i32
        %mul3A_409 = arith.muli %add3A_407, %mul3A_408 : i32
        %dma_wait3A_410 = tpu.memref_slice %arg8[%mul3A_409] : memref<10240xi32, #tpu.memory_space<vmem>> -> memref<128xi32, #tpu.memory_space<vmem>>
        %dma_wait3A_411 = arith.constant 0 : i32
        %dma_wait3A_412 = arith.constant 0 : i32
        %dma_wait3A_413 = tpu.memref_slice %arg21[%dma_wait3A_411, %dma_wait3A_412] : memref<10112x16xf32, #tpu.memory_space<vmem_shared>> -> memref<10112x16xf32, #tpu.memory_space<vmem_shared>>
        tpu.wait_indirect_dma semaphore(%arg19 : memref<!tpu.dma_semaphore, #tpu.memory_space<semaphore_mem>>) src(%arg11 : memref<128x16xf32, #tpu.memory_space<vmem>>) dst(%dma_wait3A_413 : memref<10112x16xf32, #tpu.memory_space<vmem_shared>>)
        %add3A_414 = arith.constant 2 : i32
        %add3A_415 = arith.addi %add3A_308, %add3A_414 : i32
        %add3A_416 = arith.constant 4 : i32
        %add3A_417 = arith.addi %add3A_415, %add3A_416 : i32
        %mul3A_418 = arith.constant 128 : i32
        %mul3A_419 = arith.muli %add3A_417, %mul3A_418 : i32
        %dma_start3A_420 = tpu.memref_slice %arg7[%mul3A_419] : memref<10240xi32, #tpu.memory_space<vmem>> -> memref<128xi32, #tpu.memory_space<vmem>>
        %dma_start3A_421 = arith.constant 0 : i32
        %dma_start3A_422 = arith.constant 0 : i32
        %dma_start3A_423 = tpu.memref_slice %arg2[%dma_start3A_421, %dma_start3A_422] : memref<10112x16xf32, #tpu.memory_space<hbm>> -> memref<10112x16xf32, #tpu.memory_space<hbm>>
        tpu.enqueue_indirect_dma source(%dma_start3A_423 : memref<10112x16xf32, #tpu.memory_space<hbm>>) target(%arg11 : memref<128x16xf32, #tpu.memory_space<vmem>>) offsets(%dma_start3A_420 : memref<128xi32, #tpu.memory_space<vmem>>) semaphore(%arg15 : memref<!tpu.dma_semaphore, #tpu.memory_space<semaphore_mem>>)
      } else {
      }
      %add3A_397 = arith.constant 3 : i32
      %add3A_398 = arith.addi %add3A_308, %add3A_397 : i32
      %add3A_399 = arith.constant 4 : i32
      %add3A_400 = arith.addi %add3A_398, %add3A_399 : i32
      %lt3A_401 = arith.constant 80 : i32
      %lt3A_402 = arith.cmpi slt, %add3A_400, %lt3A_401 : i32
      %convert_element_type3A_403 = arith.extui %lt3A_402 : i1 to i32
      %cond3A_404 = arith.constant 0 : i32
      %cond3A_405 = arith.cmpi ne, %convert_element_type3A_403, %cond3A_404 : i32
      scf.if %cond3A_405 {
        %add3A_406 = arith.constant 3 : i32
        %add3A_407 = arith.addi %add3A_308, %add3A_406 : i32
        %mul3A_408 = arith.constant 128 : i32
        %mul3A_409 = arith.muli %add3A_407, %mul3A_408 : i32
        %dma_wait3A_410 = tpu.memref_slice %arg8[%mul3A_409] : memref<10240xi32, #tpu.memory_space<vmem>> -> memref<128xi32, #tpu.memory_space<vmem>>
        %dma_wait3A_411 = arith.constant 0 : i32
        %dma_wait3A_412 = arith.constant 0 : i32
        %dma_wait3A_413 = tpu.memref_slice %arg21[%dma_wait3A_411, %dma_wait3A_412] : memref<10112x16xf32, #tpu.memory_space<vmem_shared>> -> memref<10112x16xf32, #tpu.memory_space<vmem_shared>>
        tpu.wait_indirect_dma semaphore(%arg20 : memref<!tpu.dma_semaphore, #tpu.memory_space<semaphore_mem>>) src(%arg12 : memref<128x16xf32, #tpu.memory_space<vmem>>) dst(%dma_wait3A_413 : memref<10112x16xf32, #tpu.memory_space<vmem_shared>>)
        %add3A_414 = arith.constant 3 : i32
        %add3A_415 = arith.addi %add3A_308, %add3A_414 : i32
        %add3A_416 = arith.constant 4 : i32
        %add3A_417 = arith.addi %add3A_415, %add3A_416 : i32
        %mul3A_418 = arith.constant 128 : i32
        %mul3A_419 = arith.muli %add3A_417, %mul3A_418 : i32
        %dma_start3A_420 = tpu.memref_slice %arg7[%mul3A_419] : memref<10240xi32, #tpu.memory_space<vmem>> -> memref<128xi32, #tpu.memory_space<vmem>>
        %dma_start3A_421 = arith.constant 0 : i32
        %dma_start3A_422 = arith.constant 0 : i32
        %dma_start3A_423 = tpu.memref_slice %arg2[%dma_start3A_421, %dma_start3A_422] : memref<10112x16xf32, #tpu.memory_space<hbm>> -> memref<10112x16xf32, #tpu.memory_space<hbm>>
        tpu.enqueue_indirect_dma source(%dma_start3A_423 : memref<10112x16xf32, #tpu.memory_space<hbm>>) target(%arg12 : memref<128x16xf32, #tpu.memory_space<vmem>>) offsets(%dma_start3A_420 : memref<128xi32, #tpu.memory_space<vmem>>) semaphore(%arg16 : memref<!tpu.dma_semaphore, #tpu.memory_space<semaphore_mem>>)
      } else {
      }
    }
    %scan3A_282 = arith.constant 20 : i32
    %dma_wait3A_283 = arith.constant 9728 : i32
    %dma_wait3A_284 = tpu.memref_slice %arg8[%dma_wait3A_283] : memref<10240xi32, #tpu.memory_space<vmem>> -> memref<128xi32, #tpu.memory_space<vmem>>
    %dma_wait3A_285 = arith.constant 0 : i32
    %dma_wait3A_286 = arith.constant 0 : i32
    %dma_wait3A_287 = tpu.memref_slice %arg21[%dma_wait3A_285, %dma_wait3A_286] : memref<10112x16xf32, #tpu.memory_space<vmem_shared>> -> memref<10112x16xf32, #tpu.memory_space<vmem_shared>>
    tpu.wait_indirect_dma semaphore(%arg17 : memref<!tpu.dma_semaphore, #tpu.memory_space<semaphore_mem>>) src(%arg9 : memref<128x16xf32, #tpu.memory_space<vmem>>) dst(%dma_wait3A_287 : memref<10112x16xf32, #tpu.memory_space<vmem_shared>>)
    %dma_wait3A_288 = arith.constant 9856 : i32
    %dma_wait3A_289 = tpu.memref_slice %arg8[%dma_wait3A_288] : memref<10240xi32, #tpu.memory_space<vmem>> -> memref<128xi32, #tpu.memory_space<vmem>>
    %dma_wait3A_290 = arith.constant 0 : i32
    %dma_wait3A_291 = arith.constant 0 : i32
    %dma_wait3A_292 = tpu.memref_slice %arg21[%dma_wait3A_290, %dma_wait3A_291] : memref<10112x16xf32, #tpu.memory_space<vmem_shared>> -> memref<10112x16xf32, #tpu.memory_space<vmem_shared>>
    tpu.wait_indirect_dma semaphore(%arg18 : memref<!tpu.dma_semaphore, #tpu.memory_space<semaphore_mem>>) src(%arg10 : memref<128x16xf32, #tpu.memory_space<vmem>>) dst(%dma_wait3A_292 : memref<10112x16xf32, #tpu.memory_space<vmem_shared>>)
    %dma_wait3A_293 = arith.constant 9984 : i32
    %dma_wait3A_294 = tpu.memref_slice %arg8[%dma_wait3A_293] : memref<10240xi32, #tpu.memory_space<vmem>> -> memref<128xi32, #tpu.memory_space<vmem>>
    %dma_wait3A_295 = arith.constant 0 : i32
    %dma_wait3A_296 = arith.constant 0 : i32
    %dma_wait3A_297 = tpu.memref_slice %arg21[%dma_wait3A_295, %dma_wait3A_296] : memref<10112x16xf32, #tpu.memory_space<vmem_shared>> -> memref<10112x16xf32, #tpu.memory_space<vmem_shared>>
    tpu.wait_indirect_dma semaphore(%arg19 : memref<!tpu.dma_semaphore, #tpu.memory_space<semaphore_mem>>) src(%arg11 : memref<128x16xf32, #tpu.memory_space<vmem>>) dst(%dma_wait3A_297 : memref<10112x16xf32, #tpu.memory_space<vmem_shared>>)
    %dma_wait3A_298 = arith.constant 10112 : i32
    %dma_wait3A_299 = tpu.memref_slice %arg8[%dma_wait3A_298] : memref<10240xi32, #tpu.memory_space<vmem>> -> memref<128xi32, #tpu.memory_space<vmem>>
    %dma_wait3A_300 = arith.constant 0 : i32
    %dma_wait3A_301 = arith.constant 0 : i32
    %dma_wait3A_302 = tpu.memref_slice %arg21[%dma_wait3A_300, %dma_wait3A_301] : memref<10112x16xf32, #tpu.memory_space<vmem_shared>> -> memref<10112x16xf32, #tpu.memory_space<vmem_shared>>
    tpu.wait_indirect_dma semaphore(%arg20 : memref<!tpu.dma_semaphore, #tpu.memory_space<semaphore_mem>>) src(%arg12 : memref<128x16xf32, #tpu.memory_space<vmem>>) dst(%dma_wait3A_302 : memref<10112x16xf32, #tpu.memory_space<vmem_shared>>)
    %barrier3A_303 = arith.constant 0 : index
    tpu.barrier barrier_id(%barrier3A_303)
    "tpu.region"() ({
      %run_scoped3A = tpu.sem_alloc : memref<!tpu.dma_semaphore, #tpu.memory_space<semaphore_mem>>
      %dma_start3A_304 = arith.constant 0 : i32
      %dma_start3A_305 = tpu.memref_slice %arg6[%arg0, %mul3A_2, %dma_start3A_304] : memref<2x10112x16xf32, #tpu.memory_space<hbm>> -> memref<1x632x16xf32, #tpu.memory_space<hbm>>
      %dma_start3A_306 = tpu.memref_squeeze %dma_start3A_305 : memref<1x632x16xf32, #tpu.memory_space<hbm>> -> memref<632x16xf32, #tpu.memory_space<hbm>>
      %dma_start3A_307 = arith.constant 0 : i32
      %dma_start3A_308 = tpu.memref_slice %arg21[%mul3A_2, %dma_start3A_307] : memref<10112x16xf32, #tpu.memory_space<vmem_shared>> -> memref<632x16xf32, #tpu.memory_space<vmem_shared>>
      tpu.enqueue_dma source(%dma_start3A_308 : memref<632x16xf32, #tpu.memory_space<vmem_shared>>) target(%dma_start3A_306 : memref<632x16xf32, #tpu.memory_space<hbm>>) target_semaphore(%run_scoped3A : memref<!tpu.dma_semaphore, #tpu.memory_space<semaphore_mem>>)
      %dma_wait3A_309 = arith.constant 0 : i32
      %dma_wait3A_310 = tpu.memref_slice %arg6[%arg0, %mul3A_2, %dma_wait3A_309] : memref<2x10112x16xf32, #tpu.memory_space<hbm>> -> memref<1x632x16xf32, #tpu.memory_space<hbm>>
      %dma_wait3A_311 = tpu.memref_squeeze %dma_wait3A_310 : memref<1x632x16xf32, #tpu.memory_space<hbm>> -> memref<632x16xf32, #tpu.memory_space<hbm>>
      %dma_wait3A_312 = arith.constant 0 : i32
      %dma_wait3A_313 = tpu.memref_slice %arg21[%mul3A_2, %dma_wait3A_312] : memref<10112x16xf32, #tpu.memory_space<vmem_shared>> -> memref<632x16xf32, #tpu.memory_space<vmem_shared>>
      tpu.wait_dma2 semaphore(%run_scoped3A : memref<!tpu.dma_semaphore, #tpu.memory_space<semaphore_mem>>) src(%dma_wait3A_313 : memref<632x16xf32, #tpu.memory_space<vmem_shared>>) dst(%dma_wait3A_311 : memref<632x16xf32, #tpu.memory_space<hbm>>)
      tpu.yield
    }) : () -> ()
    return
  }
}

#map = affine_map<(d0, d1) -> (0, 0)>
#map1 = affine_map<(d0, d1) -> (0)>
#map2 = affine_map<(d0, d1) -> (0, 0, 0)>
module attributes {stable_mosaic.version = 14 : i64} {
  func.func @body(%arg0: i32, %arg1: i32, %arg2: memref<10112x64xf32, #tpu.memory_space<hbm>>, %arg3: memref<320000xi32, #tpu.memory_space<hbm>>, %arg4: memref<320000xi32, #tpu.memory_space<hbm>>, %arg5: memref<10112x64xf32, #tpu.memory_space<hbm>>, %arg6: memref<10112x16xf32, #tpu.memory_space<hbm>>, %arg7: memref<128x16xf32, #tpu.memory_space<hbm>>, %arg8: memref<2x10112x64xf32, #tpu.memory_space<hbm>>, %arg9: memref<2x10112x16xf32, #tpu.memory_space<hbm>>, %arg10: memref<10240xi32, #tpu.memory_space<vmem>>, %arg11: memref<10240xi32, #tpu.memory_space<vmem>>, %arg12: memref<128x64xf32, #tpu.memory_space<vmem>>, %arg13: memref<128x64xf32, #tpu.memory_space<vmem>>, %arg14: memref<128x64xf32, #tpu.memory_space<vmem>>, %arg15: memref<128x64xf32, #tpu.memory_space<vmem>>, %arg16: memref<!tpu.dma_semaphore, #tpu.memory_space<semaphore_mem>>, %arg17: memref<!tpu.dma_semaphore, #tpu.memory_space<semaphore_mem>>, %arg18: memref<!tpu.dma_semaphore, #tpu.memory_space<semaphore_mem>>, %arg19: memref<!tpu.dma_semaphore, #tpu.memory_space<semaphore_mem>>, %arg20: memref<!tpu.dma_semaphore, #tpu.memory_space<semaphore_mem>>, %arg21: memref<!tpu.dma_semaphore, #tpu.memory_space<semaphore_mem>>, %arg22: memref<!tpu.dma_semaphore, #tpu.memory_space<semaphore_mem>>, %arg23: memref<!tpu.dma_semaphore, #tpu.memory_space<semaphore_mem>>, %arg24: memref<10112x64xf32, #tpu.memory_space<vmem_shared>>, %arg25: memref<128x16xf32, #tpu.memory_space<vmem>>, %arg26: memref<!tpu.dma_semaphore, #tpu.memory_space<semaphore_mem>>, %arg27: memref<10112x16xf32, #tpu.memory_space<vmem_shared>>) attributes {dimension_semantics = [#tpu.dimension_semantics<core_parallel>, #tpu.dimension_semantics<subcore_parallel>], iteration_bounds = array<i64: 2, 16>, scalar_prefetch = 0 : i64, scratch_operands = 18 : i64, tpu.core_type = #tpu.core_type<sc_vector_subcore>, window_params = [{transform_indices = #map}, {transform_indices = #map1}, {transform_indices = #map1}, {transform_indices = #map}, {transform_indices = #map}, {transform_indices = #map}, {transform_indices = #map2}, {transform_indices = #map2}]} {
    %mul3A = arith.constant 16 : i32
    %mul3A_0 = arith.muli %arg0, %mul3A : i32
    %add3A = arith.addi %mul3A_0, %arg1 : i32
    %mul3A_1 = arith.constant 632 : i32
    %mul3A_2 = arith.muli %arg1, %mul3A_1 : i32
    %mul3A_3 = arith.constant 10000 : i32
    %mul3A_4 = arith.muli %add3A, %mul3A_3 : i32
    %dma_start3A = arith.constant 0 : i32
    %dma_start3A_5 = tpu.memref_slice %arg24[%mul3A_2, %dma_start3A] : memref<10112x64xf32, #tpu.memory_space<vmem_shared>> -> memref<632x64xf32, #tpu.memory_space<vmem_shared>>
    %dma_start3A_6 = arith.constant 0 : i32
    %dma_start3A_7 = tpu.memref_slice %arg5[%mul3A_2, %dma_start3A_6] : memref<10112x64xf32, #tpu.memory_space<hbm>> -> memref<632x64xf32, #tpu.memory_space<hbm>>
    tpu.enqueue_dma source(%dma_start3A_7 : memref<632x64xf32, #tpu.memory_space<hbm>>) target(%dma_start3A_5 : memref<632x64xf32, #tpu.memory_space<vmem_shared>>) target_semaphore(%arg16 : memref<!tpu.dma_semaphore, #tpu.memory_space<semaphore_mem>>)
    %dma_start3A_8 = arith.constant 0 : i32
    %dma_start3A_9 = tpu.memref_slice %arg10[%dma_start3A_8] : memref<10240xi32, #tpu.memory_space<vmem>> -> memref<10000xi32, #tpu.memory_space<vmem>>
    %dma_start3A_10 = tpu.memref_slice %arg3[%mul3A_4] : memref<320000xi32, #tpu.memory_space<hbm>> -> memref<10000xi32, #tpu.memory_space<hbm>>
    %dma_start3A_11 = arith.constant 0 : i32
    %dma_start3A_12 = tpu.memref_slice %arg10[%dma_start3A_11] : memref<10240xi32, #tpu.memory_space<vmem>> -> memref<10000xi32, #tpu.memory_space<vmem>>
    %dma_start3A_13 = tpu.memref_slice %arg3[%mul3A_4] : memref<320000xi32, #tpu.memory_space<hbm>> -> memref<10000xi32, #tpu.memory_space<hbm>>
    tpu.enqueue_dma source(%dma_start3A_13 : memref<10000xi32, #tpu.memory_space<hbm>>) target(%dma_start3A_12 : memref<10000xi32, #tpu.memory_space<vmem>>) target_semaphore(%arg17 : memref<!tpu.dma_semaphore, #tpu.memory_space<semaphore_mem>>)
    %dma_start3A_14 = arith.constant 0 : i32
    %dma_start3A_15 = tpu.memref_slice %arg11[%dma_start3A_14] : memref<10240xi32, #tpu.memory_space<vmem>> -> memref<10000xi32, #tpu.memory_space<vmem>>
    %dma_start3A_16 = tpu.memref_slice %arg4[%mul3A_4] : memref<320000xi32, #tpu.memory_space<hbm>> -> memref<10000xi32, #tpu.memory_space<hbm>>
    %dma_start3A_17 = arith.constant 0 : i32
    %dma_start3A_18 = tpu.memref_slice %arg11[%dma_start3A_17] : memref<10240xi32, #tpu.memory_space<vmem>> -> memref<10000xi32, #tpu.memory_space<vmem>>
    %dma_start3A_19 = tpu.memref_slice %arg4[%mul3A_4] : memref<320000xi32, #tpu.memory_space<hbm>> -> memref<10000xi32, #tpu.memory_space<hbm>>
    tpu.enqueue_dma source(%dma_start3A_19 : memref<10000xi32, #tpu.memory_space<hbm>>) target(%dma_start3A_18 : memref<10000xi32, #tpu.memory_space<vmem>>) target_semaphore(%arg18 : memref<!tpu.dma_semaphore, #tpu.memory_space<semaphore_mem>>)
    %dma_start3A_20 = arith.constant 0 : i32
    %dma_start3A_21 = tpu.memref_slice %arg27[%mul3A_2, %dma_start3A_20] : memref<10112x16xf32, #tpu.memory_space<vmem_shared>> -> memref<632x16xf32, #tpu.memory_space<vmem_shared>>
    %dma_start3A_22 = arith.constant 0 : i32
    %dma_start3A_23 = tpu.memref_slice %arg6[%mul3A_2, %dma_start3A_22] : memref<10112x16xf32, #tpu.memory_space<hbm>> -> memref<632x16xf32, #tpu.memory_space<hbm>>
    tpu.enqueue_dma source(%dma_start3A_23 : memref<632x16xf32, #tpu.memory_space<hbm>>) target(%dma_start3A_21 : memref<632x16xf32, #tpu.memory_space<vmem_shared>>) target_semaphore(%arg19 : memref<!tpu.dma_semaphore, #tpu.memory_space<semaphore_mem>>)
    tpu.enqueue_dma source(%arg7 : memref<128x16xf32, #tpu.memory_space<hbm>>) target(%arg25 : memref<128x16xf32, #tpu.memory_space<vmem>>) target_semaphore(%arg20 : memref<!tpu.dma_semaphore, #tpu.memory_space<semaphore_mem>>)
    %dma_wait3A = arith.constant 0 : i32
    %dma_wait3A_24 = tpu.memref_slice %arg27[%mul3A_2, %dma_wait3A] : memref<10112x16xf32, #tpu.memory_space<vmem_shared>> -> memref<632x16xf32, #tpu.memory_space<vmem_shared>>
    %dma_wait3A_25 = arith.constant 0 : i32
    %dma_wait3A_26 = tpu.memref_slice %arg6[%mul3A_2, %dma_wait3A_25] : memref<10112x16xf32, #tpu.memory_space<hbm>> -> memref<632x16xf32, #tpu.memory_space<hbm>>
    tpu.wait_dma2 semaphore(%arg19 : memref<!tpu.dma_semaphore, #tpu.memory_space<semaphore_mem>>) src(%dma_wait3A_26 : memref<632x16xf32, #tpu.memory_space<hbm>>) dst(%dma_wait3A_24 : memref<632x16xf32, #tpu.memory_space<vmem_shared>>)
    tpu.wait_dma2 semaphore(%arg20 : memref<!tpu.dma_semaphore, #tpu.memory_space<semaphore_mem>>) src(%arg7 : memref<128x16xf32, #tpu.memory_space<hbm>>) dst(%arg25 : memref<128x16xf32, #tpu.memory_space<vmem>>)
    %dma_wait3A_27 = arith.constant 0 : i32
    %dma_wait3A_28 = tpu.memref_slice %arg24[%mul3A_2, %dma_wait3A_27] : memref<10112x64xf32, #tpu.memory_space<vmem_shared>> -> memref<632x64xf32, #tpu.memory_space<vmem_shared>>
    %dma_wait3A_29 = arith.constant 0 : i32
    %dma_wait3A_30 = tpu.memref_slice %arg5[%mul3A_2, %dma_wait3A_29] : memref<10112x64xf32, #tpu.memory_space<hbm>> -> memref<632x64xf32, #tpu.memory_space<hbm>>
    tpu.wait_dma2 semaphore(%arg16 : memref<!tpu.dma_semaphore, #tpu.memory_space<semaphore_mem>>) src(%dma_wait3A_30 : memref<632x64xf32, #tpu.memory_space<hbm>>) dst(%dma_wait3A_28 : memref<632x64xf32, #tpu.memory_space<vmem_shared>>)
    %dma_wait3A_31 = arith.constant 0 : i32
    %dma_wait3A_32 = tpu.memref_slice %arg10[%dma_wait3A_31] : memref<10240xi32, #tpu.memory_space<vmem>> -> memref<10000xi32, #tpu.memory_space<vmem>>
    %dma_wait3A_33 = tpu.memref_slice %arg3[%mul3A_4] : memref<320000xi32, #tpu.memory_space<hbm>> -> memref<10000xi32, #tpu.memory_space<hbm>>
    %dma_wait3A_34 = arith.constant 0 : i32
    %dma_wait3A_35 = tpu.memref_slice %arg10[%dma_wait3A_34] : memref<10240xi32, #tpu.memory_space<vmem>> -> memref<10000xi32, #tpu.memory_space<vmem>>
    %dma_wait3A_36 = tpu.memref_slice %arg3[%mul3A_4] : memref<320000xi32, #tpu.memory_space<hbm>> -> memref<10000xi32, #tpu.memory_space<hbm>>
    tpu.wait_dma2 semaphore(%arg17 : memref<!tpu.dma_semaphore, #tpu.memory_space<semaphore_mem>>) src(%dma_wait3A_36 : memref<10000xi32, #tpu.memory_space<hbm>>) dst(%dma_wait3A_35 : memref<10000xi32, #tpu.memory_space<vmem>>)
    %dma_wait3A_37 = arith.constant 0 : i32
    %dma_wait3A_38 = tpu.memref_slice %arg11[%dma_wait3A_37] : memref<10240xi32, #tpu.memory_space<vmem>> -> memref<10000xi32, #tpu.memory_space<vmem>>
    %dma_wait3A_39 = tpu.memref_slice %arg4[%mul3A_4] : memref<320000xi32, #tpu.memory_space<hbm>> -> memref<10000xi32, #tpu.memory_space<hbm>>
    %dma_wait3A_40 = arith.constant 0 : i32
    %dma_wait3A_41 = tpu.memref_slice %arg11[%dma_wait3A_40] : memref<10240xi32, #tpu.memory_space<vmem>> -> memref<10000xi32, #tpu.memory_space<vmem>>
    %dma_wait3A_42 = tpu.memref_slice %arg4[%mul3A_4] : memref<320000xi32, #tpu.memory_space<hbm>> -> memref<10000xi32, #tpu.memory_space<hbm>>
    tpu.wait_dma2 semaphore(%arg18 : memref<!tpu.dma_semaphore, #tpu.memory_space<semaphore_mem>>) src(%dma_wait3A_42 : memref<10000xi32, #tpu.memory_space<hbm>>) dst(%dma_wait3A_41 : memref<10000xi32, #tpu.memory_space<vmem>>)
    %iota3A = tpu.iota {dimensions = array<i32: 0>} : vector<16xi32>
    %mul3A_43 = arith.constant 16 : i32
    %mul3A_44 = arith.muli %arg1, %mul3A_43 : i32
    %add3A_45 = vector.broadcast %mul3A_44 : i32 to vector<16xi32>
    %add3A_46 = arith.addi %iota3A, %add3A_45 : vector<16xi32>
    %swap3A = arith.constant 10000 : index
    %swap3A_47 = tpu.vector_load %arg10[%swap3A] {strides = array<i32>} : memref<10240xi32, #tpu.memory_space<vmem>>, vector<16xi32>,
    %swap3A_48 = vector.shape_cast %swap3A_47 : vector<16xi32> to vector<16xi32>
    %swap3A_49 = vector.shape_cast %add3A_46 : vector<16xi32> to vector<16xi32>
    tpu.vector_store %arg10[%swap3A], %swap3A_49 {strides = array<i32>} : memref<10240xi32, #tpu.memory_space<vmem>>, vector<16xi32>,
    %add3A_50 = arith.constant 10096 : i32
    %add3A_51 = vector.broadcast %add3A_50 : i32 to vector<16xi32>
    %add3A_52 = arith.addi %iota3A, %add3A_51 : vector<16xi32>
    %swap3A_53 = arith.constant 10000 : index
    %swap3A_54 = tpu.vector_load %arg11[%swap3A_53] {strides = array<i32>} : memref<10240xi32, #tpu.memory_space<vmem>>, vector<16xi32>,
    %swap3A_55 = vector.shape_cast %swap3A_54 : vector<16xi32> to vector<16xi32>
    %swap3A_56 = vector.shape_cast %add3A_52 : vector<16xi32> to vector<16xi32>
    tpu.vector_store %arg11[%swap3A_53], %swap3A_56 {strides = array<i32>} : memref<10240xi32, #tpu.memory_space<vmem>>, vector<16xi32>,
    %mul3A_57 = arith.constant 16 : i32
    %mul3A_58 = arith.muli %arg1, %mul3A_57 : i32
    %add3A_59 = vector.broadcast %mul3A_58 : i32 to vector<16xi32>
    %add3A_60 = arith.addi %iota3A, %add3A_59 : vector<16xi32>
    %swap3A_61 = arith.constant 10016 : index
    %swap3A_62 = tpu.vector_load %arg10[%swap3A_61] {strides = array<i32>} : memref<10240xi32, #tpu.memory_space<vmem>>, vector<16xi32>,
    %swap3A_63 = vector.shape_cast %swap3A_62 : vector<16xi32> to vector<16xi32>
    %swap3A_64 = vector.shape_cast %add3A_60 : vector<16xi32> to vector<16xi32>
    tpu.vector_store %arg10[%swap3A_61], %swap3A_64 {strides = array<i32>} : memref<10240xi32, #tpu.memory_space<vmem>>, vector<16xi32>,
    %add3A_65 = arith.constant 10096 : i32
    %add3A_66 = vector.broadcast %add3A_65 : i32 to vector<16xi32>
    %add3A_67 = arith.addi %iota3A, %add3A_66 : vector<16xi32>
    %swap3A_68 = arith.constant 10016 : index
    %swap3A_69 = tpu.vector_load %arg11[%swap3A_68] {strides = array<i32>} : memref<10240xi32, #tpu.memory_space<vmem>>, vector<16xi32>,
    %swap3A_70 = vector.shape_cast %swap3A_69 : vector<16xi32> to vector<16xi32>
    %swap3A_71 = vector.shape_cast %add3A_67 : vector<16xi32> to vector<16xi32>
    tpu.vector_store %arg11[%swap3A_68], %swap3A_71 {strides = array<i32>} : memref<10240xi32, #tpu.memory_space<vmem>>, vector<16xi32>,
    %mul3A_72 = arith.constant 16 : i32
    %mul3A_73 = arith.muli %arg1, %mul3A_72 : i32
    %add3A_74 = vector.broadcast %mul3A_73 : i32 to vector<16xi32>
    %add3A_75 = arith.addi %iota3A, %add3A_74 : vector<16xi32>
    %swap3A_76 = arith.constant 10032 : index
    %swap3A_77 = tpu.vector_load %arg10[%swap3A_76] {strides = array<i32>} : memref<10240xi32, #tpu.memory_space<vmem>>, vector<16xi32>,
    %swap3A_78 = vector.shape_cast %swap3A_77 : vector<16xi32> to vector<16xi32>
    %swap3A_79 = vector.shape_cast %add3A_75 : vector<16xi32> to vector<16xi32>
    tpu.vector_store %arg10[%swap3A_76], %swap3A_79 {strides = array<i32>} : memref<10240xi32, #tpu.memory_space<vmem>>, vector<16xi32>,
    %add3A_80 = arith.constant 10096 : i32
    %add3A_81 = vector.broadcast %add3A_80 : i32 to vector<16xi32>
    %add3A_82 = arith.addi %iota3A, %add3A_81 : vector<16xi32>
    %swap3A_83 = arith.constant 10032 : index
    %swap3A_84 = tpu.vector_load %arg11[%swap3A_83] {strides = array<i32>} : memref<10240xi32, #tpu.memory_space<vmem>>, vector<16xi32>,
    %swap3A_85 = vector.shape_cast %swap3A_84 : vector<16xi32> to vector<16xi32>
    %swap3A_86 = vector.shape_cast %add3A_82 : vector<16xi32> to vector<16xi32>
    tpu.vector_store %arg11[%swap3A_83], %swap3A_86 {strides = array<i32>} : memref<10240xi32, #tpu.memory_space<vmem>>, vector<16xi32>,
    %mul3A_87 = arith.constant 16 : i32
    %mul3A_88 = arith.muli %arg1, %mul3A_87 : i32
    %add3A_89 = vector.broadcast %mul3A_88 : i32 to vector<16xi32>
    %add3A_90 = arith.addi %iota3A, %add3A_89 : vector<16xi32>
    %swap3A_91 = arith.constant 10048 : index
    %swap3A_92 = tpu.vector_load %arg10[%swap3A_91] {strides = array<i32>} : memref<10240xi32, #tpu.memory_space<vmem>>, vector<16xi32>,
    %swap3A_93 = vector.shape_cast %swap3A_92 : vector<16xi32> to vector<16xi32>
    %swap3A_94 = vector.shape_cast %add3A_90 : vector<16xi32> to vector<16xi32>
    tpu.vector_store %arg10[%swap3A_91], %swap3A_94 {strides = array<i32>} : memref<10240xi32, #tpu.memory_space<vmem>>, vector<16xi32>,
    %add3A_95 = arith.constant 10096 : i32
    %add3A_96 = vector.broadcast %add3A_95 : i32 to vector<16xi32>
    %add3A_97 = arith.addi %iota3A, %add3A_96 : vector<16xi32>
    %swap3A_98 = arith.constant 10048 : index
    %swap3A_99 = tpu.vector_load %arg11[%swap3A_98] {strides = array<i32>} : memref<10240xi32, #tpu.memory_space<vmem>>, vector<16xi32>,
    %swap3A_100 = vector.shape_cast %swap3A_99 : vector<16xi32> to vector<16xi32>
    %swap3A_101 = vector.shape_cast %add3A_97 : vector<16xi32> to vector<16xi32>
    tpu.vector_store %arg11[%swap3A_98], %swap3A_101 {strides = array<i32>} : memref<10240xi32, #tpu.memory_space<vmem>>, vector<16xi32>,
    %mul3A_102 = arith.constant 16 : i32
    %mul3A_103 = arith.muli %arg1, %mul3A_102 : i32
    %add3A_104 = vector.broadcast %mul3A_103 : i32 to vector<16xi32>
    %add3A_105 = arith.addi %iota3A, %add3A_104 : vector<16xi32>
    %swap3A_106 = arith.constant 10064 : index
    %swap3A_107 = tpu.vector_load %arg10[%swap3A_106] {strides = array<i32>} : memref<10240xi32, #tpu.memory_space<vmem>>, vector<16xi32>,
    %swap3A_108 = vector.shape_cast %swap3A_107 : vector<16xi32> to vector<16xi32>
    %swap3A_109 = vector.shape_cast %add3A_105 : vector<16xi32> to vector<16xi32>
    tpu.vector_store %arg10[%swap3A_106], %swap3A_109 {strides = array<i32>} : memref<10240xi32, #tpu.memory_space<vmem>>, vector<16xi32>,
    %add3A_110 = arith.constant 10096 : i32
    %add3A_111 = vector.broadcast %add3A_110 : i32 to vector<16xi32>
    %add3A_112 = arith.addi %iota3A, %add3A_111 : vector<16xi32>
    %swap3A_113 = arith.constant 10064 : index
    %swap3A_114 = tpu.vector_load %arg11[%swap3A_113] {strides = array<i32>} : memref<10240xi32, #tpu.memory_space<vmem>>, vector<16xi32>,
    %swap3A_115 = vector.shape_cast %swap3A_114 : vector<16xi32> to vector<16xi32>
    %swap3A_116 = vector.shape_cast %add3A_112 : vector<16xi32> to vector<16xi32>
    tpu.vector_store %arg11[%swap3A_113], %swap3A_116 {strides = array<i32>} : memref<10240xi32, #tpu.memory_space<vmem>>, vector<16xi32>,
    %mul3A_117 = arith.constant 16 : i32
    %mul3A_118 = arith.muli %arg1, %mul3A_117 : i32
    %add3A_119 = vector.broadcast %mul3A_118 : i32 to vector<16xi32>
    %add3A_120 = arith.addi %iota3A, %add3A_119 : vector<16xi32>
    %swap3A_121 = arith.constant 10080 : index
    %swap3A_122 = tpu.vector_load %arg10[%swap3A_121] {strides = array<i32>} : memref<10240xi32, #tpu.memory_space<vmem>>, vector<16xi32>,
    %swap3A_123 = vector.shape_cast %swap3A_122 : vector<16xi32> to vector<16xi32>
    %swap3A_124 = vector.shape_cast %add3A_120 : vector<16xi32> to vector<16xi32>
    tpu.vector_store %arg10[%swap3A_121], %swap3A_124 {strides = array<i32>} : memref<10240xi32, #tpu.memory_space<vmem>>, vector<16xi32>,
    %add3A_125 = arith.constant 10096 : i32
    %add3A_126 = vector.broadcast %add3A_125 : i32 to vector<16xi32>
    %add3A_127 = arith.addi %iota3A, %add3A_126 : vector<16xi32>
    %swap3A_128 = arith.constant 10080 : index
    %swap3A_129 = tpu.vector_load %arg11[%swap3A_128] {strides = array<i32>} : memref<10240xi32, #tpu.memory_space<vmem>>, vector<16xi32>,
    %swap3A_130 = vector.shape_cast %swap3A_129 : vector<16xi32> to vector<16xi32>
    %swap3A_131 = vector.shape_cast %add3A_127 : vector<16xi32> to vector<16xi32>
    tpu.vector_store %arg11[%swap3A_128], %swap3A_131 {strides = array<i32>} : memref<10240xi32, #tpu.memory_space<vmem>>, vector<16xi32>,
    %mul3A_132 = arith.constant 16 : i32
    %mul3A_133 = arith.muli %arg1, %mul3A_132 : i32
    %add3A_134 = vector.broadcast %mul3A_133 : i32 to vector<16xi32>
    %add3A_135 = arith.addi %iota3A, %add3A_134 : vector<16xi32>
    %swap3A_136 = arith.constant 10096 : index
    %swap3A_137 = tpu.vector_load %arg10[%swap3A_136] {strides = array<i32>} : memref<10240xi32, #tpu.memory_space<vmem>>, vector<16xi32>,
    %swap3A_138 = vector.shape_cast %swap3A_137 : vector<16xi32> to vector<16xi32>
    %swap3A_139 = vector.shape_cast %add3A_135 : vector<16xi32> to vector<16xi32>
    tpu.vector_store %arg10[%swap3A_136], %swap3A_139 {strides = array<i32>} : memref<10240xi32, #tpu.memory_space<vmem>>, vector<16xi32>,
    %add3A_140 = arith.constant 10096 : i32
    %add3A_141 = vector.broadcast %add3A_140 : i32 to vector<16xi32>
    %add3A_142 = arith.addi %iota3A, %add3A_141 : vector<16xi32>
    %swap3A_143 = arith.constant 10096 : index
    %swap3A_144 = tpu.vector_load %arg11[%swap3A_143] {strides = array<i32>} : memref<10240xi32, #tpu.memory_space<vmem>>, vector<16xi32>,
    %swap3A_145 = vector.shape_cast %swap3A_144 : vector<16xi32> to vector<16xi32>
    %swap3A_146 = vector.shape_cast %add3A_142 : vector<16xi32> to vector<16xi32>
    tpu.vector_store %arg11[%swap3A_143], %swap3A_146 {strides = array<i32>} : memref<10240xi32, #tpu.memory_space<vmem>>, vector<16xi32>,
    %mul3A_147 = arith.constant 16 : i32
    %mul3A_148 = arith.muli %arg1, %mul3A_147 : i32
    %add3A_149 = vector.broadcast %mul3A_148 : i32 to vector<16xi32>
    %add3A_150 = arith.addi %iota3A, %add3A_149 : vector<16xi32>
    %swap3A_151 = arith.constant 10112 : index
    %swap3A_152 = tpu.vector_load %arg10[%swap3A_151] {strides = array<i32>} : memref<10240xi32, #tpu.memory_space<vmem>>, vector<16xi32>,
    %swap3A_153 = vector.shape_cast %swap3A_152 : vector<16xi32> to vector<16xi32>
    %swap3A_154 = vector.shape_cast %add3A_150 : vector<16xi32> to vector<16xi32>
    tpu.vector_store %arg10[%swap3A_151], %swap3A_154 {strides = array<i32>} : memref<10240xi32, #tpu.memory_space<vmem>>, vector<16xi32>,
    %add3A_155 = arith.constant 10096 : i32
    %add3A_156 = vector.broadcast %add3A_155 : i32 to vector<16xi32>
    %add3A_157 = arith.addi %iota3A, %add3A_156 : vector<16xi32>
    %swap3A_158 = arith.constant 10112 : index
    %swap3A_159 = tpu.vector_load %arg11[%swap3A_158] {strides = array<i32>} : memref<10240xi32, #tpu.memory_space<vmem>>, vector<16xi32>,
    %swap3A_160 = vector.shape_cast %swap3A_159 : vector<16xi32> to vector<16xi32>
    %swap3A_161 = vector.shape_cast %add3A_157 : vector<16xi32> to vector<16xi32>
    tpu.vector_store %arg11[%swap3A_158], %swap3A_161 {strides = array<i32>} : memref<10240xi32, #tpu.memory_space<vmem>>, vector<16xi32>,
    %mul3A_162 = arith.constant 16 : i32
    %mul3A_163 = arith.muli %arg1, %mul3A_162 : i32
    %add3A_164 = vector.broadcast %mul3A_163 : i32 to vector<16xi32>
    %add3A_165 = arith.addi %iota3A, %add3A_164 : vector<16xi32>
    %swap3A_166 = arith.constant 10128 : index
    %swap3A_167 = tpu.vector_load %arg10[%swap3A_166] {strides = array<i32>} : memref<10240xi32, #tpu.memory_space<vmem>>, vector<16xi32>,
    %swap3A_168 = vector.shape_cast %swap3A_167 : vector<16xi32> to vector<16xi32>
    %swap3A_169 = vector.shape_cast %add3A_165 : vector<16xi32> to vector<16xi32>
    tpu.vector_store %arg10[%swap3A_166], %swap3A_169 {strides = array<i32>} : memref<10240xi32, #tpu.memory_space<vmem>>, vector<16xi32>,
    %add3A_170 = arith.constant 10096 : i32
    %add3A_171 = vector.broadcast %add3A_170 : i32 to vector<16xi32>
    %add3A_172 = arith.addi %iota3A, %add3A_171 : vector<16xi32>
    %swap3A_173 = arith.constant 10128 : index
    %swap3A_174 = tpu.vector_load %arg11[%swap3A_173] {strides = array<i32>} : memref<10240xi32, #tpu.memory_space<vmem>>, vector<16xi32>,
    %swap3A_175 = vector.shape_cast %swap3A_174 : vector<16xi32> to vector<16xi32>
    %swap3A_176 = vector.shape_cast %add3A_172 : vector<16xi32> to vector<16xi32>
    tpu.vector_store %arg11[%swap3A_173], %swap3A_176 {strides = array<i32>} : memref<10240xi32, #tpu.memory_space<vmem>>, vector<16xi32>,
    %mul3A_177 = arith.constant 16 : i32
    %mul3A_178 = arith.muli %arg1, %mul3A_177 : i32
    %add3A_179 = vector.broadcast %mul3A_178 : i32 to vector<16xi32>
    %add3A_180 = arith.addi %iota3A, %add3A_179 : vector<16xi32>
    %swap3A_181 = arith.constant 10144 : index
    %swap3A_182 = tpu.vector_load %arg10[%swap3A_181] {strides = array<i32>} : memref<10240xi32, #tpu.memory_space<vmem>>, vector<16xi32>,
    %swap3A_183 = vector.shape_cast %swap3A_182 : vector<16xi32> to vector<16xi32>
    %swap3A_184 = vector.shape_cast %add3A_180 : vector<16xi32> to vector<16xi32>
    tpu.vector_store %arg10[%swap3A_181], %swap3A_184 {strides = array<i32>} : memref<10240xi32, #tpu.memory_space<vmem>>, vector<16xi32>,
    %add3A_185 = arith.constant 10096 : i32
    %add3A_186 = vector.broadcast %add3A_185 : i32 to vector<16xi32>
    %add3A_187 = arith.addi %iota3A, %add3A_186 : vector<16xi32>
    %swap3A_188 = arith.constant 10144 : index
    %swap3A_189 = tpu.vector_load %arg11[%swap3A_188] {strides = array<i32>} : memref<10240xi32, #tpu.memory_space<vmem>>, vector<16xi32>,
    %swap3A_190 = vector.shape_cast %swap3A_189 : vector<16xi32> to vector<16xi32>
    %swap3A_191 = vector.shape_cast %add3A_187 : vector<16xi32> to vector<16xi32>
    tpu.vector_store %arg11[%swap3A_188], %swap3A_191 {strides = array<i32>} : memref<10240xi32, #tpu.memory_space<vmem>>, vector<16xi32>,
    %mul3A_192 = arith.constant 16 : i32
    %mul3A_193 = arith.muli %arg1, %mul3A_192 : i32
    %add3A_194 = vector.broadcast %mul3A_193 : i32 to vector<16xi32>
    %add3A_195 = arith.addi %iota3A, %add3A_194 : vector<16xi32>
    %swap3A_196 = arith.constant 10160 : index
    %swap3A_197 = tpu.vector_load %arg10[%swap3A_196] {strides = array<i32>} : memref<10240xi32, #tpu.memory_space<vmem>>, vector<16xi32>,
    %swap3A_198 = vector.shape_cast %swap3A_197 : vector<16xi32> to vector<16xi32>
    %swap3A_199 = vector.shape_cast %add3A_195 : vector<16xi32> to vector<16xi32>
    tpu.vector_store %arg10[%swap3A_196], %swap3A_199 {strides = array<i32>} : memref<10240xi32, #tpu.memory_space<vmem>>, vector<16xi32>,
    %add3A_200 = arith.constant 10096 : i32
    %add3A_201 = vector.broadcast %add3A_200 : i32 to vector<16xi32>
    %add3A_202 = arith.addi %iota3A, %add3A_201 : vector<16xi32>
    %swap3A_203 = arith.constant 10160 : index
    %swap3A_204 = tpu.vector_load %arg11[%swap3A_203] {strides = array<i32>} : memref<10240xi32, #tpu.memory_space<vmem>>, vector<16xi32>,
    %swap3A_205 = vector.shape_cast %swap3A_204 : vector<16xi32> to vector<16xi32>
    %swap3A_206 = vector.shape_cast %add3A_202 : vector<16xi32> to vector<16xi32>
    tpu.vector_store %arg11[%swap3A_203], %swap3A_206 {strides = array<i32>} : memref<10240xi32, #tpu.memory_space<vmem>>, vector<16xi32>,
    %mul3A_207 = arith.constant 16 : i32
    %mul3A_208 = arith.muli %arg1, %mul3A_207 : i32
    %add3A_209 = vector.broadcast %mul3A_208 : i32 to vector<16xi32>
    %add3A_210 = arith.addi %iota3A, %add3A_209 : vector<16xi32>
    %swap3A_211 = arith.constant 10176 : index
    %swap3A_212 = tpu.vector_load %arg10[%swap3A_211] {strides = array<i32>} : memref<10240xi32, #tpu.memory_space<vmem>>, vector<16xi32>,
    %swap3A_213 = vector.shape_cast %swap3A_212 : vector<16xi32> to vector<16xi32>
    %swap3A_214 = vector.shape_cast %add3A_210 : vector<16xi32> to vector<16xi32>
    tpu.vector_store %arg10[%swap3A_211], %swap3A_214 {strides = array<i32>} : memref<10240xi32, #tpu.memory_space<vmem>>, vector<16xi32>,
    %add3A_215 = arith.constant 10096 : i32
    %add3A_216 = vector.broadcast %add3A_215 : i32 to vector<16xi32>
    %add3A_217 = arith.addi %iota3A, %add3A_216 : vector<16xi32>
    %swap3A_218 = arith.constant 10176 : index
    %swap3A_219 = tpu.vector_load %arg11[%swap3A_218] {strides = array<i32>} : memref<10240xi32, #tpu.memory_space<vmem>>, vector<16xi32>,
    %swap3A_220 = vector.shape_cast %swap3A_219 : vector<16xi32> to vector<16xi32>
    %swap3A_221 = vector.shape_cast %add3A_217 : vector<16xi32> to vector<16xi32>
    tpu.vector_store %arg11[%swap3A_218], %swap3A_221 {strides = array<i32>} : memref<10240xi32, #tpu.memory_space<vmem>>, vector<16xi32>,
    %mul3A_222 = arith.constant 16 : i32
    %mul3A_223 = arith.muli %arg1, %mul3A_222 : i32
    %add3A_224 = vector.broadcast %mul3A_223 : i32 to vector<16xi32>
    %add3A_225 = arith.addi %iota3A, %add3A_224 : vector<16xi32>
    %swap3A_226 = arith.constant 10192 : index
    %swap3A_227 = tpu.vector_load %arg10[%swap3A_226] {strides = array<i32>} : memref<10240xi32, #tpu.memory_space<vmem>>, vector<16xi32>,
    %swap3A_228 = vector.shape_cast %swap3A_227 : vector<16xi32> to vector<16xi32>
    %swap3A_229 = vector.shape_cast %add3A_225 : vector<16xi32> to vector<16xi32>
    tpu.vector_store %arg10[%swap3A_226], %swap3A_229 {strides = array<i32>} : memref<10240xi32, #tpu.memory_space<vmem>>, vector<16xi32>,
    %add3A_230 = arith.constant 10096 : i32
    %add3A_231 = vector.broadcast %add3A_230 : i32 to vector<16xi32>
    %add3A_232 = arith.addi %iota3A, %add3A_231 : vector<16xi32>
    %swap3A_233 = arith.constant 10192 : index
    %swap3A_234 = tpu.vector_load %arg11[%swap3A_233] {strides = array<i32>} : memref<10240xi32, #tpu.memory_space<vmem>>, vector<16xi32>,
    %swap3A_235 = vector.shape_cast %swap3A_234 : vector<16xi32> to vector<16xi32>
    %swap3A_236 = vector.shape_cast %add3A_232 : vector<16xi32> to vector<16xi32>
    tpu.vector_store %arg11[%swap3A_233], %swap3A_236 {strides = array<i32>} : memref<10240xi32, #tpu.memory_space<vmem>>, vector<16xi32>,
    %mul3A_237 = arith.constant 16 : i32
    %mul3A_238 = arith.muli %arg1, %mul3A_237 : i32
    %add3A_239 = vector.broadcast %mul3A_238 : i32 to vector<16xi32>
    %add3A_240 = arith.addi %iota3A, %add3A_239 : vector<16xi32>
    %swap3A_241 = arith.constant 10208 : index
    %swap3A_242 = tpu.vector_load %arg10[%swap3A_241] {strides = array<i32>} : memref<10240xi32, #tpu.memory_space<vmem>>, vector<16xi32>,
    %swap3A_243 = vector.shape_cast %swap3A_242 : vector<16xi32> to vector<16xi32>
    %swap3A_244 = vector.shape_cast %add3A_240 : vector<16xi32> to vector<16xi32>
    tpu.vector_store %arg10[%swap3A_241], %swap3A_244 {strides = array<i32>} : memref<10240xi32, #tpu.memory_space<vmem>>, vector<16xi32>,
    %add3A_245 = arith.constant 10096 : i32
    %add3A_246 = vector.broadcast %add3A_245 : i32 to vector<16xi32>
    %add3A_247 = arith.addi %iota3A, %add3A_246 : vector<16xi32>
    %swap3A_248 = arith.constant 10208 : index
    %swap3A_249 = tpu.vector_load %arg11[%swap3A_248] {strides = array<i32>} : memref<10240xi32, #tpu.memory_space<vmem>>, vector<16xi32>,
    %swap3A_250 = vector.shape_cast %swap3A_249 : vector<16xi32> to vector<16xi32>
    %swap3A_251 = vector.shape_cast %add3A_247 : vector<16xi32> to vector<16xi32>
    tpu.vector_store %arg11[%swap3A_248], %swap3A_251 {strides = array<i32>} : memref<10240xi32, #tpu.memory_space<vmem>>, vector<16xi32>,
    %mul3A_252 = arith.constant 16 : i32
    %mul3A_253 = arith.muli %arg1, %mul3A_252 : i32
    %add3A_254 = vector.broadcast %mul3A_253 : i32 to vector<16xi32>
    %add3A_255 = arith.addi %iota3A, %add3A_254 : vector<16xi32>
    %swap3A_256 = arith.constant 10224 : index
    %swap3A_257 = tpu.vector_load %arg10[%swap3A_256] {strides = array<i32>} : memref<10240xi32, #tpu.memory_space<vmem>>, vector<16xi32>,
    %swap3A_258 = vector.shape_cast %swap3A_257 : vector<16xi32> to vector<16xi32>
    %swap3A_259 = vector.shape_cast %add3A_255 : vector<16xi32> to vector<16xi32>
    tpu.vector_store %arg10[%swap3A_256], %swap3A_259 {strides = array<i32>} : memref<10240xi32, #tpu.memory_space<vmem>>, vector<16xi32>,
    %add3A_260 = arith.constant 10096 : i32
    %add3A_261 = vector.broadcast %add3A_260 : i32 to vector<16xi32>
    %add3A_262 = arith.addi %iota3A, %add3A_261 : vector<16xi32>
    %swap3A_263 = arith.constant 10224 : index
    %swap3A_264 = tpu.vector_load %arg11[%swap3A_263] {strides = array<i32>} : memref<10240xi32, #tpu.memory_space<vmem>>, vector<16xi32>,
    %swap3A_265 = vector.shape_cast %swap3A_264 : vector<16xi32> to vector<16xi32>
    %swap3A_266 = vector.shape_cast %add3A_262 : vector<16xi32> to vector<16xi32>
    tpu.vector_store %arg11[%swap3A_263], %swap3A_266 {strides = array<i32>} : memref<10240xi32, #tpu.memory_space<vmem>>, vector<16xi32>,
    %barrier3A = arith.constant 0 : index
    tpu.barrier barrier_id(%barrier3A)
    %dma_start3A_267 = arith.constant 0 : i32
    %dma_start3A_268 = tpu.memref_slice %arg10[%dma_start3A_267] : memref<10240xi32, #tpu.memory_space<vmem>> -> memref<128xi32, #tpu.memory_space<vmem>>
    %dma_start3A_269 = arith.constant 0 : i32
    %dma_start3A_270 = arith.constant 0 : i32
    %dma_start3A_271 = tpu.memref_slice %arg2[%dma_start3A_269, %dma_start3A_270] : memref<10112x64xf32, #tpu.memory_space<hbm>> -> memref<10112x64xf32, #tpu.memory_space<hbm>>
    tpu.enqueue_indirect_dma source(%dma_start3A_271 : memref<10112x64xf32, #tpu.memory_space<hbm>>) target(%arg12 : memref<128x64xf32, #tpu.memory_space<vmem>>) offsets(%dma_start3A_268 : memref<128xi32, #tpu.memory_space<vmem>>) semaphore(%arg16 : memref<!tpu.dma_semaphore, #tpu.memory_space<semaphore_mem>>)
    %dma_start3A_272 = arith.constant 128 : i32
    %dma_start3A_273 = tpu.memref_slice %arg10[%dma_start3A_272] : memref<10240xi32, #tpu.memory_space<vmem>> -> memref<128xi32, #tpu.memory_space<vmem>>
    %dma_start3A_274 = arith.constant 0 : i32
    %dma_start3A_275 = arith.constant 0 : i32
    %dma_start3A_276 = tpu.memref_slice %arg2[%dma_start3A_274, %dma_start3A_275] : memref<10112x64xf32, #tpu.memory_space<hbm>> -> memref<10112x64xf32, #tpu.memory_space<hbm>>
    tpu.enqueue_indirect_dma source(%dma_start3A_276 : memref<10112x64xf32, #tpu.memory_space<hbm>>) target(%arg13 : memref<128x64xf32, #tpu.memory_space<vmem>>) offsets(%dma_start3A_273 : memref<128xi32, #tpu.memory_space<vmem>>) semaphore(%arg17 : memref<!tpu.dma_semaphore, #tpu.memory_space<semaphore_mem>>)
    %dma_start3A_277 = arith.constant 256 : i32
    %dma_start3A_278 = tpu.memref_slice %arg10[%dma_start3A_277] : memref<10240xi32, #tpu.memory_space<vmem>> -> memref<128xi32, #tpu.memory_space<vmem>>
    %dma_start3A_279 = arith.constant 0 : i32
    %dma_start3A_280 = arith.constant 0 : i32
    %dma_start3A_281 = tpu.memref_slice %arg2[%dma_start3A_279, %dma_start3A_280] : memref<10112x64xf32, #tpu.memory_space<hbm>> -> memref<10112x64xf32, #tpu.memory_space<hbm>>
    tpu.enqueue_indirect_dma source(%dma_start3A_281 : memref<10112x64xf32, #tpu.memory_space<hbm>>) target(%arg14 : memref<128x64xf32, #tpu.memory_space<vmem>>) offsets(%dma_start3A_278 : memref<128xi32, #tpu.memory_space<vmem>>) semaphore(%arg18 : memref<!tpu.dma_semaphore, #tpu.memory_space<semaphore_mem>>)
    %dma_start3A_282 = arith.constant 384 : i32
    %dma_start3A_283 = tpu.memref_slice %arg10[%dma_start3A_282] : memref<10240xi32, #tpu.memory_space<vmem>> -> memref<128xi32, #tpu.memory_space<vmem>>
    %dma_start3A_284 = arith.constant 0 : i32
    %dma_start3A_285 = arith.constant 0 : i32
    %dma_start3A_286 = tpu.memref_slice %arg2[%dma_start3A_284, %dma_start3A_285] : memref<10112x64xf32, #tpu.memory_space<hbm>> -> memref<10112x64xf32, #tpu.memory_space<hbm>>
    tpu.enqueue_indirect_dma source(%dma_start3A_286 : memref<10112x64xf32, #tpu.memory_space<hbm>>) target(%arg15 : memref<128x64xf32, #tpu.memory_space<vmem>>) offsets(%dma_start3A_283 : memref<128xi32, #tpu.memory_space<vmem>>) semaphore(%arg19 : memref<!tpu.dma_semaphore, #tpu.memory_space<semaphore_mem>>)
    %scan3A = arith.constant 0 : i32
    %scan3A_287 = arith.constant 20 : i32
    %scan3A_288 = arith.addi %scan3A, %scan3A_287 : i32
    %scan3A_289 = arith.constant 1 : i32
    scf.for %scan3A_317 = %scan3A to %scan3A_288 step %scan3A_289  : i32 {
      %mul3A_318 = arith.constant 4 : i32
      %mul3A_319 = arith.muli %scan3A_317, %mul3A_318 : i32
      %add3A_320 = arith.constant 0 : i32
      %add3A_321 = arith.addi %add3A_320, %mul3A_319 : i32
      %add3A_322 = arith.constant 0 : i32
      %add3A_323 = arith.addi %add3A_321, %add3A_322 : i32
      %mul3A_324 = arith.constant 128 : i32
      %mul3A_325 = arith.muli %add3A_323, %mul3A_324 : i32
      %dma_wait3A_326 = tpu.memref_slice %arg10[%mul3A_325] : memref<10240xi32, #tpu.memory_space<vmem>> -> memref<128xi32, #tpu.memory_space<vmem>>
      %dma_wait3A_327 = arith.constant 0 : i32
      %dma_wait3A_328 = arith.constant 0 : i32
      %dma_wait3A_329 = tpu.memref_slice %arg2[%dma_wait3A_327, %dma_wait3A_328] : memref<10112x64xf32, #tpu.memory_space<hbm>> -> memref<10112x64xf32, #tpu.memory_space<hbm>>
      tpu.wait_indirect_dma semaphore(%arg16 : memref<!tpu.dma_semaphore, #tpu.memory_space<semaphore_mem>>) src(%dma_wait3A_329 : memref<10112x64xf32, #tpu.memory_space<hbm>>) dst(%arg12 : memref<128x64xf32, #tpu.memory_space<vmem>>)
      %add3A_330 = arith.constant 0 : i32
      %add3A_331 = arith.addi %add3A_321, %add3A_330 : i32
      %mul3A_332 = arith.constant 128 : i32
      %mul3A_333 = arith.muli %add3A_331, %mul3A_332 : i32
      %dma_start3A_334 = tpu.memref_slice %arg11[%mul3A_333] : memref<10240xi32, #tpu.memory_space<vmem>> -> memref<128xi32, #tpu.memory_space<vmem>>
      %dma_start3A_335 = arith.constant 0 : i32
      %dma_start3A_336 = arith.constant 0 : i32
      %dma_start3A_337 = tpu.memref_slice %arg24[%dma_start3A_335, %dma_start3A_336] : memref<10112x64xf32, #tpu.memory_space<vmem_shared>> -> memref<10112x64xf32, #tpu.memory_space<vmem_shared>>
      tpu.enqueue_indirect_dma source(%arg12 : memref<128x64xf32, #tpu.memory_space<vmem>>) target(%dma_start3A_337 : memref<10112x64xf32, #tpu.memory_space<vmem_shared>>) offsets(%dma_start3A_334 : memref<128xi32, #tpu.memory_space<vmem>>) semaphore(%arg20 : memref<!tpu.dma_semaphore, #tpu.memory_space<semaphore_mem>>) {add = true}
      %dma_start3A_338 = tpu.memref_slice %arg11[%mul3A_333] : memref<10240xi32, #tpu.memory_space<vmem>> -> memref<128xi32, #tpu.memory_space<vmem>>
      %dma_start3A_339 = arith.constant 0 : i32
      %dma_start3A_340 = arith.constant 0 : i32
      %dma_start3A_341 = tpu.memref_slice %arg27[%dma_start3A_339, %dma_start3A_340] : memref<10112x16xf32, #tpu.memory_space<vmem_shared>> -> memref<10112x16xf32, #tpu.memory_space<vmem_shared>>
      tpu.enqueue_indirect_dma source(%arg25 : memref<128x16xf32, #tpu.memory_space<vmem>>) target(%dma_start3A_341 : memref<10112x16xf32, #tpu.memory_space<vmem_shared>>) offsets(%dma_start3A_338 : memref<128xi32, #tpu.memory_space<vmem>>) semaphore(%arg26 : memref<!tpu.dma_semaphore, #tpu.memory_space<semaphore_mem>>) {add = true}
      %add3A_342 = arith.constant 1 : i32
      %add3A_343 = arith.addi %add3A_321, %add3A_342 : i32
      %mul3A_344 = arith.constant 128 : i32
      %mul3A_345 = arith.muli %add3A_343, %mul3A_344 : i32
      %dma_wait3A_346 = tpu.memref_slice %arg10[%mul3A_345] : memref<10240xi32, #tpu.memory_space<vmem>> -> memref<128xi32, #tpu.memory_space<vmem>>
      %dma_wait3A_347 = arith.constant 0 : i32
      %dma_wait3A_348 = arith.constant 0 : i32
      %dma_wait3A_349 = tpu.memref_slice %arg2[%dma_wait3A_347, %dma_wait3A_348] : memref<10112x64xf32, #tpu.memory_space<hbm>> -> memref<10112x64xf32, #tpu.memory_space<hbm>>
      tpu.wait_indirect_dma semaphore(%arg17 : memref<!tpu.dma_semaphore, #tpu.memory_space<semaphore_mem>>) src(%dma_wait3A_349 : memref<10112x64xf32, #tpu.memory_space<hbm>>) dst(%arg13 : memref<128x64xf32, #tpu.memory_space<vmem>>)
      %add3A_350 = arith.constant 1 : i32
      %add3A_351 = arith.addi %add3A_321, %add3A_350 : i32
      %mul3A_352 = arith.constant 128 : i32
      %mul3A_353 = arith.muli %add3A_351, %mul3A_352 : i32
      %dma_start3A_354 = tpu.memref_slice %arg11[%mul3A_353] : memref<10240xi32, #tpu.memory_space<vmem>> -> memref<128xi32, #tpu.memory_space<vmem>>
      %dma_start3A_355 = arith.constant 0 : i32
      %dma_start3A_356 = arith.constant 0 : i32
      %dma_start3A_357 = tpu.memref_slice %arg24[%dma_start3A_355, %dma_start3A_356] : memref<10112x64xf32, #tpu.memory_space<vmem_shared>> -> memref<10112x64xf32, #tpu.memory_space<vmem_shared>>
      tpu.enqueue_indirect_dma source(%arg13 : memref<128x64xf32, #tpu.memory_space<vmem>>) target(%dma_start3A_357 : memref<10112x64xf32, #tpu.memory_space<vmem_shared>>) offsets(%dma_start3A_354 : memref<128xi32, #tpu.memory_space<vmem>>) semaphore(%arg21 : memref<!tpu.dma_semaphore, #tpu.memory_space<semaphore_mem>>) {add = true}
      %dma_start3A_358 = tpu.memref_slice %arg11[%mul3A_353] : memref<10240xi32, #tpu.memory_space<vmem>> -> memref<128xi32, #tpu.memory_space<vmem>>
      %dma_start3A_359 = arith.constant 0 : i32
      %dma_start3A_360 = arith.constant 0 : i32
      %dma_start3A_361 = tpu.memref_slice %arg27[%dma_start3A_359, %dma_start3A_360] : memref<10112x16xf32, #tpu.memory_space<vmem_shared>> -> memref<10112x16xf32, #tpu.memory_space<vmem_shared>>
      tpu.enqueue_indirect_dma source(%arg25 : memref<128x16xf32, #tpu.memory_space<vmem>>) target(%dma_start3A_361 : memref<10112x16xf32, #tpu.memory_space<vmem_shared>>) offsets(%dma_start3A_358 : memref<128xi32, #tpu.memory_space<vmem>>) semaphore(%arg26 : memref<!tpu.dma_semaphore, #tpu.memory_space<semaphore_mem>>) {add = true}
      %add3A_362 = arith.constant 2 : i32
      %add3A_363 = arith.addi %add3A_321, %add3A_362 : i32
      %mul3A_364 = arith.constant 128 : i32
      %mul3A_365 = arith.muli %add3A_363, %mul3A_364 : i32
      %dma_wait3A_366 = tpu.memref_slice %arg10[%mul3A_365] : memref<10240xi32, #tpu.memory_space<vmem>> -> memref<128xi32, #tpu.memory_space<vmem>>
      %dma_wait3A_367 = arith.constant 0 : i32
      %dma_wait3A_368 = arith.constant 0 : i32
      %dma_wait3A_369 = tpu.memref_slice %arg2[%dma_wait3A_367, %dma_wait3A_368] : memref<10112x64xf32, #tpu.memory_space<hbm>> -> memref<10112x64xf32, #tpu.memory_space<hbm>>
      tpu.wait_indirect_dma semaphore(%arg18 : memref<!tpu.dma_semaphore, #tpu.memory_space<semaphore_mem>>) src(%dma_wait3A_369 : memref<10112x64xf32, #tpu.memory_space<hbm>>) dst(%arg14 : memref<128x64xf32, #tpu.memory_space<vmem>>)
      %add3A_370 = arith.constant 2 : i32
      %add3A_371 = arith.addi %add3A_321, %add3A_370 : i32
      %mul3A_372 = arith.constant 128 : i32
      %mul3A_373 = arith.muli %add3A_371, %mul3A_372 : i32
      %dma_start3A_374 = tpu.memref_slice %arg11[%mul3A_373] : memref<10240xi32, #tpu.memory_space<vmem>> -> memref<128xi32, #tpu.memory_space<vmem>>
      %dma_start3A_375 = arith.constant 0 : i32
      %dma_start3A_376 = arith.constant 0 : i32
      %dma_start3A_377 = tpu.memref_slice %arg24[%dma_start3A_375, %dma_start3A_376] : memref<10112x64xf32, #tpu.memory_space<vmem_shared>> -> memref<10112x64xf32, #tpu.memory_space<vmem_shared>>
      tpu.enqueue_indirect_dma source(%arg14 : memref<128x64xf32, #tpu.memory_space<vmem>>) target(%dma_start3A_377 : memref<10112x64xf32, #tpu.memory_space<vmem_shared>>) offsets(%dma_start3A_374 : memref<128xi32, #tpu.memory_space<vmem>>) semaphore(%arg22 : memref<!tpu.dma_semaphore, #tpu.memory_space<semaphore_mem>>) {add = true}
      %dma_start3A_378 = tpu.memref_slice %arg11[%mul3A_373] : memref<10240xi32, #tpu.memory_space<vmem>> -> memref<128xi32, #tpu.memory_space<vmem>>
      %dma_start3A_379 = arith.constant 0 : i32
      %dma_start3A_380 = arith.constant 0 : i32
      %dma_start3A_381 = tpu.memref_slice %arg27[%dma_start3A_379, %dma_start3A_380] : memref<10112x16xf32, #tpu.memory_space<vmem_shared>> -> memref<10112x16xf32, #tpu.memory_space<vmem_shared>>
      tpu.enqueue_indirect_dma source(%arg25 : memref<128x16xf32, #tpu.memory_space<vmem>>) target(%dma_start3A_381 : memref<10112x16xf32, #tpu.memory_space<vmem_shared>>) offsets(%dma_start3A_378 : memref<128xi32, #tpu.memory_space<vmem>>) semaphore(%arg26 : memref<!tpu.dma_semaphore, #tpu.memory_space<semaphore_mem>>) {add = true}
      %add3A_382 = arith.constant 3 : i32
      %add3A_383 = arith.addi %add3A_321, %add3A_382 : i32
      %mul3A_384 = arith.constant 128 : i32
      %mul3A_385 = arith.muli %add3A_383, %mul3A_384 : i32
      %dma_wait3A_386 = tpu.memref_slice %arg10[%mul3A_385] : memref<10240xi32, #tpu.memory_space<vmem>> -> memref<128xi32, #tpu.memory_space<vmem>>
      %dma_wait3A_387 = arith.constant 0 : i32
      %dma_wait3A_388 = arith.constant 0 : i32
      %dma_wait3A_389 = tpu.memref_slice %arg2[%dma_wait3A_387, %dma_wait3A_388] : memref<10112x64xf32, #tpu.memory_space<hbm>> -> memref<10112x64xf32, #tpu.memory_space<hbm>>
      tpu.wait_indirect_dma semaphore(%arg19 : memref<!tpu.dma_semaphore, #tpu.memory_space<semaphore_mem>>) src(%dma_wait3A_389 : memref<10112x64xf32, #tpu.memory_space<hbm>>) dst(%arg15 : memref<128x64xf32, #tpu.memory_space<vmem>>)
      %add3A_390 = arith.constant 3 : i32
      %add3A_391 = arith.addi %add3A_321, %add3A_390 : i32
      %mul3A_392 = arith.constant 128 : i32
      %mul3A_393 = arith.muli %add3A_391, %mul3A_392 : i32
      %dma_start3A_394 = tpu.memref_slice %arg11[%mul3A_393] : memref<10240xi32, #tpu.memory_space<vmem>> -> memref<128xi32, #tpu.memory_space<vmem>>
      %dma_start3A_395 = arith.constant 0 : i32
      %dma_start3A_396 = arith.constant 0 : i32
      %dma_start3A_397 = tpu.memref_slice %arg24[%dma_start3A_395, %dma_start3A_396] : memref<10112x64xf32, #tpu.memory_space<vmem_shared>> -> memref<10112x64xf32, #tpu.memory_space<vmem_shared>>
      tpu.enqueue_indirect_dma source(%arg15 : memref<128x64xf32, #tpu.memory_space<vmem>>) target(%dma_start3A_397 : memref<10112x64xf32, #tpu.memory_space<vmem_shared>>) offsets(%dma_start3A_394 : memref<128xi32, #tpu.memory_space<vmem>>) semaphore(%arg23 : memref<!tpu.dma_semaphore, #tpu.memory_space<semaphore_mem>>) {add = true}
      %dma_start3A_398 = tpu.memref_slice %arg11[%mul3A_393] : memref<10240xi32, #tpu.memory_space<vmem>> -> memref<128xi32, #tpu.memory_space<vmem>>
      %dma_start3A_399 = arith.constant 0 : i32
      %dma_start3A_400 = arith.constant 0 : i32
      %dma_start3A_401 = tpu.memref_slice %arg27[%dma_start3A_399, %dma_start3A_400] : memref<10112x16xf32, #tpu.memory_space<vmem_shared>> -> memref<10112x16xf32, #tpu.memory_space<vmem_shared>>
      tpu.enqueue_indirect_dma source(%arg25 : memref<128x16xf32, #tpu.memory_space<vmem>>) target(%dma_start3A_401 : memref<10112x16xf32, #tpu.memory_space<vmem_shared>>) offsets(%dma_start3A_398 : memref<128xi32, #tpu.memory_space<vmem>>) semaphore(%arg26 : memref<!tpu.dma_semaphore, #tpu.memory_space<semaphore_mem>>) {add = true}
      %add3A_402 = arith.constant 0 : i32
      %add3A_403 = arith.addi %add3A_321, %add3A_402 : i32
      %add3A_404 = arith.constant 4 : i32
      %add3A_405 = arith.addi %add3A_403, %add3A_404 : i32
      %lt3A = arith.constant 80 : i32
      %lt3A_406 = arith.cmpi slt, %add3A_405, %lt3A : i32
      %convert_element_type3A = arith.extui %lt3A_406 : i1 to i32
      %cond3A = arith.constant 0 : i32
      %cond3A_407 = arith.cmpi ne, %convert_element_type3A, %cond3A : i32
      scf.if %cond3A_407 {
        %add3A_435 = arith.constant 0 : i32
        %add3A_436 = arith.addi %add3A_321, %add3A_435 : i32
        %mul3A_437 = arith.constant 128 : i32
        %mul3A_438 = arith.muli %add3A_436, %mul3A_437 : i32
        %dma_wait3A_439 = tpu.memref_slice %arg11[%mul3A_438] : memref<10240xi32, #tpu.memory_space<vmem>> -> memref<128xi32, #tpu.memory_space<vmem>>
        %dma_wait3A_440 = arith.constant 0 : i32
        %dma_wait3A_441 = arith.constant 0 : i32
        %dma_wait3A_442 = tpu.memref_slice %arg24[%dma_wait3A_440, %dma_wait3A_441] : memref<10112x64xf32, #tpu.memory_space<vmem_shared>> -> memref<10112x64xf32, #tpu.memory_space<vmem_shared>>
        tpu.wait_indirect_dma semaphore(%arg20 : memref<!tpu.dma_semaphore, #tpu.memory_space<semaphore_mem>>) src(%arg12 : memref<128x64xf32, #tpu.memory_space<vmem>>) dst(%dma_wait3A_442 : memref<10112x64xf32, #tpu.memory_space<vmem_shared>>)
        %add3A_443 = arith.constant 0 : i32
        %add3A_444 = arith.addi %add3A_321, %add3A_443 : i32
        %add3A_445 = arith.constant 4 : i32
        %add3A_446 = arith.addi %add3A_444, %add3A_445 : i32
        %mul3A_447 = arith.constant 128 : i32
        %mul3A_448 = arith.muli %add3A_446, %mul3A_447 : i32
        %dma_start3A_449 = tpu.memref_slice %arg10[%mul3A_448] : memref<10240xi32, #tpu.memory_space<vmem>> -> memref<128xi32, #tpu.memory_space<vmem>>
        %dma_start3A_450 = arith.constant 0 : i32
        %dma_start3A_451 = arith.constant 0 : i32
        %dma_start3A_452 = tpu.memref_slice %arg2[%dma_start3A_450, %dma_start3A_451] : memref<10112x64xf32, #tpu.memory_space<hbm>> -> memref<10112x64xf32, #tpu.memory_space<hbm>>
        tpu.enqueue_indirect_dma source(%dma_start3A_452 : memref<10112x64xf32, #tpu.memory_space<hbm>>) target(%arg12 : memref<128x64xf32, #tpu.memory_space<vmem>>) offsets(%dma_start3A_449 : memref<128xi32, #tpu.memory_space<vmem>>) semaphore(%arg16 : memref<!tpu.dma_semaphore, #tpu.memory_space<semaphore_mem>>)
      } else {
      }
      %add3A_408 = arith.constant 1 : i32
      %add3A_409 = arith.addi %add3A_321, %add3A_408 : i32
      %add3A_410 = arith.constant 4 : i32
      %add3A_411 = arith.addi %add3A_409, %add3A_410 : i32
      %lt3A_412 = arith.constant 80 : i32
      %lt3A_413 = arith.cmpi slt, %add3A_411, %lt3A_412 : i32
      %convert_element_type3A_414 = arith.extui %lt3A_413 : i1 to i32
      %cond3A_415 = arith.constant 0 : i32
      %cond3A_416 = arith.cmpi ne, %convert_element_type3A_414, %cond3A_415 : i32
      scf.if %cond3A_416 {
        %add3A_435 = arith.constant 1 : i32
        %add3A_436 = arith.addi %add3A_321, %add3A_435 : i32
        %mul3A_437 = arith.constant 128 : i32
        %mul3A_438 = arith.muli %add3A_436, %mul3A_437 : i32
        %dma_wait3A_439 = tpu.memref_slice %arg11[%mul3A_438] : memref<10240xi32, #tpu.memory_space<vmem>> -> memref<128xi32, #tpu.memory_space<vmem>>
        %dma_wait3A_440 = arith.constant 0 : i32
        %dma_wait3A_441 = arith.constant 0 : i32
        %dma_wait3A_442 = tpu.memref_slice %arg24[%dma_wait3A_440, %dma_wait3A_441] : memref<10112x64xf32, #tpu.memory_space<vmem_shared>> -> memref<10112x64xf32, #tpu.memory_space<vmem_shared>>
        tpu.wait_indirect_dma semaphore(%arg21 : memref<!tpu.dma_semaphore, #tpu.memory_space<semaphore_mem>>) src(%arg13 : memref<128x64xf32, #tpu.memory_space<vmem>>) dst(%dma_wait3A_442 : memref<10112x64xf32, #tpu.memory_space<vmem_shared>>)
        %add3A_443 = arith.constant 1 : i32
        %add3A_444 = arith.addi %add3A_321, %add3A_443 : i32
        %add3A_445 = arith.constant 4 : i32
        %add3A_446 = arith.addi %add3A_444, %add3A_445 : i32
        %mul3A_447 = arith.constant 128 : i32
        %mul3A_448 = arith.muli %add3A_446, %mul3A_447 : i32
        %dma_start3A_449 = tpu.memref_slice %arg10[%mul3A_448] : memref<10240xi32, #tpu.memory_space<vmem>> -> memref<128xi32, #tpu.memory_space<vmem>>
        %dma_start3A_450 = arith.constant 0 : i32
        %dma_start3A_451 = arith.constant 0 : i32
        %dma_start3A_452 = tpu.memref_slice %arg2[%dma_start3A_450, %dma_start3A_451] : memref<10112x64xf32, #tpu.memory_space<hbm>> -> memref<10112x64xf32, #tpu.memory_space<hbm>>
        tpu.enqueue_indirect_dma source(%dma_start3A_452 : memref<10112x64xf32, #tpu.memory_space<hbm>>) target(%arg13 : memref<128x64xf32, #tpu.memory_space<vmem>>) offsets(%dma_start3A_449 : memref<128xi32, #tpu.memory_space<vmem>>) semaphore(%arg17 : memref<!tpu.dma_semaphore, #tpu.memory_space<semaphore_mem>>)
      } else {
      }
      %add3A_417 = arith.constant 2 : i32
      %add3A_418 = arith.addi %add3A_321, %add3A_417 : i32
      %add3A_419 = arith.constant 4 : i32
      %add3A_420 = arith.addi %add3A_418, %add3A_419 : i32
      %lt3A_421 = arith.constant 80 : i32
      %lt3A_422 = arith.cmpi slt, %add3A_420, %lt3A_421 : i32
      %convert_element_type3A_423 = arith.extui %lt3A_422 : i1 to i32
      %cond3A_424 = arith.constant 0 : i32
      %cond3A_425 = arith.cmpi ne, %convert_element_type3A_423, %cond3A_424 : i32
      scf.if %cond3A_425 {
        %add3A_435 = arith.constant 2 : i32
        %add3A_436 = arith.addi %add3A_321, %add3A_435 : i32
        %mul3A_437 = arith.constant 128 : i32
        %mul3A_438 = arith.muli %add3A_436, %mul3A_437 : i32
        %dma_wait3A_439 = tpu.memref_slice %arg11[%mul3A_438] : memref<10240xi32, #tpu.memory_space<vmem>> -> memref<128xi32, #tpu.memory_space<vmem>>
        %dma_wait3A_440 = arith.constant 0 : i32
        %dma_wait3A_441 = arith.constant 0 : i32
        %dma_wait3A_442 = tpu.memref_slice %arg24[%dma_wait3A_440, %dma_wait3A_441] : memref<10112x64xf32, #tpu.memory_space<vmem_shared>> -> memref<10112x64xf32, #tpu.memory_space<vmem_shared>>
        tpu.wait_indirect_dma semaphore(%arg22 : memref<!tpu.dma_semaphore, #tpu.memory_space<semaphore_mem>>) src(%arg14 : memref<128x64xf32, #tpu.memory_space<vmem>>) dst(%dma_wait3A_442 : memref<10112x64xf32, #tpu.memory_space<vmem_shared>>)
        %add3A_443 = arith.constant 2 : i32
        %add3A_444 = arith.addi %add3A_321, %add3A_443 : i32
        %add3A_445 = arith.constant 4 : i32
        %add3A_446 = arith.addi %add3A_444, %add3A_445 : i32
        %mul3A_447 = arith.constant 128 : i32
        %mul3A_448 = arith.muli %add3A_446, %mul3A_447 : i32
        %dma_start3A_449 = tpu.memref_slice %arg10[%mul3A_448] : memref<10240xi32, #tpu.memory_space<vmem>> -> memref<128xi32, #tpu.memory_space<vmem>>
        %dma_start3A_450 = arith.constant 0 : i32
        %dma_start3A_451 = arith.constant 0 : i32
        %dma_start3A_452 = tpu.memref_slice %arg2[%dma_start3A_450, %dma_start3A_451] : memref<10112x64xf32, #tpu.memory_space<hbm>> -> memref<10112x64xf32, #tpu.memory_space<hbm>>
        tpu.enqueue_indirect_dma source(%dma_start3A_452 : memref<10112x64xf32, #tpu.memory_space<hbm>>) target(%arg14 : memref<128x64xf32, #tpu.memory_space<vmem>>) offsets(%dma_start3A_449 : memref<128xi32, #tpu.memory_space<vmem>>) semaphore(%arg18 : memref<!tpu.dma_semaphore, #tpu.memory_space<semaphore_mem>>)
      } else {
      }
      %add3A_426 = arith.constant 3 : i32
      %add3A_427 = arith.addi %add3A_321, %add3A_426 : i32
      %add3A_428 = arith.constant 4 : i32
      %add3A_429 = arith.addi %add3A_427, %add3A_428 : i32
      %lt3A_430 = arith.constant 80 : i32
      %lt3A_431 = arith.cmpi slt, %add3A_429, %lt3A_430 : i32
      %convert_element_type3A_432 = arith.extui %lt3A_431 : i1 to i32
      %cond3A_433 = arith.constant 0 : i32
      %cond3A_434 = arith.cmpi ne, %convert_element_type3A_432, %cond3A_433 : i32
      scf.if %cond3A_434 {
        %add3A_435 = arith.constant 3 : i32
        %add3A_436 = arith.addi %add3A_321, %add3A_435 : i32
        %mul3A_437 = arith.constant 128 : i32
        %mul3A_438 = arith.muli %add3A_436, %mul3A_437 : i32
        %dma_wait3A_439 = tpu.memref_slice %arg11[%mul3A_438] : memref<10240xi32, #tpu.memory_space<vmem>> -> memref<128xi32, #tpu.memory_space<vmem>>
        %dma_wait3A_440 = arith.constant 0 : i32
        %dma_wait3A_441 = arith.constant 0 : i32
        %dma_wait3A_442 = tpu.memref_slice %arg24[%dma_wait3A_440, %dma_wait3A_441] : memref<10112x64xf32, #tpu.memory_space<vmem_shared>> -> memref<10112x64xf32, #tpu.memory_space<vmem_shared>>
        tpu.wait_indirect_dma semaphore(%arg23 : memref<!tpu.dma_semaphore, #tpu.memory_space<semaphore_mem>>) src(%arg15 : memref<128x64xf32, #tpu.memory_space<vmem>>) dst(%dma_wait3A_442 : memref<10112x64xf32, #tpu.memory_space<vmem_shared>>)
        %add3A_443 = arith.constant 3 : i32
        %add3A_444 = arith.addi %add3A_321, %add3A_443 : i32
        %add3A_445 = arith.constant 4 : i32
        %add3A_446 = arith.addi %add3A_444, %add3A_445 : i32
        %mul3A_447 = arith.constant 128 : i32
        %mul3A_448 = arith.muli %add3A_446, %mul3A_447 : i32
        %dma_start3A_449 = tpu.memref_slice %arg10[%mul3A_448] : memref<10240xi32, #tpu.memory_space<vmem>> -> memref<128xi32, #tpu.memory_space<vmem>>
        %dma_start3A_450 = arith.constant 0 : i32
        %dma_start3A_451 = arith.constant 0 : i32
        %dma_start3A_452 = tpu.memref_slice %arg2[%dma_start3A_450, %dma_start3A_451] : memref<10112x64xf32, #tpu.memory_space<hbm>> -> memref<10112x64xf32, #tpu.memory_space<hbm>>
        tpu.enqueue_indirect_dma source(%dma_start3A_452 : memref<10112x64xf32, #tpu.memory_space<hbm>>) target(%arg15 : memref<128x64xf32, #tpu.memory_space<vmem>>) offsets(%dma_start3A_449 : memref<128xi32, #tpu.memory_space<vmem>>) semaphore(%arg19 : memref<!tpu.dma_semaphore, #tpu.memory_space<semaphore_mem>>)
      } else {
      }
    }
    %scan3A_290 = arith.constant 20 : i32
    %dma_wait3A_291 = arith.constant 9728 : i32
    %dma_wait3A_292 = tpu.memref_slice %arg11[%dma_wait3A_291] : memref<10240xi32, #tpu.memory_space<vmem>> -> memref<128xi32, #tpu.memory_space<vmem>>
    %dma_wait3A_293 = arith.constant 0 : i32
    %dma_wait3A_294 = arith.constant 0 : i32
    %dma_wait3A_295 = tpu.memref_slice %arg24[%dma_wait3A_293, %dma_wait3A_294] : memref<10112x64xf32, #tpu.memory_space<vmem_shared>> -> memref<10112x64xf32, #tpu.memory_space<vmem_shared>>
    tpu.wait_indirect_dma semaphore(%arg20 : memref<!tpu.dma_semaphore, #tpu.memory_space<semaphore_mem>>) src(%arg12 : memref<128x64xf32, #tpu.memory_space<vmem>>) dst(%dma_wait3A_295 : memref<10112x64xf32, #tpu.memory_space<vmem_shared>>)
    %dma_wait3A_296 = arith.constant 9856 : i32
    %dma_wait3A_297 = tpu.memref_slice %arg11[%dma_wait3A_296] : memref<10240xi32, #tpu.memory_space<vmem>> -> memref<128xi32, #tpu.memory_space<vmem>>
    %dma_wait3A_298 = arith.constant 0 : i32
    %dma_wait3A_299 = arith.constant 0 : i32
    %dma_wait3A_300 = tpu.memref_slice %arg24[%dma_wait3A_298, %dma_wait3A_299] : memref<10112x64xf32, #tpu.memory_space<vmem_shared>> -> memref<10112x64xf32, #tpu.memory_space<vmem_shared>>
    tpu.wait_indirect_dma semaphore(%arg21 : memref<!tpu.dma_semaphore, #tpu.memory_space<semaphore_mem>>) src(%arg13 : memref<128x64xf32, #tpu.memory_space<vmem>>) dst(%dma_wait3A_300 : memref<10112x64xf32, #tpu.memory_space<vmem_shared>>)
    %dma_wait3A_301 = arith.constant 9984 : i32
    %dma_wait3A_302 = tpu.memref_slice %arg11[%dma_wait3A_301] : memref<10240xi32, #tpu.memory_space<vmem>> -> memref<128xi32, #tpu.memory_space<vmem>>
    %dma_wait3A_303 = arith.constant 0 : i32
    %dma_wait3A_304 = arith.constant 0 : i32
    %dma_wait3A_305 = tpu.memref_slice %arg24[%dma_wait3A_303, %dma_wait3A_304] : memref<10112x64xf32, #tpu.memory_space<vmem_shared>> -> memref<10112x64xf32, #tpu.memory_space<vmem_shared>>
    tpu.wait_indirect_dma semaphore(%arg22 : memref<!tpu.dma_semaphore, #tpu.memory_space<semaphore_mem>>) src(%arg14 : memref<128x64xf32, #tpu.memory_space<vmem>>) dst(%dma_wait3A_305 : memref<10112x64xf32, #tpu.memory_space<vmem_shared>>)
    %dma_wait3A_306 = arith.constant 10112 : i32
    %dma_wait3A_307 = tpu.memref_slice %arg11[%dma_wait3A_306] : memref<10240xi32, #tpu.memory_space<vmem>> -> memref<128xi32, #tpu.memory_space<vmem>>
    %dma_wait3A_308 = arith.constant 0 : i32
    %dma_wait3A_309 = arith.constant 0 : i32
    %dma_wait3A_310 = tpu.memref_slice %arg24[%dma_wait3A_308, %dma_wait3A_309] : memref<10112x64xf32, #tpu.memory_space<vmem_shared>> -> memref<10112x64xf32, #tpu.memory_space<vmem_shared>>
    tpu.wait_indirect_dma semaphore(%arg23 : memref<!tpu.dma_semaphore, #tpu.memory_space<semaphore_mem>>) src(%arg15 : memref<128x64xf32, #tpu.memory_space<vmem>>) dst(%dma_wait3A_310 : memref<10112x64xf32, #tpu.memory_space<vmem_shared>>)
    %scan3A_311 = arith.constant 0 : i32
    %scan3A_312 = arith.constant 80 : i32
    %scan3A_313 = arith.addi %scan3A_311, %scan3A_312 : i32
    %scan3A_314 = arith.constant 1 : i32
    scf.for %scan3A_317 = %scan3A_311 to %scan3A_313 step %scan3A_314  : i32 {
      %mul3A_318 = arith.constant 1 : i32
      %mul3A_319 = arith.muli %scan3A_317, %mul3A_318 : i32
      %add3A_320 = arith.constant 0 : i32
      %add3A_321 = arith.addi %add3A_320, %mul3A_319 : i32
      %mul3A_322 = arith.constant 128 : i32
      %mul3A_323 = arith.muli %add3A_321, %mul3A_322 : i32
      %dma_wait3A_324 = tpu.memref_slice %arg11[%mul3A_323] : memref<10240xi32, #tpu.memory_space<vmem>> -> memref<128xi32, #tpu.memory_space<vmem>>
      %dma_wait3A_325 = arith.constant 0 : i32
      %dma_wait3A_326 = arith.constant 0 : i32
      %dma_wait3A_327 = tpu.memref_slice %arg27[%dma_wait3A_325, %dma_wait3A_326] : memref<10112x16xf32, #tpu.memory_space<vmem_shared>> -> memref<10112x16xf32, #tpu.memory_space<vmem_shared>>
      tpu.wait_indirect_dma semaphore(%arg26 : memref<!tpu.dma_semaphore, #tpu.memory_space<semaphore_mem>>) src(%arg25 : memref<128x16xf32, #tpu.memory_space<vmem>>) dst(%dma_wait3A_327 : memref<10112x16xf32, #tpu.memory_space<vmem_shared>>)
    }
    %scan3A_315 = arith.constant 80 : i32
    %barrier3A_316 = arith.constant 0 : index
    tpu.barrier barrier_id(%barrier3A_316)
    "tpu.region"() ({
      %run_scoped3A = tpu.sem_alloc : memref<!tpu.dma_semaphore, #tpu.memory_space<semaphore_mem>>
      %dma_start3A_317 = arith.constant 0 : i32
      %dma_start3A_318 = tpu.memref_slice %arg8[%arg0, %mul3A_2, %dma_start3A_317] : memref<2x10112x64xf32, #tpu.memory_space<hbm>> -> memref<1x632x64xf32, #tpu.memory_space<hbm>>
      %dma_start3A_319 = tpu.memref_squeeze %dma_start3A_318 : memref<1x632x64xf32, #tpu.memory_space<hbm>> -> memref<632x64xf32, #tpu.memory_space<hbm>>
      %dma_start3A_320 = arith.constant 0 : i32
      %dma_start3A_321 = tpu.memref_slice %arg24[%mul3A_2, %dma_start3A_320] : memref<10112x64xf32, #tpu.memory_space<vmem_shared>> -> memref<632x64xf32, #tpu.memory_space<vmem_shared>>
      tpu.enqueue_dma source(%dma_start3A_321 : memref<632x64xf32, #tpu.memory_space<vmem_shared>>) target(%dma_start3A_319 : memref<632x64xf32, #tpu.memory_space<hbm>>) target_semaphore(%run_scoped3A : memref<!tpu.dma_semaphore, #tpu.memory_space<semaphore_mem>>)
      %dma_wait3A_322 = arith.constant 0 : i32
      %dma_wait3A_323 = tpu.memref_slice %arg8[%arg0, %mul3A_2, %dma_wait3A_322] : memref<2x10112x64xf32, #tpu.memory_space<hbm>> -> memref<1x632x64xf32, #tpu.memory_space<hbm>>
      %dma_wait3A_324 = tpu.memref_squeeze %dma_wait3A_323 : memref<1x632x64xf32, #tpu.memory_space<hbm>> -> memref<632x64xf32, #tpu.memory_space<hbm>>
      %dma_wait3A_325 = arith.constant 0 : i32
      %dma_wait3A_326 = tpu.memref_slice %arg24[%mul3A_2, %dma_wait3A_325] : memref<10112x64xf32, #tpu.memory_space<vmem_shared>> -> memref<632x64xf32, #tpu.memory_space<vmem_shared>>
      tpu.wait_dma2 semaphore(%run_scoped3A : memref<!tpu.dma_semaphore, #tpu.memory_space<semaphore_mem>>) src(%dma_wait3A_326 : memref<632x64xf32, #tpu.memory_space<vmem_shared>>) dst(%dma_wait3A_324 : memref<632x64xf32, #tpu.memory_space<hbm>>)
      tpu.yield
    }) : () -> ()
    "tpu.region"() ({
      %run_scoped3A = tpu.sem_alloc : memref<!tpu.dma_semaphore, #tpu.memory_space<semaphore_mem>>
      %dma_start3A_317 = arith.constant 0 : i32
      %dma_start3A_318 = tpu.memref_slice %arg9[%arg0, %mul3A_2, %dma_start3A_317] : memref<2x10112x16xf32, #tpu.memory_space<hbm>> -> memref<1x632x16xf32, #tpu.memory_space<hbm>>
      %dma_start3A_319 = tpu.memref_squeeze %dma_start3A_318 : memref<1x632x16xf32, #tpu.memory_space<hbm>> -> memref<632x16xf32, #tpu.memory_space<hbm>>
      %dma_start3A_320 = arith.constant 0 : i32
      %dma_start3A_321 = tpu.memref_slice %arg27[%mul3A_2, %dma_start3A_320] : memref<10112x16xf32, #tpu.memory_space<vmem_shared>> -> memref<632x16xf32, #tpu.memory_space<vmem_shared>>
      tpu.enqueue_dma source(%dma_start3A_321 : memref<632x16xf32, #tpu.memory_space<vmem_shared>>) target(%dma_start3A_319 : memref<632x16xf32, #tpu.memory_space<hbm>>) target_semaphore(%run_scoped3A : memref<!tpu.dma_semaphore, #tpu.memory_space<semaphore_mem>>)
      %dma_wait3A_322 = arith.constant 0 : i32
      %dma_wait3A_323 = tpu.memref_slice %arg9[%arg0, %mul3A_2, %dma_wait3A_322] : memref<2x10112x16xf32, #tpu.memory_space<hbm>> -> memref<1x632x16xf32, #tpu.memory_space<hbm>>
      %dma_wait3A_324 = tpu.memref_squeeze %dma_wait3A_323 : memref<1x632x16xf32, #tpu.memory_space<hbm>> -> memref<632x16xf32, #tpu.memory_space<hbm>>
      %dma_wait3A_325 = arith.constant 0 : i32
      %dma_wait3A_326 = tpu.memref_slice %arg27[%mul3A_2, %dma_wait3A_325] : memref<10112x16xf32, #tpu.memory_space<vmem_shared>> -> memref<632x16xf32, #tpu.memory_space<vmem_shared>>
      tpu.wait_dma2 semaphore(%run_scoped3A : memref<!tpu.dma_semaphore, #tpu.memory_space<semaphore_mem>>) src(%dma_wait3A_326 : memref<632x16xf32, #tpu.memory_space<vmem_shared>>) dst(%dma_wait3A_324 : memref<632x16xf32, #tpu.memory_space<hbm>>)
      tpu.yield
    }) : () -> ()
    return
  }
}

module attributes {stable_mosaic.version = 14 : i64} {
  func.func @body(%arg0: i32, %arg1: memref<1264x128xf32, #tpu.memory_space<vmem>>, %arg2: memref<128x64xf32, #tpu.memory_space<vmem>>, %arg3: memref<1264x64xf32, #tpu.memory_space<vmem>>) attributes {dimension_semantics = [#tpu.dimension_semantics<arbitrary>], iteration_bounds = array<i64: 8>, scalar_prefetch = 0 : i64, scratch_operands = 0 : i64, tpu.core_type = #tpu.core_type<tc>, window_params = [{transform_indices = @transform_0, window_bounds = array<i64: 1264, 128>}, {pipeline_mode = #tpu.pipeline_mode<synchronous>, transform_indices = @transform_1, window_bounds = array<i64: 128, 64>}, {transform_indices = @transform_2, window_bounds = array<i64: 1264, 64>}]} {
    %get3A = arith.constant 0 : index
    %get3A_0 = arith.constant 0 : index
    %get3A_1 = vector.load %arg1[%get3A, %get3A_0] : memref<1264x128xf32, #tpu.memory_space<vmem>>, vector<1264x128xf32>
    %get3A_2 = arith.constant 0 : index
    %get3A_3 = arith.constant 0 : index
    %get3A_4 = vector.load %arg2[%get3A_2, %get3A_3] : memref<128x64xf32, #tpu.memory_space<vmem>>, vector<128x64xf32>
    %dot_general3A = arith.constant dense<0.000000e+00> : vector<1264x64xf32>
    %dot_general3A_5 = tpu.matmul %get3A_1, %get3A_4, %dot_general3A {dimension_numbers = #tpu.dot_dimension_numbers<[1], [0], [0], [1], [0, 0, 1, 1], [], []>, transpose_lhs_hint = false} : vector<1264x128xf32>, vector<128x64xf32>, vector<1264x64xf32> -> vector<1264x64xf32>
    %swap3A = arith.constant 0 : index
    %swap3A_6 = arith.constant 0 : index
    %swap3A_7 = vector.load %arg3[%swap3A, %swap3A_6] : memref<1264x64xf32, #tpu.memory_space<vmem>>, vector<1264x64xf32>
    tpu.vector_store %arg3[%swap3A, %swap3A_6], %dot_general3A_5 {strides = array<i32>} : memref<1264x64xf32, #tpu.memory_space<vmem>>, vector<1264x64xf32>,
    return
  }
  func.func @transform_0(%arg0: i32) -> (i32, i32) {
    %c0_i32 = arith.constant 0 : i32
    %c0_i32_0 = arith.constant 0 : i32
    return %arg0, %c0_i32 : i32, i32
  }
  func.func @transform_1(%arg0: i32) -> (i32, i32) {
    %c0_i32 = arith.constant 0 : i32
    %c0_i32_0 = arith.constant 0 : i32
    %c0_i32_1 = arith.constant 0 : i32
    return %c0_i32, %c0_i32_0 : i32, i32
  }
  func.func @transform_2(%arg0: i32) -> (i32, i32) {
    %c0_i32 = arith.constant 0 : i32
    %c0_i32_0 = arith.constant 0 : i32
    return %arg0, %c0_i32 : i32, i32
  }
}

module attributes {stable_mosaic.version = 14 : i64} {
  func.func @body(%arg0: i32, %arg1: memref<1264x64xf32, #tpu.memory_space<vmem>>, %arg2: memref<1264x64xf32, #tpu.memory_space<vmem>>, %arg3: memref<1264x16xf32, #tpu.memory_space<vmem>>, %arg4: memref<1264x16xf32, #tpu.memory_space<vmem>>, %arg5: memref<1264x64xf32, #tpu.memory_space<vmem>>, %arg6: memref<1x64xf32, #tpu.memory_space<vmem>>, %arg7: memref<64x64xf32, #tpu.memory_space<vmem>>, %arg8: memref<1264x64xf32, #tpu.memory_space<vmem>>, %arg9: memref<1264x64xf32, #tpu.memory_space<vmem>>, %arg10: memref<1264x16xf32, #tpu.memory_space<vmem>>) attributes {dimension_semantics = [#tpu.dimension_semantics<arbitrary>], iteration_bounds = array<i64: 8>, scalar_prefetch = 0 : i64, scratch_operands = 0 : i64, tpu.core_type = #tpu.core_type<tc>, window_params = [{transform_indices = @transform_0, window_bounds = array<i64: 1264, 64>}, {transform_indices = @transform_1, window_bounds = array<i64: 1264, 64>}, {transform_indices = @transform_2, window_bounds = array<i64: 1264, 16>}, {transform_indices = @transform_3, window_bounds = array<i64: 1264, 16>}, {transform_indices = @transform_4, window_bounds = array<i64: 1264, 64>}, {pipeline_mode = #tpu.pipeline_mode<synchronous>, transform_indices = @transform_5, window_bounds = array<i64: 1, 64>}, {pipeline_mode = #tpu.pipeline_mode<synchronous>, transform_indices = @transform_6, window_bounds = array<i64: 64, 64>}, {transform_indices = @transform_7, window_bounds = array<i64: 1264, 64>}, {transform_indices = @transform_8, window_bounds = array<i64: 1264, 64>}, {transform_indices = @transform_9, window_bounds = array<i64: 1264, 16>}]} {
    %get3A = arith.constant 0 : index
    %get3A_0 = arith.constant 0 : index
    %get3A_1 = vector.load %arg1[%get3A, %get3A_0] : memref<1264x64xf32, #tpu.memory_space<vmem>>, vector<1264x64xf32>
    %get3A_2 = arith.constant 0 : index
    %get3A_3 = arith.constant 0 : index
    %get3A_4 = vector.load %arg2[%get3A_2, %get3A_3] : memref<1264x64xf32, #tpu.memory_space<vmem>>, vector<1264x64xf32>
    %add3A = arith.addf %get3A_1, %get3A_4 : vector<1264x64xf32>
    %get3A_5 = arith.constant 0 : index
    %get3A_6 = arith.constant 0 : index
    %get3A_7 = vector.load %arg3[%get3A_5, %get3A_6] : memref<1264x16xf32, #tpu.memory_space<vmem>>, vector<1264x16xf32>
    %get3A_8 = arith.constant 0 : index
    %get3A_9 = arith.constant 0 : index
    %get3A_10 = vector.load %arg4[%get3A_8, %get3A_9] : memref<1264x16xf32, #tpu.memory_space<vmem>>, vector<1264x16xf32>
    %add3A_11 = arith.addf %get3A_7, %get3A_10 : vector<1264x16xf32>
    %max3A = arith.constant 1.000000e+00 : f32
    %max3A_12 = vector.broadcast %max3A : f32 to vector<1264x16xf32>
    %max3A_13 = arith.maximumf %add3A_11, %max3A_12 : vector<1264x16xf32>
    %div3A = arith.constant 1.000000e+00 : f32
    %div3A_14 = vector.broadcast %div3A : f32 to vector<1264x16xf32>
    %div3A_15 = arith.divf %div3A_14, %max3A_13 : vector<1264x16xf32>
    %slice3A = vector.extract_strided_slice %div3A_15 {offsets = [0, 0], sizes = [1264, 1], strides = [1, 1]} : vector<1264x16xf32> to vector<1264x1xf32>
    %mul3A = vector.broadcast %slice3A : vector<1264x1xf32> to vector<1264x64xf32>
    %mul3A_16 = arith.mulf %add3A, %mul3A : vector<1264x64xf32>
    %get3A_17 = arith.constant 0 : index
    %get3A_18 = arith.constant 0 : index
    %get3A_19 = vector.load %arg5[%get3A_17, %get3A_18] : memref<1264x64xf32, #tpu.memory_space<vmem>>, vector<1264x64xf32>
    %add3A_20 = arith.addf %mul3A_16, %get3A_19 : vector<1264x64xf32>
    %get3A_21 = arith.constant 0 : index
    %get3A_22 = arith.constant 0 : index
    %get3A_23 = vector.load %arg6[%get3A_21, %get3A_22] : memref<1x64xf32, #tpu.memory_space<vmem>>, vector<1x64xf32>
    %add3A_24 = vector.broadcast %get3A_23 : vector<1x64xf32> to vector<1264x64xf32>
    %add3A_25 = arith.addf %add3A_20, %add3A_24 : vector<1264x64xf32>
    %max3A_26 = arith.constant 0.000000e+00 : f32
    %max3A_27 = vector.broadcast %max3A_26 : f32 to vector<1264x64xf32>
    %max3A_28 = arith.maximumf %add3A_25, %max3A_27 : vector<1264x64xf32>
    %swap3A = arith.constant 0 : index
    %swap3A_29 = arith.constant 0 : index
    %swap3A_30 = vector.load %arg8[%swap3A, %swap3A_29] : memref<1264x64xf32, #tpu.memory_space<vmem>>, vector<1264x64xf32>
    tpu.vector_store %arg8[%swap3A, %swap3A_29], %max3A_28 {strides = array<i32>} : memref<1264x64xf32, #tpu.memory_space<vmem>>, vector<1264x64xf32>,
    %get3A_31 = arith.constant 0 : index
    %get3A_32 = arith.constant 0 : index
    %get3A_33 = vector.load %arg7[%get3A_31, %get3A_32] : memref<64x64xf32, #tpu.memory_space<vmem>>, vector<64x64xf32>
    %dot_general3A = arith.constant dense<0.000000e+00> : vector<1264x64xf32>
    %dot_general3A_34 = tpu.matmul %max3A_28, %get3A_33, %dot_general3A {dimension_numbers = #tpu.dot_dimension_numbers<[1], [0], [0], [1], [0, 0, 1, 1], [], []>, transpose_lhs_hint = false} : vector<1264x64xf32>, vector<64x64xf32>, vector<1264x64xf32> -> vector<1264x64xf32>
    %swap3A_35 = arith.constant 0 : index
    %swap3A_36 = arith.constant 0 : index
    %swap3A_37 = vector.load %arg9[%swap3A_35, %swap3A_36] : memref<1264x64xf32, #tpu.memory_space<vmem>>, vector<1264x64xf32>
    tpu.vector_store %arg9[%swap3A_35, %swap3A_36], %dot_general3A_34 {strides = array<i32>} : memref<1264x64xf32, #tpu.memory_space<vmem>>, vector<1264x64xf32>,
    %swap3A_38 = arith.constant 0 : index
    %swap3A_39 = arith.constant 0 : index
    %swap3A_40 = vector.load %arg10[%swap3A_38, %swap3A_39] : memref<1264x16xf32, #tpu.memory_space<vmem>>, vector<1264x16xf32>
    tpu.vector_store %arg10[%swap3A_38, %swap3A_39], %div3A_15 {strides = array<i32>} : memref<1264x16xf32, #tpu.memory_space<vmem>>, vector<1264x16xf32>,
    return
  }
  func.func @transform_0(%arg0: i32) -> (i32, i32) {
    %c0_i32 = arith.constant 0 : i32
    %c0_i32_0 = arith.constant 0 : i32
    return %arg0, %c0_i32 : i32, i32
  }
  func.func @transform_1(%arg0: i32) -> (i32, i32) {
    %add3A = arith.constant 8 : i32
    %add3A_0 = arith.addi %arg0, %add3A : i32
    %c0_i32 = arith.constant 0 : i32
    %c0_i32_1 = arith.constant 0 : i32
    return %add3A_0, %c0_i32 : i32, i32
  }
  func.func @transform_2(%arg0: i32) -> (i32, i32) {
    %c0_i32 = arith.constant 0 : i32
    %c0_i32_0 = arith.constant 0 : i32
    return %arg0, %c0_i32 : i32, i32
  }
  func.func @transform_3(%arg0: i32) -> (i32, i32) {
    %add3A = arith.constant 8 : i32
    %add3A_0 = arith.addi %arg0, %add3A : i32
    %c0_i32 = arith.constant 0 : i32
    %c0_i32_1 = arith.constant 0 : i32
    return %add3A_0, %c0_i32 : i32, i32
  }
  func.func @transform_4(%arg0: i32) -> (i32, i32) {
    %c0_i32 = arith.constant 0 : i32
    %c0_i32_0 = arith.constant 0 : i32
    return %arg0, %c0_i32 : i32, i32
  }
  func.func @transform_5(%arg0: i32) -> (i32, i32) {
    %c0_i32 = arith.constant 0 : i32
    %c0_i32_0 = arith.constant 0 : i32
    %c0_i32_1 = arith.constant 0 : i32
    return %c0_i32, %c0_i32_0 : i32, i32
  }
  func.func @transform_6(%arg0: i32) -> (i32, i32) {
    %c0_i32 = arith.constant 0 : i32
    %c0_i32_0 = arith.constant 0 : i32
    %c0_i32_1 = arith.constant 0 : i32
    return %c0_i32, %c0_i32_0 : i32, i32
  }
  func.func @transform_7(%arg0: i32) -> (i32, i32) {
    %c0_i32 = arith.constant 0 : i32
    %c0_i32_0 = arith.constant 0 : i32
    return %arg0, %c0_i32 : i32, i32
  }
  func.func @transform_8(%arg0: i32) -> (i32, i32) {
    %c0_i32 = arith.constant 0 : i32
    %c0_i32_0 = arith.constant 0 : i32
    return %arg0, %c0_i32 : i32, i32
  }
  func.func @transform_9(%arg0: i32) -> (i32, i32) {
    %c0_i32 = arith.constant 0 : i32
    %c0_i32_0 = arith.constant 0 : i32
    return %arg0, %c0_i32 : i32, i32
  }
}

module attributes {stable_mosaic.version = 14 : i64} {
  func.func @body(%arg0: i32, %arg1: memref<1264x64xf32, #tpu.memory_space<vmem>>, %arg2: memref<64x64xf32, #tpu.memory_space<vmem>>, %arg3: memref<1264x64xf32, #tpu.memory_space<vmem>>) attributes {dimension_semantics = [#tpu.dimension_semantics<arbitrary>], iteration_bounds = array<i64: 8>, scalar_prefetch = 0 : i64, scratch_operands = 0 : i64, tpu.core_type = #tpu.core_type<tc>, window_params = [{transform_indices = @transform_0, window_bounds = array<i64: 1264, 64>}, {pipeline_mode = #tpu.pipeline_mode<synchronous>, transform_indices = @transform_1, window_bounds = array<i64: 64, 64>}, {transform_indices = @transform_2, window_bounds = array<i64: 1264, 64>}]} {
    %get3A = arith.constant 0 : index
    %get3A_0 = arith.constant 0 : index
    %get3A_1 = vector.load %arg1[%get3A, %get3A_0] : memref<1264x64xf32, #tpu.memory_space<vmem>>, vector<1264x64xf32>
    %get3A_2 = arith.constant 0 : index
    %get3A_3 = arith.constant 0 : index
    %get3A_4 = vector.load %arg2[%get3A_2, %get3A_3] : memref<64x64xf32, #tpu.memory_space<vmem>>, vector<64x64xf32>
    %dot_general3A = arith.constant dense<0.000000e+00> : vector<1264x64xf32>
    %dot_general3A_5 = tpu.matmul %get3A_1, %get3A_4, %dot_general3A {dimension_numbers = #tpu.dot_dimension_numbers<[1], [0], [0], [1], [0, 0, 1, 1], [], []>, transpose_lhs_hint = false} : vector<1264x64xf32>, vector<64x64xf32>, vector<1264x64xf32> -> vector<1264x64xf32>
    %swap3A = arith.constant 0 : index
    %swap3A_6 = arith.constant 0 : index
    %swap3A_7 = vector.load %arg3[%swap3A, %swap3A_6] : memref<1264x64xf32, #tpu.memory_space<vmem>>, vector<1264x64xf32>
    tpu.vector_store %arg3[%swap3A, %swap3A_6], %dot_general3A_5 {strides = array<i32>} : memref<1264x64xf32, #tpu.memory_space<vmem>>, vector<1264x64xf32>,
    return
  }
  func.func @transform_0(%arg0: i32) -> (i32, i32) {
    %c0_i32 = arith.constant 0 : i32
    %c0_i32_0 = arith.constant 0 : i32
    return %arg0, %c0_i32 : i32, i32
  }
  func.func @transform_1(%arg0: i32) -> (i32, i32) {
    %c0_i32 = arith.constant 0 : i32
    %c0_i32_0 = arith.constant 0 : i32
    %c0_i32_1 = arith.constant 0 : i32
    return %c0_i32, %c0_i32_0 : i32, i32
  }
  func.func @transform_2(%arg0: i32) -> (i32, i32) {
    %c0_i32 = arith.constant 0 : i32
    %c0_i32_0 = arith.constant 0 : i32
    return %arg0, %c0_i32 : i32, i32
  }
}

module attributes {stable_mosaic.version = 14 : i64} {
  func.func @body(%arg0: i32, %arg1: memref<1264x64xf32, #tpu.memory_space<vmem>>, %arg2: memref<1264x64xf32, #tpu.memory_space<vmem>>, %arg3: memref<1264x16xf32, #tpu.memory_space<vmem>>, %arg4: memref<1264x16xf32, #tpu.memory_space<vmem>>, %arg5: memref<1264x64xf32, #tpu.memory_space<vmem>>, %arg6: memref<1x64xf32, #tpu.memory_space<vmem>>, %arg7: memref<64x16xf32, #tpu.memory_space<vmem>>, %arg8: memref<1264x64xf32, #tpu.memory_space<vmem>>, %arg9: memref<1264x16xf32, #tpu.memory_space<vmem>>) attributes {dimension_semantics = [#tpu.dimension_semantics<arbitrary>], iteration_bounds = array<i64: 8>, scalar_prefetch = 0 : i64, scratch_operands = 0 : i64, tpu.core_type = #tpu.core_type<tc>, window_params = [{transform_indices = @transform_0, window_bounds = array<i64: 1264, 64>}, {transform_indices = @transform_1, window_bounds = array<i64: 1264, 64>}, {transform_indices = @transform_2, window_bounds = array<i64: 1264, 16>}, {transform_indices = @transform_3, window_bounds = array<i64: 1264, 16>}, {transform_indices = @transform_4, window_bounds = array<i64: 1264, 64>}, {pipeline_mode = #tpu.pipeline_mode<synchronous>, transform_indices = @transform_5, window_bounds = array<i64: 1, 64>}, {pipeline_mode = #tpu.pipeline_mode<synchronous>, transform_indices = @transform_6, window_bounds = array<i64: 64, 16>}, {transform_indices = @transform_7, window_bounds = array<i64: 1264, 64>}, {transform_indices = @transform_8, window_bounds = array<i64: 1264, 16>}]} {
    %get3A = arith.constant 0 : index
    %get3A_0 = arith.constant 0 : index
    %get3A_1 = vector.load %arg1[%get3A, %get3A_0] : memref<1264x64xf32, #tpu.memory_space<vmem>>, vector<1264x64xf32>
    %get3A_2 = arith.constant 0 : index
    %get3A_3 = arith.constant 0 : index
    %get3A_4 = vector.load %arg2[%get3A_2, %get3A_3] : memref<1264x64xf32, #tpu.memory_space<vmem>>, vector<1264x64xf32>
    %add3A = arith.addf %get3A_1, %get3A_4 : vector<1264x64xf32>
    %get3A_5 = arith.constant 0 : index
    %get3A_6 = arith.constant 0 : index
    %get3A_7 = vector.load %arg3[%get3A_5, %get3A_6] : memref<1264x16xf32, #tpu.memory_space<vmem>>, vector<1264x16xf32>
    %slice3A = vector.extract_strided_slice %get3A_7 {offsets = [0, 0], sizes = [1264, 1], strides = [1, 1]} : vector<1264x16xf32> to vector<1264x1xf32>
    %mul3A = vector.broadcast %slice3A : vector<1264x1xf32> to vector<1264x64xf32>
    %mul3A_8 = arith.mulf %add3A, %mul3A : vector<1264x64xf32>
    %get3A_9 = arith.constant 0 : index
    %get3A_10 = arith.constant 0 : index
    %get3A_11 = vector.load %arg5[%get3A_9, %get3A_10] : memref<1264x64xf32, #tpu.memory_space<vmem>>, vector<1264x64xf32>
    %add3A_12 = arith.addf %mul3A_8, %get3A_11 : vector<1264x64xf32>
    %get3A_13 = arith.constant 0 : index
    %get3A_14 = arith.constant 0 : index
    %get3A_15 = vector.load %arg6[%get3A_13, %get3A_14] : memref<1x64xf32, #tpu.memory_space<vmem>>, vector<1x64xf32>
    %add3A_16 = vector.broadcast %get3A_15 : vector<1x64xf32> to vector<1264x64xf32>
    %add3A_17 = arith.addf %add3A_12, %add3A_16 : vector<1264x64xf32>
    %max3A = arith.constant 0.000000e+00 : f32
    %max3A_18 = vector.broadcast %max3A : f32 to vector<1264x64xf32>
    %max3A_19 = arith.maximumf %add3A_17, %max3A_18 : vector<1264x64xf32>
    %swap3A = arith.constant 0 : index
    %swap3A_20 = arith.constant 0 : index
    %swap3A_21 = vector.load %arg8[%swap3A, %swap3A_20] : memref<1264x64xf32, #tpu.memory_space<vmem>>, vector<1264x64xf32>
    tpu.vector_store %arg8[%swap3A, %swap3A_20], %max3A_19 {strides = array<i32>} : memref<1264x64xf32, #tpu.memory_space<vmem>>, vector<1264x64xf32>,
    %get3A_22 = arith.constant 0 : index
    %get3A_23 = arith.constant 0 : index
    %get3A_24 = vector.load %arg7[%get3A_22, %get3A_23] : memref<64x16xf32, #tpu.memory_space<vmem>>, vector<64x16xf32>
    %dot_general3A = arith.constant dense<0.000000e+00> : vector<1264x16xf32>
    %dot_general3A_25 = tpu.matmul %max3A_19, %get3A_24, %dot_general3A {dimension_numbers = #tpu.dot_dimension_numbers<[1], [0], [0], [1], [0, 0, 1, 1], [], []>, transpose_lhs_hint = false} : vector<1264x64xf32>, vector<64x16xf32>, vector<1264x16xf32> -> vector<1264x16xf32>
    %swap3A_26 = arith.constant 0 : index
    %swap3A_27 = arith.constant 0 : index
    %swap3A_28 = vector.load %arg9[%swap3A_26, %swap3A_27] : memref<1264x16xf32, #tpu.memory_space<vmem>>, vector<1264x16xf32>
    tpu.vector_store %arg9[%swap3A_26, %swap3A_27], %dot_general3A_25 {strides = array<i32>} : memref<1264x16xf32, #tpu.memory_space<vmem>>, vector<1264x16xf32>,
    return
  }
  func.func @transform_0(%arg0: i32) -> (i32, i32) {
    %c0_i32 = arith.constant 0 : i32
    %c0_i32_0 = arith.constant 0 : i32
    return %arg0, %c0_i32 : i32, i32
  }
  func.func @transform_1(%arg0: i32) -> (i32, i32) {
    %add3A = arith.constant 8 : i32
    %add3A_0 = arith.addi %arg0, %add3A : i32
    %c0_i32 = arith.constant 0 : i32
    %c0_i32_1 = arith.constant 0 : i32
    return %add3A_0, %c0_i32 : i32, i32
  }
  func.func @transform_2(%arg0: i32) -> (i32, i32) {
    %c0_i32 = arith.constant 0 : i32
    %c0_i32_0 = arith.constant 0 : i32
    return %arg0, %c0_i32 : i32, i32
  }
  func.func @transform_3(%arg0: i32) -> (i32, i32) {
    %c0_i32 = arith.constant 0 : i32
    %c0_i32_0 = arith.constant 0 : i32
    return %arg0, %c0_i32 : i32, i32
  }
  func.func @transform_4(%arg0: i32) -> (i32, i32) {
    %c0_i32 = arith.constant 0 : i32
    %c0_i32_0 = arith.constant 0 : i32
    return %arg0, %c0_i32 : i32, i32
  }
  func.func @transform_5(%arg0: i32) -> (i32, i32) {
    %c0_i32 = arith.constant 0 : i32
    %c0_i32_0 = arith.constant 0 : i32
    %c0_i32_1 = arith.constant 0 : i32
    return %c0_i32, %c0_i32_0 : i32, i32
  }
  func.func @transform_6(%arg0: i32) -> (i32, i32) {
    %c0_i32 = arith.constant 0 : i32
    %c0_i32_0 = arith.constant 0 : i32
    %c0_i32_1 = arith.constant 0 : i32
    return %c0_i32, %c0_i32_0 : i32, i32
  }
  func.func @transform_7(%arg0: i32) -> (i32, i32) {
    %c0_i32 = arith.constant 0 : i32
    %c0_i32_0 = arith.constant 0 : i32
    return %arg0, %c0_i32 : i32, i32
  }
  func.func @transform_8(%arg0: i32) -> (i32, i32) {
    %c0_i32 = arith.constant 0 : i32
    %c0_i32_0 = arith.constant 0 : i32
    return %arg0, %c0_i32 : i32, i32
  }
}

module attributes {stable_mosaic.version = 14 : i64} {
  func.func @body(%arg0: i32, %arg1: memref<1264x64xf32, #tpu.memory_space<vmem>>, %arg2: memref<64x16xf32, #tpu.memory_space<vmem>>, %arg3: memref<1264x16xf32, #tpu.memory_space<vmem>>) attributes {dimension_semantics = [#tpu.dimension_semantics<arbitrary>], iteration_bounds = array<i64: 8>, scalar_prefetch = 0 : i64, scratch_operands = 0 : i64, tpu.core_type = #tpu.core_type<tc>, window_params = [{transform_indices = @transform_0, window_bounds = array<i64: 1264, 64>}, {pipeline_mode = #tpu.pipeline_mode<synchronous>, transform_indices = @transform_1, window_bounds = array<i64: 64, 16>}, {transform_indices = @transform_2, window_bounds = array<i64: 1264, 16>}]} {
    %get3A = arith.constant 0 : index
    %get3A_0 = arith.constant 0 : index
    %get3A_1 = vector.load %arg1[%get3A, %get3A_0] : memref<1264x64xf32, #tpu.memory_space<vmem>>, vector<1264x64xf32>
    %get3A_2 = arith.constant 0 : index
    %get3A_3 = arith.constant 0 : index
    %get3A_4 = vector.load %arg2[%get3A_2, %get3A_3] : memref<64x16xf32, #tpu.memory_space<vmem>>, vector<64x16xf32>
    %dot_general3A = arith.constant dense<0.000000e+00> : vector<1264x16xf32>
    %dot_general3A_5 = tpu.matmul %get3A_1, %get3A_4, %dot_general3A {dimension_numbers = #tpu.dot_dimension_numbers<[1], [0], [0], [1], [0, 0, 1, 1], [], []>, transpose_lhs_hint = false} : vector<1264x64xf32>, vector<64x16xf32>, vector<1264x16xf32> -> vector<1264x16xf32>
    %swap3A = arith.constant 0 : index
    %swap3A_6 = arith.constant 0 : index
    %swap3A_7 = vector.load %arg3[%swap3A, %swap3A_6] : memref<1264x16xf32, #tpu.memory_space<vmem>>, vector<1264x16xf32>
    tpu.vector_store %arg3[%swap3A, %swap3A_6], %dot_general3A_5 {strides = array<i32>} : memref<1264x16xf32, #tpu.memory_space<vmem>>, vector<1264x16xf32>,
    return
  }
  func.func @transform_0(%arg0: i32) -> (i32, i32) {
    %c0_i32 = arith.constant 0 : i32
    %c0_i32_0 = arith.constant 0 : i32
    return %arg0, %c0_i32 : i32, i32
  }
  func.func @transform_1(%arg0: i32) -> (i32, i32) {
    %c0_i32 = arith.constant 0 : i32
    %c0_i32_0 = arith.constant 0 : i32
    %c0_i32_1 = arith.constant 0 : i32
    return %c0_i32, %c0_i32_0 : i32, i32
  }
  func.func @transform_2(%arg0: i32) -> (i32, i32) {
    %c0_i32 = arith.constant 0 : i32
    %c0_i32_0 = arith.constant 0 : i32
    return %arg0, %c0_i32 : i32, i32
  }
}

module attributes {stable_mosaic.version = 14 : i64} {
  func.func @body(%arg0: i32, %arg1: memref<1264x16xf32, #tpu.memory_space<vmem>>, %arg2: memref<1264x16xf32, #tpu.memory_space<vmem>>, %arg3: memref<1264x16xf32, #tpu.memory_space<vmem>>, %arg4: memref<1264x16xf32, #tpu.memory_space<vmem>>, %arg5: memref<1x16xf32, #tpu.memory_space<vmem>>, %arg6: memref<1264x16xf32, #tpu.memory_space<vmem>>) attributes {dimension_semantics = [#tpu.dimension_semantics<arbitrary>], iteration_bounds = array<i64: 8>, scalar_prefetch = 0 : i64, scratch_operands = 0 : i64, tpu.core_type = #tpu.core_type<tc>, window_params = [{transform_indices = @transform_0, window_bounds = array<i64: 1264, 16>}, {transform_indices = @transform_1, window_bounds = array<i64: 1264, 16>}, {transform_indices = @transform_2, window_bounds = array<i64: 1264, 16>}, {transform_indices = @transform_3, window_bounds = array<i64: 1264, 16>}, {pipeline_mode = #tpu.pipeline_mode<synchronous>, transform_indices = @transform_4, window_bounds = array<i64: 1, 16>}, {transform_indices = @transform_5, window_bounds = array<i64: 1264, 16>}]} {
    %get3A = arith.constant 0 : index
    %get3A_0 = arith.constant 0 : index
    %get3A_1 = vector.load %arg1[%get3A, %get3A_0] : memref<1264x16xf32, #tpu.memory_space<vmem>>, vector<1264x16xf32>
    %get3A_2 = arith.constant 0 : index
    %get3A_3 = arith.constant 0 : index
    %get3A_4 = vector.load %arg2[%get3A_2, %get3A_3] : memref<1264x16xf32, #tpu.memory_space<vmem>>, vector<1264x16xf32>
    %add3A = arith.addf %get3A_1, %get3A_4 : vector<1264x16xf32>
    %get3A_5 = arith.constant 0 : index
    %get3A_6 = arith.constant 0 : index
    %get3A_7 = vector.load %arg3[%get3A_5, %get3A_6] : memref<1264x16xf32, #tpu.memory_space<vmem>>, vector<1264x16xf32>
    %slice3A = vector.extract_strided_slice %get3A_7 {offsets = [0, 0], sizes = [1264, 1], strides = [1, 1]} : vector<1264x16xf32> to vector<1264x1xf32>
    %mul3A = vector.broadcast %slice3A : vector<1264x1xf32> to vector<1264x16xf32>
    %mul3A_8 = arith.mulf %add3A, %mul3A : vector<1264x16xf32>
    %get3A_9 = arith.constant 0 : index
    %get3A_10 = arith.constant 0 : index
    %get3A_11 = vector.load %arg4[%get3A_9, %get3A_10] : memref<1264x16xf32, #tpu.memory_space<vmem>>, vector<1264x16xf32>
    %add3A_12 = arith.addf %mul3A_8, %get3A_11 : vector<1264x16xf32>
    %get3A_13 = arith.constant 0 : index
    %get3A_14 = arith.constant 0 : index
    %get3A_15 = vector.load %arg5[%get3A_13, %get3A_14] : memref<1x16xf32, #tpu.memory_space<vmem>>, vector<1x16xf32>
    %add3A_16 = vector.broadcast %get3A_15 : vector<1x16xf32> to vector<1264x16xf32>
    %add3A_17 = arith.addf %add3A_12, %add3A_16 : vector<1264x16xf32>
    %swap3A = arith.constant 0 : index
    %swap3A_18 = arith.constant 0 : index
    %swap3A_19 = vector.load %arg6[%swap3A, %swap3A_18] : memref<1264x16xf32, #tpu.memory_space<vmem>>, vector<1264x16xf32>
    tpu.vector_store %arg6[%swap3A, %swap3A_18], %add3A_17 {strides = array<i32>} : memref<1264x16xf32, #tpu.memory_space<vmem>>, vector<1264x16xf32>,
    return
  }
  func.func @transform_0(%arg0: i32) -> (i32, i32) {
    %c0_i32 = arith.constant 0 : i32
    %c0_i32_0 = arith.constant 0 : i32
    return %arg0, %c0_i32 : i32, i32
  }
  func.func @transform_1(%arg0: i32) -> (i32, i32) {
    %add3A = arith.constant 8 : i32
    %add3A_0 = arith.addi %arg0, %add3A : i32
    %c0_i32 = arith.constant 0 : i32
    %c0_i32_1 = arith.constant 0 : i32
    return %add3A_0, %c0_i32 : i32, i32
  }
  func.func @transform_2(%arg0: i32) -> (i32, i32) {
    %c0_i32 = arith.constant 0 : i32
    %c0_i32_0 = arith.constant 0 : i32
    return %arg0, %c0_i32 : i32, i32
  }
  func.func @transform_3(%arg0: i32) -> (i32, i32) {
    %c0_i32 = arith.constant 0 : i32
    %c0_i32_0 = arith.constant 0 : i32
    return %arg0, %c0_i32 : i32, i32
  }
  func.func @transform_4(%arg0: i32) -> (i32, i32) {
    %c0_i32 = arith.constant 0 : i32
    %c0_i32_0 = arith.constant 0 : i32
    %c0_i32_1 = arith.constant 0 : i32
    return %c0_i32, %c0_i32_0 : i32, i32
  }
  func.func @transform_5(%arg0: i32) -> (i32, i32) {
    %c0_i32 = arith.constant 0 : i32
    %c0_i32_0 = arith.constant 0 : i32
    return %arg0, %c0_i32 : i32, i32
  }
}

</mosaic_0001>

<sc_bundles>
// kernel: kernel.12.cloned.1.call-start
scs
__scs_entry_jumppad:
0x0: {  	(pc) =	sbr.rel $0x88, $3  }
0x1: {  	(tag) =	ssettag $0x0;
	lr =	simm.s32 $0x1  }
0x2: {  	[smem:$0x3F96] =	sst lr;
	_ =	strace $0xD0000000  }
0x3: {  	_ = 	snop  }
0x4: {  	_ = 	snop  }
0x5: {  	_ = 	snop  }
0x6: {  	_ = 	snop  }
0x7: {  	_ = 	snop  }
__scs_overlays_trampoline_lowered:
0x8: {  	[smem:$0x3FA5] =	sst s0  }
0x9: {  	[smem:$0x3FA6] =	sst s1  }
0xa: {  	[smem:$0x3FA7] =	sst s2  }
0xb: {  	[smem:$0x3FA8] =	sst s3  }
0xc: {  	[smem:$0x3FA9] =	sst s4  }
0xd: {  	[smem:$0x3FAA] =	sst s5  }
0xe: {  	[smem:$0x3FAB] =	sst s6  }
0xf: {  	[smem:$0x3FAC] =	sst s7  }
0x10: {  	[smem:$0x3FAD] =	sst s8  }
0x11: {  	[smem:$0x3FAE] =	sst s9;
	s0 =	simm.s32 @!p0 $0x0  }
0x12: {  	s1 =	sld [smem:$0x3F94];
	s0 =	simm.s32 @p0 $0x1  }
0x13: {  	[smem:$0x3FAF] =	sst s0;
	s0 =	simm.s32 @!p1 $0x0  }
0x14: {  	s2 =	sld [smem:$0x3F93];
	s0 =	simm.s32 @p1 $0x1  }
0x15: {  	[smem:$0x3FB0] =	sst s0;
	s0 =	simm.s32 @!p2 $0x0  }
0x16: {  	s3 =	sld [smem:$0x3FDB];
	s0 =	simm.s32 @p2 $0x1  }
0x17: {  	s4 =	simm.s32 $0x1BF5;
	[smem:$0x3FB2] =	sst s0  }
0x18: {  	s0 =	sld [smem:$0x3F95];
	_ =	swait.ge [sflag:s4], $0x0  }
0x19: {  	s7 =	sld [smem:$0x3F96]  }
0x1a: {  	s8 =	sadd.s32 $0xFFFFE003, lr  }
0x1b: {  	s9 =	sadd.s32 $0xFFFFFEF7, lr;
	s5 =	simm.s32 $0xFFFFFFFF;
	p2 =	slt.u32 s8, $0xFFFFF086  }
0x1c: {  	p1 =	slt.u32 s9, $0xF7A;
	s5 =	simm.s32 @!p2 $0x0  }
0x1d: {  	s5 =	simm.s32 @p1 $0x1;
	p0 =	seq.s32 s7, s2  }
0x1e: {  	s7 =	smul.u32 @!p0 $0xF7A, s2;
	p2 =	seq.s32 @!p0 s5, $0x0  }
0x1f: {  	s9 =	smul.u32 $0xF7A, s1;
	s8 =	simm.s32 @!p0 $0x1BF5;
	p2 =	por !p2, p0  }
0x20: {  	[sflag:s8] =	ssyncset.s32 @!p0 $0xFFFFF086;
	s6 =	sadd.s32 @!p0 s3, s7;
	s7 =	simm.s32 @!p0 $0x108  }
0x21: {  	s3 =	sadd.s32 s3, s9;
	s6 =	sadd.s32 @!p0 $0x88, s6;
	s7 =	simm.s32 @p2 $0x1082  }
0x22: {  	[simem:s7], [sflag:s8] =	dma.local @!p0 [hbm:s6], $0xF7A  }
0x23: {  	s9 =	sor.u32 $0xD0000000, s2;
	s6 =	simm.s32 $0x108;
	_ =	swait.ge @!p0 [sflag:s8], $0x0  }
0x24: {  	s3 =	sadd.s32 $0x88, s3;
	s6 =	simm.s32 @!p1 $0x1082;
	[sflag:s4] =	ssyncset.s32 $0xFFFFF086  }
0x25: {  	[simem:s6], [sflag:s4] =	dma.local [hbm:s3], $0xF7A  }
0x26: {  	[smem:$0x3F96] =	sst s1;
	(tag) =	ssettag s2;
	_ =	strace s9  }
0x27: {  	s1 =	sld [smem:$0x3FA6]  }
0x28: {  	s2 =	sld [smem:$0x3FA7]  }
0x29: {  	s4 =	sld [smem:$0x3FA9]  }
0x2a: {  	p0 =	seq.s32 s5, $0x0;
	s5 =	sld [smem:$0x3FAA]  }
0x2b: {  	s6 =	sld [smem:$0x3FAB]  }
0x2c: {  	s7 =	sld [smem:$0x3FAC]  }
0x2d: {  	s3 =	simm.s32 $0x108;
	s8 =	sld [smem:$0x3FAD]  }
0x2e: {  	s3 =	simm.s32 @!p0 $0x1082;
	s9 =	sld [smem:$0x3FAE]  }
0x2f: {  	lr =	sadd.s32 s0, s3;
	s0 =	sld [smem:$0x3FA5]  }
0x30: {  	s3 =	sld [smem:$0x3FA8]  }
0x31: {  	[smem:$0x3FB1] =	sst s10  }
0x32: {  	s10 =	sld [smem:$0x3FAF];
	_ =	sdelay $0x3  }
0x33: {  	p0 =	seq.s32 s10, $0x1;
	s10 =	sld [smem:$0x3FB1];
	_ =	sdelay $0x3  }
0x34: {  	[smem:$0x3FB1] =	sst s10  }
0x35: {  	s10 =	sld [smem:$0x3FB0];
	_ =	sdelay $0x3  }
0x36: {  	p1 =	seq.s32 s10, $0x1;
	s10 =	sld [smem:$0x3FB1];
	_ =	sdelay $0x3  }
0x37: {  	[smem:$0x3FB1] =	sst s10  }
0x38: {  	s10 =	sld [smem:$0x3FB2]  }
0x39: {  	_ = 	snop;
	(pc) =	sbr.ind lr, $3  }
0x3a: {  	_ = 	snop  }
0x3b: {  	_ = 	snop  }
0x3c: {  	p2 =	seq.s32 s10, $0x1;
	s10 =	sld [smem:$0x3FB1]  }
0x3d: {  	_ =	shalt  }
0x3e: {  	_ =	shalt  }
0x3f: {  	_ =	shalt  }
0x40: {  	_ =	shalt  }
0x41: {  	_ =	shalt  }
0x42: {  	_ =	shalt  }
0x43: {  	_ =	shalt  }
0x44: {  	_ =	shalt  }
0x45: {  	_ =	shalt  }
0x46: {  	_ =	shalt  }
0x47: {  	_ =	shalt  }
0x48: {  	_ =	shalt  }
0x49: {  	_ =	shalt  }
0x4a: {  	_ =	shalt  }
0x4b: {  	_ =	shalt  }
0x4c: {  	_ =	shalt  }
0x4d: {  	_ =	shalt  }
0x4e: {  	_ =	shalt  }
0x4f: {  	_ =	shalt  }
0x50: {  	_ =	shalt  }
0x51: {  	_ =	shalt  }
0x52: {  	_ =	shalt  }
0x53: {  	_ =	shalt  }
0x54: {  	_ =	shalt  }
0x55: {  	_ =	shalt  }
0x56: {  	_ =	shalt  }
0x57: {  	_ =	shalt  }
0x58: {  	_ =	shalt  }
0x59: {  	_ =	shalt  }
0x5a: {  	_ =	shalt  }
0x5b: {  	_ =	shalt  }
0x5c: {  	_ =	shalt  }
0x5d: {  	_ =	shalt  }
0x5e: {  	_ =	shalt  }
0x5f: {  	_ =	shalt  }
0x60: {  	_ =	shalt  }
0x61: {  	_ =	shalt  }
0x62: {  	_ =	shalt  }
0x63: {  	_ =	shalt  }
0x64: {  	_ =	shalt  }
0x65: {  	_ =	shalt  }
0x66: {  	_ =	shalt  }
0x67: {  	_ =	shalt  }
0x68: {  	_ =	shalt  }
0x69: {  	_ =	shalt  }
0x6a: {  	_ =	shalt  }
0x6b: {  	_ =	shalt  }
0x6c: {  	_ =	shalt  }
0x6d: {  	_ =	shalt  }
0x6e: {  	_ =	shalt  }
0x6f: {  	_ =	shalt  }
0x70: {  	_ =	shalt  }
0x71: {  	_ =	shalt  }
0x72: {  	_ =	shalt  }
0x73: {  	_ =	shalt  }
0x74: {  	_ =	shalt  }
0x75: {  	_ =	shalt  }
0x76: {  	_ =	shalt  }
0x77: {  	_ =	shalt  }
0x78: {  	_ =	shalt  }
0x79: {  	_ =	shalt  }
0x7a: {  	_ =	shalt  }
0x7b: {  	_ =	shalt  }
0x7c: {  	_ =	shalt  }
0x7d: {  	_ =	shalt  }
0x7e: {  	_ =	shalt  }
0x7f: {  	_ =	shalt  }
0x80: {  	_ =	shalt  }
0x81: {  	_ =	shalt  }
0x82: {  	_ =	shalt  }
0x83: {  	_ =	shalt  }
0x84: {  	_ =	shalt  }
0x85: {  	_ =	shalt  }
0x86: {  	_ =	shalt  }
0x87: {  	_ =	shalt  }
.Lfunc_end0:
.L_simem_size_0:
called_computation_lowered:
.L_overlay_start_0:
0x88: {  	s2 =	sld [smem:$0x3FD9]  }
0x89: {  	s3 =	sld [smem:$0x3FFE];
	_ =	sdelay $0x1  }
0x8a: {  	s1 =	srdreg.scid  }
0x8b: {  	s0 =	sand.u32 $0x1, s1  }
0x8c: {  	s17 =	sshll.u32 s0, $0xA;
	s2 =	sadd.s32 s3, s2  }
0x8d: {  	s2 =	sadd.s32 s2, s17  }
0x8e: {  	[smem:$0x3FBD] =	sst s2  }
0x8f: {  	_ = 	snop  }
0x90: {  	s2 =	sld [smem:$0x3FD0];
	(tm) =	ssettm $0x1  }
0x91: {  	s18 =	sld [smem:$0x3FFB];
	_ =	sdelay $0x3  }
0x92: {  	_ =	strace s18  }
0x93: {  	s3 =	sld [smem:$0x3FFC];
	_ =	sdelay $0x3  }
0x94: {  	_ =	strace s3  }
0x95: {  	s3 =	sld [smem:$0x3FFD];
	_ =	sdelay $0x3  }
0x96: {  	_ =	strace s3  }
0x97: {  	_ =	strace $0x8FFFFFFF  }
0x98: {  	s19 =	sld [smem:$0x3FDB];
	_ =	sdelay $0x1  }
0x99: {  	s4 =	simm.s32 $_scs_section_size  }
0x9a: {  	s5 =	simm.s32 $_size__tile_overlayer_lowered;
	s6 =	simm.s32 $_tile_overlayer_lowered  }
0x9b: {  	s22 =	simm.s32 $0x1BFF;
	s21 =	sshll.u32 s6, $0x1;
	s3 =	sadd.s32 s4, s19  }
0x9c: {  	s7 =	simm.s32 $0x0;
	s20 =	sshll.u32 s5, $0x1;
	s5 =	sadd.s32 s21, s3  }
0x9d: {  	[timem:s7], [sflag:s22] =	dma.local [hbm:s5], s20  }
0x9e: {  	_ =	swait.ge [sflag:s22], s20  }
0x9f: {  	s4 =	ssub.s32 $0x0, s20;
	[sflag:s22] =	ssyncset.done $0x0  }
0xa0: {  	[sflag:s22] =	ssyncadd.s32 s4;
	_ =	sdelay $0x1  }
0xa1: {  	s23 =	simm.s32 $0x1B8B  }
0xa2: {  	_ =	swait.ge [sflag:s23], $0x1  }
0xa3: {  	[sflag:s23] =	ssyncset.done $0x0  }
0xa4: {  	s25 =	simm.s32 $0x1B8E;
	s24 =	sld [smem:$0x3FFE];
	[sflag:s23] =	ssyncadd.s32 $0xFFFFFFFF  }
0xa5: {  	s26 =	simm.s32 $execute0_lowered;
	[smem:$0x3FD2] =	sst s25  }
0xa6: {  	s5 =	sshll.u32 s26, $0x1;
	_ =	strace $0x80000046;
	[dreg:$0x1] =	wrdreg $0xFFFFFFFF  }
0xa7: {  	s28 =	simm.s32 $_size_execute0_lowered;
	s3 =	sadd.s32 s3, s5;
	[dreg:$0x0] =	wrdreg $0x0  }
0xa8: {  	s5 =	sshll.u32 s28, $0x1;
	[dreg:$0x2] =	wrdreg s3  }
0xa9: {  	[dreg:$0x3] =	wrdreg s5  }
0xaa: {  	[dreg:$0x4] =	wrdreg $0xC0  }
0xab: {  	_ =	task [dreg:s7], $0x5FFFF  }
0xac: {  	[dreg:$0x1] =	wrdreg $0xFFFFFFFF  }
0xad: {  	[dreg:$0x0] =	wrdreg $0x60  }
0xae: {  	[dreg:$0x2] =	wrdreg s24  }
0xaf: {  	[dreg:$0x3] =	wrdreg s2  }
0xb0: {  	[dreg:$0x4] =	wrdreg $0xD0000  }
0xb1: {  	[dreg:$0x5] =	wrdreg $0x176000  }
0xb2: {  	[dreg:$0x6] =	wrdreg $0x9  }
0xb3: {  	_ =	task.clear_ibuf [dreg:s7], $0x7FFFF;
	_ =	strace $0x90000046  }
0xb4: {  	s29 =	simm.s32 $0x9;
	_ =	strace $0x80000048  }
0xb5: {  	_ =	swait.ge [sflag:s29], $0x1  }
0xb6: {  	[sflag:s29] =	ssyncadd.s32 $0xFFFFFFFF  }
0xb7: {  	_ =	strace $0x90000048  }
0xb8: {  	_ =	sfence  }
0xb9: {  	s30 =	sld [smem:$0x0];
	_ =	sdelay $0x2  }
0xba: {  	s31 =	sshll.u32 s1, $0xD;
	s1 =	sshrl.u32 s1, $0x2  }
0xbb: {  	s3 =	sand.u32 $0x4000, s31;
	s1 =	sadd.s32 s1, s30  }
0xbc: {  	s0 =	sor.u32 s3, s0;
	s1 =	sshll.u32 s1, $0x11  }
0xbd: {  	s0 =	sor.u32 s1, s0  }
0xbe: {  	s0 =	sadd.s32 $0x8F2B, s0  }
0xbf: {  	[sflag:s0] =	ssyncadd.remote.s32 $0x1  }
0xc0: {  	_ =	sfence.sel $0xFFFF  }
0xc1: {  	[dreg:$0x0] =	wrdreg $0xFFFFFFFF;
	(pc) =	sbr.abs _section_cstart, $3  }
0xc2: {  	[dreg:$0x1] =	wrdreg $0xFFFFFFFF  }
0xc3: {  	_ =	task.clear_ibuf [dreg:s7], $0x2FFFF;
	_ =	strace $0x9FFFFFFF  }
0xc4: {  	(tm) =	ssettm $0x7FFFFFFF  }
0xc5: {  	_ =	shalt  }
tec
execute0_lowered:
.L_overlay_start_1:
0x0: {  	(tag) =	ssettag $0x1  }
0x1: {  	s0 =	srdreg.scid;
	s1 =	rddreg [dreg:$0x0]  }
0x2: {  	s15 =	stileid.u32;
	s3 =	rddreg [dreg:$0x2]  }
0x3: {  	s4 =	rddreg [dreg:$0x3];
	s5 =	simm.s32 $0x0;
	s20 =	simm.s32 $0x16E00  }
0x4: {  	s21 =	simm.s32 $0x4;
	s22 =	simm.s32 $0x5;
	s23 =	simm.s32 $0x1  }
0x5: {  	s24 =	simm.s32 $0x2;
	s28 =	simm.s32 $0x5000;
	s29 =	simm.s32 $0x7000  }
0x6: {  	s31 =	simm.s32 $0x9000;
	s30 =	simm.s32 $0x8;
	s7 =	smul.u32 $0x9E00, s15  }
0x7: {  	s0 =	sand.u32 $0x1, s0;
	[smem:$0x7FF] =	sst s5;
	s9 =	smul.u32 $0x2780, s15  }
0x8: {  	s6 =	sadd.s32 $0x15800, s1;
	s18 =	sshll.u32 s15, $0x4;
	s8 =	smul.u32 $0x9E000, s0  }
0x9: {  	s2 =	sshll.u32 s0, $0x4;
	_ =	strace $0x80000047;
	s12 =	smul.u32 $0x27800, s0  }
0xa: {  	s0 =	ssub.s32 $0x2, s0;
	s2 =	sor.u32 s15, s2;
	s10 =	sshrl.u32 s7, $0x3  }
0xb: {  	s11 =	sshrl.u32 s9, $0x3;
	s13 =	sshrl.u32 s0, $0x1;
	s2 =	smul.u32 $0x4E2, s2  }
0xc: {  	s10 =	sadd.s32 s10, s1;
	s11 =	sadd.s32 s11, s1;
	s8 =	sadd.s32 s7, s8  }
0xd: {  	s12 =	sadd.s32 s9, s12;
	s0 =	ssub.s32 s0, s13;
	s7 =	sadd.s32 s7, s3  }
0xe: {  	s13 =	sadd.s32 s9, s4;
	s9 =	simm.s32 $0x4F00;
	s8 =	sshrl.u32 s8, $0x3  }
0xf: {  	s12 =	sshrl.u32 s12, $0x3;
	s25 =	sadd.s32 $0x29400, s10;
	s17 =	sadd.s32 $0x3D000, s11  }
0x10: {  	s0 =	smax.u32 s0, $0x1;
	s16 =	sshrl.u32 s7, $0x3;
	s19 =	sshrl.u32 s13, $0x3  }
0x11: {  	s7 =	simm.s32 $0x4E80;
	s10 =	simm.s32 $0x4F80;
	[dreg:$0x5] =	wrdreg s25  }
0x12: {  	s14 =	sadd.s32 s8, s1;
	s8 =	sshll.u32 s15, $0x6;
	[dreg:$0x9] =	wrdreg s17  }
0x13: {  	s2 =	sadd.s32 s2, s1;
	[dreg:$0xc] =	wrdreg s0;
	s26 =	sor.u32 $0x1C01, s8  }
0x14: {  	s1 =	sadd.s32 s12, s1;
	s12 =	sadd.s32 $0xBA00, s2;
	[dreg:$0x6] =	wrdreg s26  }
0x15: {  	s11 =	simm.s32 $0x9;
	s2 =	sadd.s32 $0x1C00, s2;
	[dreg:$0x7] =	wrdreg s12  }
0x16: {  	s13 =	simm.s32 $0x0;
	s25 =	sadd.s32 $0x42000, s14;
	[dreg:$0x8] =	wrdreg s2  }
0x17: {  	s0 =	simm.s32 $0xB000;
	s1 =	sadd.s32 $0x69800, s1;
	[dreg:$0xa] =	wrdreg s25  }
0x18: {  	s17 =	simm.s32 $0x7;
	[dreg:$0xb] =	wrdreg s1;
	s26 =	sor.u32 $0x1C04, s8  }
0x19: {  	v1 =	vlaneseq.u32;
	s25 =	simm.s32 $0x3;
	s1 =	simm.s32 $0x6;
	s2 =	simm.s32 $0x4E00  }
0x1a: {  	v0 =	vor.u32 s18, v1;
	v1 =	vor.u32 $0x2770, v1;
	s12 =	simm.s32 $0xA;
	[dreg:$0xd] =	wrdreg s26;
	s26 =	simm.s32 $0x80  }
.LBB2_1:
0x1b: {  	s14 =	rddreg [dreg:$0x5]  }
0x1c: {  	s15 =	rddreg [dreg:$0x6]  }
0x1d: {  	[spmem:s16], [sflag:s15] =	dma.local [hbm:s14], $0x13C0  }
0x1e: {  	s14 =	rddreg [dreg:$0x7]  }
0x1f: {  	[tilespmem:s5], [sflag:$0x2] =	stream.linear.gather [hbm4b:s14+s5], $0x2710, $0x38;
	[tilespmem:$0x19D80] =	vst v63  }
0x20: {  	s18 =	simm.s32 $0x2800;
	s15 =	rddreg [dreg:$0x8]  }
0x21: {  	[tilespmem:s18], [sflag:$0x3] =	stream.linear.gather [hbm4b:s15+s5], $0x2710, $0x38;
	[tilespmem:$0x19D80] =	vst v63  }
0x22: {  	s15 =	rddreg [dreg:$0x9]  }
0x23: {  	s18 =	rddreg [dreg:$0xd]  }
0x24: {  	[spmem:s19], [sflag:s18] =	dma.local [hbm:s15], $0x4F0  }
0x25: {  	s14 =	rddreg [dreg:$0x1]  }
0x26: {  	[tilespmem:s20], [sflag:$0x5] =	stream.linear.gather [hbm4b:s14+s5], $0x800, $0x38;
	[tilespmem:$0x19D80] =	vst v63  }
0x27: {  	_ =	swait.ge [sflag:s21], $0x4F0  }
0x28: {  	[sflag:s21] =	ssyncset.done $0x0  }
0x29: {  	[sflag:s21] =	ssyncadd.s32 $0xFFFFFB10  }
0x2a: {  	_ =	swait.ge [sflag:s22], $0x800  }
0x2b: {  	[sflag:s22] =	ssyncset.done $0x0  }
0x2c: {  	[sflag:s22] =	ssyncadd.s32 $0xFFFFF800  }
0x2d: {  	_ =	swait.ge [sflag:s23], $0x13C0  }
0x2e: {  	[sflag:s23] =	ssyncset.done $0x0  }
0x2f: {  	[sflag:s23] =	ssyncadd.s32 $0xFFFFEC40  }
0x30: {  	_ =	swait.ge [sflag:s24], $0x2710  }
0x31: {  	[sflag:s24] =	ssyncset.done $0x0  }
0x32: {  	[sflag:s24] =	ssyncadd.s32 $0xFFFFD8F0  }
0x33: {  	_ =	swait.ge [sflag:s25], $0x2710  }
0x34: {  	[sflag:s25] =	ssyncset.done $0x0  }
0x35: {  	[sflag:s25] =	ssyncadd.s32 $0xFFFFD8F0  }
0x36: {  	[tilespmem:$0x2710] =	vst v0  }
0x37: {  	[tilespmem:$0x4F10] =	vst v1  }
0x38: {  	[tilespmem:$0x2720] =	vst v0  }
0x39: {  	[tilespmem:$0x4F20] =	vst v1  }
0x3a: {  	[tilespmem:$0x2730] =	vst v0  }
0x3b: {  	[tilespmem:$0x4F30] =	vst v1  }
0x3c: {  	[tilespmem:$0x2740] =	vst v0  }
0x3d: {  	[tilespmem:$0x4F40] =	vst v1  }
0x3e: {  	[tilespmem:$0x2750] =	vst v0  }
0x3f: {  	[tilespmem:$0x4F50] =	vst v1  }
0x40: {  	[tilespmem:$0x2760] =	vst v0  }
0x41: {  	[tilespmem:$0x4F60] =	vst v1  }
0x42: {  	[tilespmem:$0x2770] =	vst v0  }
0x43: {  	[tilespmem:$0x4F70] =	vst v1  }
0x44: {  	[tilespmem:$0x2780] =	vst v0  }
0x45: {  	[tilespmem:$0x4F80] =	vst v1  }
0x46: {  	[tilespmem:$0x2790] =	vst v0  }
0x47: {  	[tilespmem:$0x4F90] =	vst v1  }
0x48: {  	[tilespmem:$0x27A0] =	vst v0  }
0x49: {  	[tilespmem:$0x4FA0] =	vst v1  }
0x4a: {  	[tilespmem:$0x27B0] =	vst v0  }
0x4b: {  	[tilespmem:$0x4FB0] =	vst v1  }
0x4c: {  	[tilespmem:$0x27C0] =	vst v0  }
0x4d: {  	[tilespmem:$0x4FC0] =	vst v1  }
0x4e: {  	[tilespmem:$0x27D0] =	vst v0  }
0x4f: {  	[tilespmem:$0x4FD0] =	vst v1  }
0x50: {  	[tilespmem:$0x27E0] =	vst v0  }
0x51: {  	[tilespmem:$0x4FE0] =	vst v1  }
0x52: {  	[tilespmem:$0x27F0] =	vst v0  }
0x53: {  	[tilespmem:$0x4FF0] =	vst v1  }
0x54: {  	[bflag:$0x0] =	sbarrier.arrive $0xFFFF  }
0x55: {  	[tilespmem:s28], [sflag:$0x1] =	stream.indirect.gather [hbm4b:s6+s26], $0x40, s5, s26, $0xb8;
	[tilespmem:$0x19D80] =	vst v63  }
0x56: {  	_ = 	snop  }
0x57: {  	[tilespmem:s29], [sflag:$0x2] =	stream.indirect.gather [hbm4b:s6+s26], $0x40, s26, s26, $0xb8;
	[tilespmem:$0x19D80] =	vst v63  }
0x58: {  	s18 =	simm.s32 $0x100  }
0x59: {  	[tilespmem:s31], [sflag:$0x3] =	stream.indirect.gather [hbm4b:s6+s26], $0x40, s18, s26, $0xb8;
	[tilespmem:$0x19D80] =	vst v63  }
0x5a: {  	s15 =	simm.s32 $0x180  }
0x5b: {  	[tilespmem:s0], [sflag:$0x4] =	stream.indirect.gather [hbm4b:s6+s26], $0x40, s15, s26, $0xb8;
	[tilespmem:$0x19D80] =	vst v63  }
0x5c: {  	_ =	swait.ge [sflag:s23], $0x2000  }
0x5d: {  	[sflag:s23] =	ssyncset.done $0x0  }
0x5e: {  	s18 =	simm.s32 $0x2800;
	[sflag:s23] =	ssyncadd.s32 $0xFFFFE000  }
0x5f: {  	[spmem:s3] =	stream.indirect.scatter.add.f32 [tilespmem:s28], [sflag:$0x5], $0x40, s18, s26, $0xb8;
	[tilespmem:$0x19D80] =	vst v63  }
0x60: {  	_ = 	snop  }
0x61: {  	[spmem:s4] =	stream.indirect.scatter.add.f32 [tilespmem:s20], [sflag:$0x9], $0x10, s18, s26, $0xb8;
	[tilespmem:$0x19D80] =	vst v63  }
0x62: {  	_ =	swait.ge [sflag:s24], $0x2000  }
0x63: {  	[sflag:s24] =	ssyncset.done $0x0  }
0x64: {  	s15 =	simm.s32 $0x2880;
	[sflag:s24] =	ssyncadd.s32 $0xFFFFE000  }
0x65: {  	[spmem:s3] =	stream.indirect.scatter.add.f32 [tilespmem:s29], [sflag:$0x6], $0x40, s15, s26, $0xb8;
	[tilespmem:$0x19D80] =	vst v63  }
0x66: {  	_ = 	snop  }
0x67: {  	[spmem:s4] =	stream.indirect.scatter.add.f32 [tilespmem:s20], [sflag:$0x9], $0x10, s15, s26, $0xb8;
	[tilespmem:$0x19D80] =	vst v63  }
0x68: {  	_ =	swait.ge [sflag:s25], $0x2000  }
0x69: {  	[sflag:s25] =	ssyncset.done $0x0  }
0x6a: {  	s18 =	simm.s32 $0x2900;
	[sflag:s25] =	ssyncadd.s32 $0xFFFFE000  }
0x6b: {  	[spmem:s3] =	stream.indirect.scatter.add.f32 [tilespmem:s31], [sflag:$0x7], $0x40, s18, s26, $0xb8;
	[tilespmem:$0x19D80] =	vst v63  }
0x6c: {  	_ = 	snop  }
0x6d: {  	[spmem:s4] =	stream.indirect.scatter.add.f32 [tilespmem:s20], [sflag:$0x9], $0x10, s18, s26, $0xb8;
	[tilespmem:$0x19D80] =	vst v63  }
0x6e: {  	_ =	swait.ge [sflag:s21], $0x2000  }
0x6f: {  	[sflag:s21] =	ssyncset.done $0x0  }
0x70: {  	s15 =	simm.s32 $0x2980;
	[sflag:s21] =	ssyncadd.s32 $0xFFFFE000  }
0x71: {  	[spmem:s3] =	stream.indirect.scatter.add.f32 [tilespmem:s0], [sflag:$0x8], $0x40, s15, s26, $0xb8;
	[tilespmem:$0x19D80] =	vst v63  }
0x72: {  	_ = 	snop  }
0x73: {  	[spmem:s4] =	stream.indirect.scatter.add.f32 [tilespmem:s20], [sflag:$0x9], $0x10, s15, s26, $0xb8;
	[tilespmem:$0x19D80] =	vst v63  }
0x74: {  	_ =	swait.ge [sflag:s22], $0x2000  }
0x75: {  	[sflag:s22] =	ssyncset.done $0x0  }
0x76: {  	s18 =	simm.s32 $0x200;
	[sflag:s22] =	ssyncadd.s32 $0xFFFFE000  }
0x77: {  	[tilespmem:s28], [sflag:$0x1] =	stream.indirect.gather [hbm4b:s6+s26], $0x40, s18, s26, $0xb8;
	[tilespmem:$0x19D80] =	vst v63  }
0x78: {  	_ =	swait.ge [sflag:s1], $0x2000  }
0x79: {  	[sflag:s1] =	ssyncset.done $0x0  }
0x7a: {  	s15 =	simm.s32 $0x280;
	[sflag:s1] =	ssyncadd.s32 $0xFFFFE000  }
0x7b: {  	[tilespmem:s29], [sflag:$0x2] =	stream.indirect.gather [hbm4b:s6+s26], $0x40, s15, s26, $0xb8;
	[tilespmem:$0x19D80] =	vst v63  }
0x7c: {  	_ =	swait.ge [sflag:s17], $0x2000  }
0x7d: {  	[sflag:s17] =	ssyncset.done $0x0  }
0x7e: {  	s18 =	simm.s32 $0x300;
	[sflag:s17] =	ssyncadd.s32 $0xFFFFE000  }
0x7f: {  	[tilespmem:s31], [sflag:$0x3] =	stream.indirect.gather [hbm4b:s6+s26], $0x40, s18, s26, $0xb8;
	[tilespmem:$0x19D80] =	vst v63  }
0x80: {  	_ =	swait.ge [sflag:s30], $0x2000  }
0x81: {  	[sflag:s30] =	ssyncset.done $0x0  }
0x82: {  	s14 =	simm.s32 $0x800;
	s15 =	simm.s32 $0x380;
	[sflag:s30] =	ssyncadd.s32 $0xFFFFE000  }
.LBB2_2:
0x83: {  	[tilespmem:s0], [sflag:$0x4] =	stream.indirect.gather [hbm4b:s6+s26], $0x40, s15, s26, $0xb8;
	[tilespmem:$0x19D80] =	vst v63  }
0x84: {  	s15 =	smov.u32 s14  }
0x85: {  	p0 =	sne.s32 s14, $0x9000;
	s14 =	sadd.s32 $0x800, s14;
	_ =	swait.ge [sflag:s23], $0x2000  }
0x86: {  	s15 =	sshra.s32 s15, $0x2;
	[sflag:s23] =	ssyncset.done $0x0  }
0x87: {  	s18 =	sadd.s32 $0x2800, s15;
	[sflag:s23] =	ssyncadd.s32 $0xFFFFE000  }
0x88: {  	[spmem:s3] =	stream.indirect.scatter.add.f32 [tilespmem:s28], [sflag:$0x5], $0x40, s18, s26, $0xb8;
	[tilespmem:$0x19D80] =	vst v63  }
0x89: {  	_ = 	snop  }
0x8a: {  	[spmem:s4] =	stream.indirect.scatter.add.f32 [tilespmem:s20], [sflag:$0x9], $0x10, s18, s26, $0xb8;
	[tilespmem:$0x19D80] =	vst v63  }
0x8b: {  	_ =	swait.ge [sflag:s24], $0x2000  }
0x8c: {  	[sflag:s24] =	ssyncset.done $0x0  }
0x8d: {  	s18 =	sadd.s32 $0x2880, s15;
	[sflag:s24] =	ssyncadd.s32 $0xFFFFE000  }
0x8e: {  	[spmem:s3] =	stream.indirect.scatter.add.f32 [tilespmem:s29], [sflag:$0x6], $0x40, s18, s26, $0xb8;
	[tilespmem:$0x19D80] =	vst v63  }
0x8f: {  	_ = 	snop  }
0x90: {  	[spmem:s4] =	stream.indirect.scatter.add.f32 [tilespmem:s20], [sflag:$0x9], $0x10, s18, s26, $0xb8;
	[tilespmem:$0x19D80] =	vst v63  }
0x91: {  	_ =	swait.ge [sflag:s25], $0x2000  }
0x92: {  	[sflag:s25] =	ssyncset.done $0x0  }
0x93: {  	s18 =	sadd.s32 $0x2900, s15;
	[sflag:s25] =	ssyncadd.s32 $0xFFFFE000  }
0x94: {  	[spmem:s3] =	stream.indirect.scatter.add.f32 [tilespmem:s31], [sflag:$0x7], $0x40, s18, s26, $0xb8;
	[tilespmem:$0x19D80] =	vst v63  }
0x95: {  	_ = 	snop  }
0x96: {  	[spmem:s4] =	stream.indirect.scatter.add.f32 [tilespmem:s20], [sflag:$0x9], $0x10, s18, s26, $0xb8;
	[tilespmem:$0x19D80] =	vst v63  }
0x97: {  	_ =	swait.ge [sflag:s21], $0x2000  }
0x98: {  	[sflag:s21] =	ssyncset.done $0x0  }
0x99: {  	s18 =	sadd.s32 $0x2980, s15;
	[sflag:s21] =	ssyncadd.s32 $0xFFFFE000  }
0x9a: {  	[spmem:s3] =	stream.indirect.scatter.add.f32 [tilespmem:s0], [sflag:$0x8], $0x40, s18, s26, $0xb8;
	[tilespmem:$0x19D80] =	vst v63  }
0x9b: {  	_ = 	snop  }
0x9c: {  	[spmem:s4] =	stream.indirect.scatter.add.f32 [tilespmem:s20], [sflag:$0x9], $0x10, s18, s26, $0xb8;
	[tilespmem:$0x19D80] =	vst v63  }
0x9d: {  	_ =	swait.ge [sflag:s22], $0x2000  }
0x9e: {  	[sflag:s22] =	ssyncset.done $0x0  }
0x9f: {  	s18 =	sadd.s32 $0x200, s15;
	[sflag:s22] =	ssyncadd.s32 $0xFFFFE000  }
0xa0: {  	[tilespmem:s28], [sflag:$0x1] =	stream.indirect.gather [hbm4b:s6+s26], $0x40, s18, s26, $0xb8;
	[tilespmem:$0x19D80] =	vst v63  }
0xa1: {  	_ =	swait.ge [sflag:s1], $0x2000  }
0xa2: {  	[sflag:s1] =	ssyncset.done $0x0  }
0xa3: {  	s18 =	sadd.s32 $0x280, s15;
	[sflag:s1] =	ssyncadd.s32 $0xFFFFE000  }
0xa4: {  	[tilespmem:s29], [sflag:$0x2] =	stream.indirect.gather [hbm4b:s6+s26], $0x40, s18, s26, $0xb8;
	[tilespmem:$0x19D80] =	vst v63  }
0xa5: {  	_ =	swait.ge [sflag:s17], $0x2000  }
0xa6: {  	[sflag:s17] =	ssyncset.done $0x0  }
.Ltmp0:
0xa7: {  	s18 =	sadd.s32 $0x300, s15;
	[sflag:s17] =	ssyncadd.s32 $0xFFFFE000;
	(pc) =	sbr.rel @p0 .LBB2_2-.Ltmp0, $4  }
0xa8: {  	[tilespmem:s31], [sflag:$0x3] =	stream.indirect.gather [hbm4b:s6+s26], $0x40, s18, s26, $0xb8;
	[tilespmem:$0x19D80] =	vst v63  }
0xa9: {  	_ =	swait.ge [sflag:s30], $0x2000  }
0xaa: {  	[sflag:s30] =	ssyncset.done $0x0  }
0xab: {  	s15 =	sadd.s32 $0x380, s15;
	[sflag:s30] =	ssyncadd.s32 $0xFFFFE000  }
0xac: {  	[tilespmem:s0], [sflag:$0x4] =	stream.indirect.gather [hbm4b:s6+s26], $0x40, s15, s26, $0xb8;
	[tilespmem:$0x19D80] =	vst v63  }
0xad: {  	_ =	swait.ge [sflag:s23], $0x2000  }
0xae: {  	[sflag:s23] =	ssyncset.done $0x0  }
0xaf: {  	[sflag:s23] =	ssyncadd.s32 $0xFFFFE000  }
0xb0: {  	[spmem:s3] =	stream.indirect.scatter.add.f32 [tilespmem:s28], [sflag:$0x5], $0x40, s2, s26, $0xb8;
	[tilespmem:$0x19D80] =	vst v63  }
0xb1: {  	_ = 	snop  }
0xb2: {  	[spmem:s4] =	stream.indirect.scatter.add.f32 [tilespmem:s20], [sflag:$0x9], $0x10, s2, s26, $0xb8;
	[tilespmem:$0x19D80] =	vst v63  }
0xb3: {  	_ =	swait.ge [sflag:s24], $0x2000  }
0xb4: {  	[sflag:s24] =	ssyncset.done $0x0  }
0xb5: {  	[sflag:s24] =	ssyncadd.s32 $0xFFFFE000  }
0xb6: {  	[spmem:s3] =	stream.indirect.scatter.add.f32 [tilespmem:s29], [sflag:$0x6], $0x40, s7, s26, $0xb8;
	[tilespmem:$0x19D80] =	vst v63  }
0xb7: {  	_ = 	snop  }
0xb8: {  	[spmem:s4] =	stream.indirect.scatter.add.f32 [tilespmem:s20], [sflag:$0x9], $0x10, s7, s26, $0xb8;
	[tilespmem:$0x19D80] =	vst v63  }
0xb9: {  	_ =	swait.ge [sflag:s25], $0x2000  }
0xba: {  	[sflag:s25] =	ssyncset.done $0x0  }
0xbb: {  	[sflag:s25] =	ssyncadd.s32 $0xFFFFE000  }
0xbc: {  	[spmem:s3] =	stream.indirect.scatter.add.f32 [tilespmem:s31], [sflag:$0x7], $0x40, s9, s26, $0xb8;
	[tilespmem:$0x19D80] =	vst v63  }
0xbd: {  	_ = 	snop  }
0xbe: {  	[spmem:s4] =	stream.indirect.scatter.add.f32 [tilespmem:s20], [sflag:$0x9], $0x10, s9, s26, $0xb8;
	[tilespmem:$0x19D80] =	vst v63  }
0xbf: {  	_ =	swait.ge [sflag:s21], $0x2000  }
0xc0: {  	[sflag:s21] =	ssyncset.done $0x0  }
0xc1: {  	[sflag:s21] =	ssyncadd.s32 $0xFFFFE000  }
0xc2: {  	[spmem:s3] =	stream.indirect.scatter.add.f32 [tilespmem:s0], [sflag:$0x8], $0x40, s10, s26, $0xb8;
	[tilespmem:$0x19D80] =	vst v63  }
0xc3: {  	_ = 	snop  }
0xc4: {  	[spmem:s4] =	stream.indirect.scatter.add.f32 [tilespmem:s20], [sflag:$0x9], $0x10, s10, s26, $0xb8;
	[tilespmem:$0x19D80] =	vst v63  }
0xc5: {  	_ =	swait.ge [sflag:s22], $0x2000  }
0xc6: {  	[sflag:s22] =	ssyncset.done $0x0  }
0xc7: {  	[sflag:s22] =	ssyncadd.s32 $0xFFFFE000  }
0xc8: {  	_ =	swait.ge [sflag:s1], $0x2000  }
0xc9: {  	[sflag:s1] =	ssyncset.done $0x0  }
0xca: {  	[sflag:s1] =	ssyncadd.s32 $0xFFFFE000  }
0xcb: {  	_ =	swait.ge [sflag:s17], $0x2000  }
0xcc: {  	[sflag:s17] =	ssyncset.done $0x0  }
0xcd: {  	[sflag:s17] =	ssyncadd.s32 $0xFFFFE000  }
0xce: {  	_ =	swait.ge [sflag:s30], $0x2000  }
0xcf: {  	[sflag:s30] =	ssyncset.done $0x0  }
0xd0: {  	[sflag:s30] =	ssyncadd.s32 $0xFFFFE000  }
0xd1: {  	_ =	swait.ge [sflag:s11], $0x800  }
0xd2: {  	s14 =	simm.s32 $0x4F;
	[sflag:s11] =	ssyncset.done $0x0  }
.LBB2_4:
0xd3: {  	p0 =	sne.s32 s14, $0x1;
	s14 =	sadd.s32 $0xFFFFFFFF, s14;
	[sflag:s11] =	ssyncadd.s32 $0xFFFFF800  }
.Ltmp1:
0xd4: {  	(pc) =	sbr.rel @p0 .LBB2_4-.Ltmp1, $3  }
0xd5: {  	_ =	sdelay $0x1  }
0xd6: {  	_ =	swait.ge [sflag:s11], $0x800  }
0xd7: {  	[sflag:s11] =	ssyncset.done $0x0  }
0xd8: {  	[sflag:s11] =	ssyncadd.s32 $0xFFFFF800  }
0xd9: {  	[bflag:$0x0] =	sbarrier.arrive $0xFFFF  }
0xda: {  	s14 =	sor.u32 $0x1C0A, s8;
	s15 =	rddreg [dreg:$0xa]  }
0xdb: {  	[hbm:s15], [sflag:s14] =	dma.local [spmem:s16], $0x13C0  }
0xdc: {  	_ =	swait.ge [sflag:s12], $0x13C0  }
0xdd: {  	[sflag:s12] =	ssyncset.done $0x0  }
0xde: {  	s18 =	rddreg [dreg:$0xb];
	[sflag:s12] =	ssyncadd.s32 $0xFFFFEC40  }
0xdf: {  	[hbm:s18], [sflag:s14] =	dma.local [spmem:s19], $0x4F0  }
0xe0: {  	_ =	swait.ge [sflag:s12], $0x4F0  }
0xe1: {  	s13 =	sadd.s32 $0x1, s13;
	s18 =	rddreg [dreg:$0xc]  }
0xe2: {  	p0 =	sne.s32 s13, s18  }
.Ltmp2:
0xe3: {  	_ = 	snop;
	(pc) =	sbr.rel @p0 .LBB2_1-.Ltmp2, $3  }
0xe4: {  	_ =	sdelay $0x1  }
0xe5: {  	[sflag:s12] =	ssyncset.done $0x0  }
0xe6: {  	[sflag:s12] =	ssyncadd.s32 $0xFFFFFB10  }
0xe7: {  	_ =	sfence.sel $0x180000  }
0xe8: {  	[bflag:$0x0] =	sbarrier.arrive $0xFFFF  }
0xe9: {  	_ =	strace $0x90000047  }
0xea: {  	s0 =	stileid.u32;
	[bflag:$0x2] =	sbarrier.arrive $0xFFFF  }
0xeb: {  	p0 =	sne.s32 s0, $0x0;
	s0 =	rddreg [dreg:$0x4]  }
0xec: {  	s0 =	sadd.s32 @!p0 $0x100000, s0  }
0xed: {  	[sflag:s0] =	ssyncadd.tile.s32 @!p0 $0x1;
	_ =	shalt  }
.Lfunc_end2:
_tile_overlayer_lowered:
.L_overlay_start_2:
0xee: {  	(tag) =	ssettag $0x2  }
0xef: {  	s0 =	rddreg [dreg:$0x0];
	s2 =	stileid.u32  }
0xf0: {  	s1 =	rddreg [dreg:$0x1];
	p0 =	sne.s32 s2, $0x0  }
0xf1: {  	s3 =	rddreg [dreg:$0x2];
	[bflag:$0x3] =	sbarrier.arrive $0xFFFF;
	s2 =	simm.s32 @!p0 $0x1C0A  }
0xf2: {  	[timem:s3], [sflag:s2] =	dma.local @!p0 [hbm:s0], s1  }
0xf3: {  	s0 =	simm.s32 @!p0 $0xA  }
0xf4: {  	_ =	swait.ge @!p0 [sflag:s0], s1  }
0xf5: {  	s1 =	ssub.s32 @!p0 $0x0, s1;
	[sflag:s0] =	ssyncset.done @!p0 $0x0  }
0xf6: {  	[sflag:s0] =	ssyncadd.s32 @!p0 s1  }
0xf7: {  	[bflag:$0x3] =	sbarrier.arrive $0xFFFF  }
0xf8: {  	_ =	shalt  }

// kernel: kernel.15.cloned.1.call-start
scs
__scs_entry_jumppad:
0x0: {  	(pc) =	sbr.rel $0x88, $3  }
0x1: {  	(tag) =	ssettag $0x0;
	lr =	simm.s32 $0x1  }
0x2: {  	[smem:$0x3F96] =	sst lr;
	_ =	strace $0xD0000000  }
0x3: {  	_ = 	snop  }
0x4: {  	_ = 	snop  }
0x5: {  	_ = 	snop  }
0x6: {  	_ = 	snop  }
0x7: {  	_ = 	snop  }
__scs_overlays_trampoline_lowered:
0x8: {  	[smem:$0x3FA5] =	sst s0  }
0x9: {  	[smem:$0x3FA6] =	sst s1  }
0xa: {  	[smem:$0x3FA7] =	sst s2  }
0xb: {  	[smem:$0x3FA8] =	sst s3  }
0xc: {  	[smem:$0x3FA9] =	sst s4  }
0xd: {  	[smem:$0x3FAA] =	sst s5  }
0xe: {  	[smem:$0x3FAB] =	sst s6  }
0xf: {  	[smem:$0x3FAC] =	sst s7  }
0x10: {  	[smem:$0x3FAD] =	sst s8  }
0x11: {  	[smem:$0x3FAE] =	sst s9;
	s0 =	simm.s32 @!p0 $0x0  }
0x12: {  	s1 =	sld [smem:$0x3F94];
	s0 =	simm.s32 @p0 $0x1  }
0x13: {  	[smem:$0x3FAF] =	sst s0;
	s0 =	simm.s32 @!p1 $0x0  }
0x14: {  	s2 =	sld [smem:$0x3F93];
	s0 =	simm.s32 @p1 $0x1  }
0x15: {  	[smem:$0x3FB0] =	sst s0;
	s0 =	simm.s32 @!p2 $0x0  }
0x16: {  	s3 =	sld [smem:$0x3FDB];
	s0 =	simm.s32 @p2 $0x1  }
0x17: {  	s4 =	simm.s32 $0x1BF5;
	[smem:$0x3FB2] =	sst s0  }
0x18: {  	s0 =	sld [smem:$0x3F95];
	_ =	swait.ge [sflag:s4], $0x0  }
0x19: {  	s7 =	sld [smem:$0x3F96]  }
0x1a: {  	s8 =	sadd.s32 $0xFFFFE003, lr  }
0x1b: {  	s9 =	sadd.s32 $0xFFFFFEF7, lr;
	s5 =	simm.s32 $0xFFFFFFFF;
	p2 =	slt.u32 s8, $0xFFFFF086  }
0x1c: {  	p1 =	slt.u32 s9, $0xF7A;
	s5 =	simm.s32 @!p2 $0x0  }
0x1d: {  	s5 =	simm.s32 @p1 $0x1;
	p0 =	seq.s32 s7, s2  }
0x1e: {  	s7 =	smul.u32 @!p0 $0xF7A, s2;
	p2 =	seq.s32 @!p0 s5, $0x0  }
0x1f: {  	s9 =	smul.u32 $0xF7A, s1;
	s8 =	simm.s32 @!p0 $0x1BF5;
	p2 =	por !p2, p0  }
0x20: {  	[sflag:s8] =	ssyncset.s32 @!p0 $0xFFFFF086;
	s6 =	sadd.s32 @!p0 s3, s7;
	s7 =	simm.s32 @!p0 $0x108  }
0x21: {  	s3 =	sadd.s32 s3, s9;
	s6 =	sadd.s32 @!p0 $0x88, s6;
	s7 =	simm.s32 @p2 $0x1082  }
0x22: {  	[simem:s7], [sflag:s8] =	dma.local @!p0 [hbm:s6], $0xF7A  }
0x23: {  	s9 =	sor.u32 $0xD0000000, s2;
	s6 =	simm.s32 $0x108;
	_ =	swait.ge @!p0 [sflag:s8], $0x0  }
0x24: {  	s3 =	sadd.s32 $0x88, s3;
	s6 =	simm.s32 @!p1 $0x1082;
	[sflag:s4] =	ssyncset.s32 $0xFFFFF086  }
0x25: {  	[simem:s6], [sflag:s4] =	dma.local [hbm:s3], $0xF7A  }
0x26: {  	[smem:$0x3F96] =	sst s1;
	(tag) =	ssettag s2;
	_ =	strace s9  }
0x27: {  	s1 =	sld [smem:$0x3FA6]  }
0x28: {  	s2 =	sld [smem:$0x3FA7]  }
0x29: {  	s4 =	sld [smem:$0x3FA9]  }
0x2a: {  	p0 =	seq.s32 s5, $0x0;
	s5 =	sld [smem:$0x3FAA]  }
0x2b: {  	s6 =	sld [smem:$0x3FAB]  }
0x2c: {  	s7 =	sld [smem:$0x3FAC]  }
0x2d: {  	s3 =	simm.s32 $0x108;
	s8 =	sld [smem:$0x3FAD]  }
0x2e: {  	s3 =	simm.s32 @!p0 $0x1082;
	s9 =	sld [smem:$0x3FAE]  }
0x2f: {  	lr =	sadd.s32 s0, s3;
	s0 =	sld [smem:$0x3FA5]  }
0x30: {  	s3 =	sld [smem:$0x3FA8]  }
0x31: {  	[smem:$0x3FB1] =	sst s10  }
0x32: {  	s10 =	sld [smem:$0x3FAF];
	_ =	sdelay $0x3  }
0x33: {  	p0 =	seq.s32 s10, $0x1;
	s10 =	sld [smem:$0x3FB1];
	_ =	sdelay $0x3  }
0x34: {  	[smem:$0x3FB1] =	sst s10  }
0x35: {  	s10 =	sld [smem:$0x3FB0];
	_ =	sdelay $0x3  }
0x36: {  	p1 =	seq.s32 s10, $0x1;
	s10 =	sld [smem:$0x3FB1];
	_ =	sdelay $0x3  }
0x37: {  	[smem:$0x3FB1] =	sst s10  }
0x38: {  	s10 =	sld [smem:$0x3FB2]  }
0x39: {  	_ = 	snop;
	(pc) =	sbr.ind lr, $3  }
0x3a: {  	_ = 	snop  }
0x3b: {  	_ = 	snop  }
0x3c: {  	p2 =	seq.s32 s10, $0x1;
	s10 =	sld [smem:$0x3FB1]  }
0x3d: {  	_ =	shalt  }
0x3e: {  	_ =	shalt  }
0x3f: {  	_ =	shalt  }
0x40: {  	_ =	shalt  }
0x41: {  	_ =	shalt  }
0x42: {  	_ =	shalt  }
0x43: {  	_ =	shalt  }
0x44: {  	_ =	shalt  }
0x45: {  	_ =	shalt  }
0x46: {  	_ =	shalt  }
0x47: {  	_ =	shalt  }
0x48: {  	_ =	shalt  }
0x49: {  	_ =	shalt  }
0x4a: {  	_ =	shalt  }
0x4b: {  	_ =	shalt  }
0x4c: {  	_ =	shalt  }
0x4d: {  	_ =	shalt  }
0x4e: {  	_ =	shalt  }
0x4f: {  	_ =	shalt  }
0x50: {  	_ =	shalt  }
0x51: {  	_ =	shalt  }
0x52: {  	_ =	shalt  }
0x53: {  	_ =	shalt  }
0x54: {  	_ =	shalt  }
0x55: {  	_ =	shalt  }
0x56: {  	_ =	shalt  }
0x57: {  	_ =	shalt  }
0x58: {  	_ =	shalt  }
0x59: {  	_ =	shalt  }
0x5a: {  	_ =	shalt  }
0x5b: {  	_ =	shalt  }
0x5c: {  	_ =	shalt  }
0x5d: {  	_ =	shalt  }
0x5e: {  	_ =	shalt  }
0x5f: {  	_ =	shalt  }
0x60: {  	_ =	shalt  }
0x61: {  	_ =	shalt  }
0x62: {  	_ =	shalt  }
0x63: {  	_ =	shalt  }
0x64: {  	_ =	shalt  }
0x65: {  	_ =	shalt  }
0x66: {  	_ =	shalt  }
0x67: {  	_ =	shalt  }
0x68: {  	_ =	shalt  }
0x69: {  	_ =	shalt  }
0x6a: {  	_ =	shalt  }
0x6b: {  	_ =	shalt  }
0x6c: {  	_ =	shalt  }
0x6d: {  	_ =	shalt  }
0x6e: {  	_ =	shalt  }
0x6f: {  	_ =	shalt  }
0x70: {  	_ =	shalt  }
0x71: {  	_ =	shalt  }
0x72: {  	_ =	shalt  }
0x73: {  	_ =	shalt  }
0x74: {  	_ =	shalt  }
0x75: {  	_ =	shalt  }
0x76: {  	_ =	shalt  }
0x77: {  	_ =	shalt  }
0x78: {  	_ =	shalt  }
0x79: {  	_ =	shalt  }
0x7a: {  	_ =	shalt  }
0x7b: {  	_ =	shalt  }
0x7c: {  	_ =	shalt  }
0x7d: {  	_ =	shalt  }
0x7e: {  	_ =	shalt  }
0x7f: {  	_ =	shalt  }
0x80: {  	_ =	shalt  }
0x81: {  	_ =	shalt  }
0x82: {  	_ =	shalt  }
0x83: {  	_ =	shalt  }
0x84: {  	_ =	shalt  }
0x85: {  	_ =	shalt  }
0x86: {  	_ =	shalt  }
0x87: {  	_ =	shalt  }
.Lfunc_end0:
.L_simem_size_0:
called_computation.1_lowered:
.L_overlay_start_0:
0x88: {  	s2 =	sld [smem:$0x3FD9]  }
0x89: {  	s3 =	sld [smem:$0x3FFE];
	_ =	sdelay $0x1  }
0x8a: {  	s1 =	srdreg.scid  }
0x8b: {  	s0 =	sand.u32 $0x1, s1  }
0x8c: {  	s16 =	sshll.u32 s0, $0xA;
	s2 =	sadd.s32 s3, s2  }
0x8d: {  	s2 =	sadd.s32 s2, s16  }
0x8e: {  	[smem:$0x3FBD] =	sst s2  }
0x8f: {  	_ = 	snop  }
0x90: {  	(tm) =	ssettm $0x1  }
0x91: {  	s17 =	sld [smem:$0x3FFB];
	_ =	sdelay $0x3  }
0x92: {  	_ =	strace s17  }
0x93: {  	s2 =	sld [smem:$0x3FFC];
	_ =	sdelay $0x3  }
0x94: {  	_ =	strace s2  }
0x95: {  	s2 =	sld [smem:$0x3FFD];
	_ =	sdelay $0x3  }
0x96: {  	_ =	strace s2  }
0x97: {  	_ =	strace $0x8FFFFFFF  }
0x98: {  	s18 =	sld [smem:$0x3FDB];
	_ =	sdelay $0x1  }
0x99: {  	s19 =	simm.s32 $_scs_section_size  }
0x9a: {  	s4 =	simm.s32 $_size__tile_overlayer_lowered;
	s5 =	simm.s32 $_tile_overlayer_lowered  }
0x9b: {  	s22 =	simm.s32 $0x1BFF;
	s21 =	sshll.u32 s5, $0x1;
	s2 =	sadd.s32 s19, s18  }
0x9c: {  	s6 =	simm.s32 $0x0;
	s20 =	sshll.u32 s4, $0x1;
	s4 =	sadd.s32 s21, s2  }
0x9d: {  	[timem:s6], [sflag:s22] =	dma.local [hbm:s4], s20  }
0x9e: {  	_ =	swait.ge [sflag:s22], s20  }
0x9f: {  	s3 =	ssub.s32 $0x0, s20;
	[sflag:s22] =	ssyncset.done $0x0  }
0xa0: {  	[sflag:s22] =	ssyncadd.s32 s3;
	_ =	sdelay $0x1  }
0xa1: {  	s23 =	simm.s32 $0x1B8B  }
0xa2: {  	_ =	swait.ge [sflag:s23], $0x1  }
0xa3: {  	[sflag:s23] =	ssyncset.done $0x0  }
0xa4: {  	s25 =	simm.s32 $0x1B8E;
	s24 =	sld [smem:$0x3FFE];
	[sflag:s23] =	ssyncadd.s32 $0xFFFFFFFF  }
0xa5: {  	s26 =	simm.s32 $execute0_lowered;
	[smem:$0x3FD2] =	sst s25  }
0xa6: {  	s4 =	sshll.u32 s26, $0x1;
	_ =	strace $0x80000049;
	[dreg:$0x1] =	wrdreg $0xFFFFFFFF  }
0xa7: {  	s28 =	simm.s32 $_size_execute0_lowered;
	s2 =	sadd.s32 s2, s4;
	[dreg:$0x0] =	wrdreg $0x0  }
0xa8: {  	s4 =	sshll.u32 s28, $0x1;
	[dreg:$0x2] =	wrdreg s2  }
0xa9: {  	[dreg:$0x3] =	wrdreg s4  }
0xaa: {  	[dreg:$0x4] =	wrdreg $0xC0  }
0xab: {  	_ =	task [dreg:s6], $0x5FFFF  }
0xac: {  	[dreg:$0x1] =	wrdreg $0xFFFFFFFF  }
0xad: {  	[dreg:$0x0] =	wrdreg $0x60  }
0xae: {  	[dreg:$0x2] =	wrdreg s24  }
0xaf: {  	[dreg:$0x3] =	wrdreg $0xD0000  }
0xb0: {  	[dreg:$0x4] =	wrdreg $0x9  }
0xb1: {  	_ =	task.clear_ibuf [dreg:s6], $0x5FFFF;
	_ =	strace $0x90000049  }
0xb2: {  	s29 =	simm.s32 $0x9;
	_ =	strace $0x8000004B  }
0xb3: {  	_ =	swait.ge [sflag:s29], $0x1  }
0xb4: {  	[sflag:s29] =	ssyncadd.s32 $0xFFFFFFFF  }
0xb5: {  	_ =	strace $0x9000004B  }
0xb6: {  	_ =	sfence  }
0xb7: {  	s30 =	sld [smem:$0x0];
	_ =	sdelay $0x2  }
0xb8: {  	s31 =	sshll.u32 s1, $0xD;
	s1 =	sshrl.u32 s1, $0x2  }
0xb9: {  	s3 =	sand.u32 $0x4000, s31;
	s1 =	sadd.s32 s1, s30  }
0xba: {  	s0 =	sor.u32 s3, s0;
	s1 =	sshll.u32 s1, $0x11  }
0xbb: {  	s0 =	sor.u32 s1, s0  }
0xbc: {  	s0 =	sadd.s32 $0x8F2B, s0  }
0xbd: {  	[sflag:s0] =	ssyncadd.remote.s32 $0x1  }
0xbe: {  	_ =	sfence.sel $0xFFFF  }
0xbf: {  	[dreg:$0x0] =	wrdreg $0xFFFFFFFF;
	(pc) =	sbr.abs _section_cstart, $3  }
0xc0: {  	[dreg:$0x1] =	wrdreg $0xFFFFFFFF  }
0xc1: {  	_ =	task.clear_ibuf [dreg:s6], $0x2FFFF;
	_ =	strace $0x9FFFFFFF  }
0xc2: {  	(tm) =	ssettm $0x7FFFFFFF  }
0xc3: {  	_ =	shalt  }
tec
execute0_lowered:
.L_overlay_start_1:
0x0: {  	(tag) =	ssettag $0x1  }
0x1: {  	s0 =	srdreg.scid;
	s5 =	rddreg [dreg:$0x0]  }
0x2: {  	s11 =	stileid.u32;
	s2 =	rddreg [dreg:$0x1];
	s3 =	simm.s32 $0x0  }
0x3: {  	s14 =	simm.s32 $0x1;
	s15 =	simm.s32 $0x2;
	s16 =	simm.s32 $0x3  }
0x4: {  	s17 =	simm.s32 $0x80;
	s18 =	simm.s32 $0x5000;
	s19 =	simm.s32 $0x7000  }
0x5: {  	s21 =	simm.s32 $0x9000;
	s23 =	simm.s32 $0xB000;
	s24 =	simm.s32 $0x4  }
0x6: {  	s25 =	simm.s32 $0x5;
	s26 =	simm.s32 $0x6;
	s28 =	simm.s32 $0x7  }
0x7: {  	s29 =	simm.s32 $0x8;
	s20 =	simm.s32 $0x0;
	s0 =	sand.u32 $0x1, s0  }
0x8: {  	s6 =	smul.u32 $0x9E00, s11;
	[smem:$0x7FF] =	sst s3;
	s4 =	sadd.s32 $0x15800, s5  }
0x9: {  	v1 =	vlaneseq.u32;
	s13 =	sshll.u32 s11, $0x4;
	s1 =	sshll.u32 s0, $0x4;
	s7 =	smul.u32 $0x9E000, s0  }
0xa: {  	_ =	strace $0x8000004A;
	s0 =	ssub.s32 $0x2, s0;
	v0 =	vor.u32 s13, v1;
	s13 =	simm.s32 $0x9  }
0xb: {  	s1 =	sor.u32 s11, s1;
	s8 =	sshrl.u32 s6, $0x3;
	s31 =	sshrl.u32 s0, $0x1  }
0xc: {  	s12 =	sadd.s32 s6, s2;
	s1 =	smul.u32 $0x4E2, s1;
	s7 =	sadd.s32 s6, s7  }
0xd: {  	s8 =	sadd.s32 s8, s5;
	s0 =	ssub.s32 s0, s31;
	s12 =	sshrl.u32 s12, $0x3  }
0xe: {  	s7 =	sshrl.u32 s7, $0x3;
	s6 =	sadd.s32 $0x29400, s8;
	s1 =	sadd.s32 s1, s5  }
0xf: {  	s10 =	sadd.s32 s7, s5;
	s5 =	sshll.u32 s11, $0x6;
	s11 =	smax.u32 s0, $0x1  }
0x10: {  	s0 =	simm.s32 $0x4F80;
	s7 =	sor.u32 $0x1C01, s5;
	s8 =	sadd.s32 $0xBA00, s1  }
0x11: {  	v1 =	vor.u32 $0x2770, v1;
	s9 =	sadd.s32 $0x1C00, s1;
	s10 =	sadd.s32 $0x42000, s10;
	s1 =	simm.s32 $0x4F00  }
.LBB2_1:
0x12: {  	[spmem:s12], [sflag:s7] =	dma.local [hbm:s6], $0x13C0  }
0x13: {  	[tilespmem:s3], [sflag:$0x2] =	stream.linear.gather [hbm4b:s8+s3], $0x2710, $0x38;
	[tilespmem:$0x16E00] =	vst v63  }
0x14: {  	s22 =	simm.s32 $0x2800  }
0x15: {  	[tilespmem:s22], [sflag:$0x3] =	stream.linear.gather [hbm4b:s9+s3], $0x2710, $0x38;
	[tilespmem:$0x16E00] =	vst v63  }
0x16: {  	_ =	swait.ge [sflag:s14], $0x13C0  }
0x17: {  	[sflag:s14] =	ssyncset.done $0x0  }
0x18: {  	[sflag:s14] =	ssyncadd.s32 $0xFFFFEC40  }
0x19: {  	_ =	swait.ge [sflag:s15], $0x2710  }
0x1a: {  	[sflag:s15] =	ssyncset.done $0x0  }
0x1b: {  	[sflag:s15] =	ssyncadd.s32 $0xFFFFD8F0  }
0x1c: {  	_ =	swait.ge [sflag:s16], $0x2710  }
0x1d: {  	[sflag:s16] =	ssyncset.done $0x0  }
0x1e: {  	[sflag:s16] =	ssyncadd.s32 $0xFFFFD8F0  }
0x1f: {  	[tilespmem:$0x2710] =	vst v0  }
0x20: {  	[tilespmem:$0x4F10] =	vst v1  }
0x21: {  	[tilespmem:$0x2720] =	vst v0  }
0x22: {  	[tilespmem:$0x4F20] =	vst v1  }
0x23: {  	[tilespmem:$0x2730] =	vst v0  }
0x24: {  	[tilespmem:$0x4F30] =	vst v1  }
0x25: {  	[tilespmem:$0x2740] =	vst v0  }
0x26: {  	[tilespmem:$0x4F40] =	vst v1  }
0x27: {  	[tilespmem:$0x2750] =	vst v0  }
0x28: {  	[tilespmem:$0x4F50] =	vst v1  }
0x29: {  	[tilespmem:$0x2760] =	vst v0  }
0x2a: {  	[tilespmem:$0x4F60] =	vst v1  }
0x2b: {  	[tilespmem:$0x2770] =	vst v0  }
0x2c: {  	[tilespmem:$0x4F70] =	vst v1  }
0x2d: {  	[tilespmem:$0x2780] =	vst v0  }
0x2e: {  	[tilespmem:$0x4F80] =	vst v1  }
0x2f: {  	[tilespmem:$0x2790] =	vst v0  }
0x30: {  	[tilespmem:$0x4F90] =	vst v1  }
0x31: {  	[tilespmem:$0x27A0] =	vst v0  }
0x32: {  	[tilespmem:$0x4FA0] =	vst v1  }
0x33: {  	[tilespmem:$0x27B0] =	vst v0  }
0x34: {  	[tilespmem:$0x4FB0] =	vst v1  }
0x35: {  	[tilespmem:$0x27C0] =	vst v0  }
0x36: {  	[tilespmem:$0x4FC0] =	vst v1  }
0x37: {  	[tilespmem:$0x27D0] =	vst v0  }
0x38: {  	[tilespmem:$0x4FD0] =	vst v1  }
0x39: {  	[tilespmem:$0x27E0] =	vst v0  }
0x3a: {  	[tilespmem:$0x4FE0] =	vst v1  }
0x3b: {  	[tilespmem:$0x27F0] =	vst v0  }
0x3c: {  	[tilespmem:$0x4FF0] =	vst v1  }
0x3d: {  	[bflag:$0x0] =	sbarrier.arrive $0xFFFF  }
0x3e: {  	[tilespmem:s18], [sflag:$0x1] =	stream.indirect.gather [hbm4b:s4+s17], $0x40, s3, s17, $0xb8;
	[tilespmem:$0x16E00] =	vst v63  }
0x3f: {  	_ = 	snop  }
0x40: {  	[tilespmem:s19], [sflag:$0x2] =	stream.indirect.gather [hbm4b:s4+s17], $0x40, s17, s17, $0xb8;
	[tilespmem:$0x16E00] =	vst v63  }
0x41: {  	s31 =	simm.s32 $0x100  }
0x42: {  	[tilespmem:s21], [sflag:$0x3] =	stream.indirect.gather [hbm4b:s4+s17], $0x40, s31, s17, $0xb8;
	[tilespmem:$0x16E00] =	vst v63  }
0x43: {  	s31 =	simm.s32 $0x180  }
0x44: {  	[tilespmem:s23], [sflag:$0x4] =	stream.indirect.gather [hbm4b:s4+s17], $0x40, s31, s17, $0xb8;
	[tilespmem:$0x16E00] =	vst v63  }
0x45: {  	_ =	swait.ge [sflag:s14], $0x2000  }
0x46: {  	[sflag:s14] =	ssyncset.done $0x0  }
0x47: {  	s31 =	simm.s32 $0x2800;
	[sflag:s14] =	ssyncadd.s32 $0xFFFFE000  }
0x48: {  	[spmem:s2] =	stream.indirect.scatter.add.f32 [tilespmem:s18], [sflag:$0x5], $0x40, s31, s17, $0xb8;
	[tilespmem:$0x16E00] =	vst v63  }
0x49: {  	_ =	swait.ge [sflag:s15], $0x2000  }
0x4a: {  	[sflag:s15] =	ssyncset.done $0x0  }
0x4b: {  	s31 =	simm.s32 $0x2880;
	[sflag:s15] =	ssyncadd.s32 $0xFFFFE000  }
0x4c: {  	[spmem:s2] =	stream.indirect.scatter.add.f32 [tilespmem:s19], [sflag:$0x6], $0x40, s31, s17, $0xb8;
	[tilespmem:$0x16E00] =	vst v63  }
0x4d: {  	_ =	swait.ge [sflag:s16], $0x2000  }
0x4e: {  	[sflag:s16] =	ssyncset.done $0x0  }
0x4f: {  	s31 =	simm.s32 $0x2900;
	[sflag:s16] =	ssyncadd.s32 $0xFFFFE000  }
0x50: {  	[spmem:s2] =	stream.indirect.scatter.add.f32 [tilespmem:s21], [sflag:$0x7], $0x40, s31, s17, $0xb8;
	[tilespmem:$0x16E00] =	vst v63  }
0x51: {  	_ =	swait.ge [sflag:s24], $0x2000  }
0x52: {  	[sflag:s24] =	ssyncset.done $0x0  }
0x53: {  	s31 =	simm.s32 $0x2980;
	[sflag:s24] =	ssyncadd.s32 $0xFFFFE000  }
0x54: {  	[spmem:s2] =	stream.indirect.scatter.add.f32 [tilespmem:s23], [sflag:$0x8], $0x40, s31, s17, $0xb8;
	[tilespmem:$0x16E00] =	vst v63  }
0x55: {  	_ =	swait.ge [sflag:s25], $0x2000  }
0x56: {  	[sflag:s25] =	ssyncset.done $0x0  }
0x57: {  	s31 =	simm.s32 $0x200;
	[sflag:s25] =	ssyncadd.s32 $0xFFFFE000  }
0x58: {  	[tilespmem:s18], [sflag:$0x1] =	stream.indirect.gather [hbm4b:s4+s17], $0x40, s31, s17, $0xb8;
	[tilespmem:$0x16E00] =	vst v63  }
0x59: {  	_ =	swait.ge [sflag:s26], $0x2000  }
0x5a: {  	[sflag:s26] =	ssyncset.done $0x0  }
0x5b: {  	s31 =	simm.s32 $0x280;
	[sflag:s26] =	ssyncadd.s32 $0xFFFFE000  }
0x5c: {  	[tilespmem:s19], [sflag:$0x2] =	stream.indirect.gather [hbm4b:s4+s17], $0x40, s31, s17, $0xb8;
	[tilespmem:$0x16E00] =	vst v63  }
0x5d: {  	_ =	swait.ge [sflag:s28], $0x2000  }
0x5e: {  	[sflag:s28] =	ssyncset.done $0x0  }
0x5f: {  	s31 =	simm.s32 $0x300;
	[sflag:s28] =	ssyncadd.s32 $0xFFFFE000  }
0x60: {  	[tilespmem:s21], [sflag:$0x3] =	stream.indirect.gather [hbm4b:s4+s17], $0x40, s31, s17, $0xb8;
	[tilespmem:$0x16E00] =	vst v63  }
0x61: {  	_ =	swait.ge [sflag:s29], $0x2000  }
0x62: {  	[sflag:s29] =	ssyncset.done $0x0  }
0x63: {  	s30 =	simm.s32 $0x380;
	s22 =	simm.s32 $0x800;
	[sflag:s29] =	ssyncadd.s32 $0xFFFFE000  }
.LBB2_2:
0x64: {  	[tilespmem:s23], [sflag:$0x4] =	stream.indirect.gather [hbm4b:s4+s17], $0x40, s30, s17, $0xb8;
	[tilespmem:$0x16E00] =	vst v63  }
0x65: {  	s30 =	smov.u32 s22  }
0x66: {  	p0 =	sne.s32 s22, $0x9000;
	s22 =	sadd.s32 $0x800, s22;
	_ =	swait.ge [sflag:s14], $0x2000  }
0x67: {  	s30 =	sshra.s32 s30, $0x2;
	[sflag:s14] =	ssyncset.done $0x0  }
0x68: {  	s31 =	sadd.s32 $0x2800, s30;
	[sflag:s14] =	ssyncadd.s32 $0xFFFFE000  }
0x69: {  	[spmem:s2] =	stream.indirect.scatter.add.f32 [tilespmem:s18], [sflag:$0x5], $0x40, s31, s17, $0xb8;
	[tilespmem:$0x16E00] =	vst v63  }
0x6a: {  	_ =	swait.ge [sflag:s15], $0x2000  }
0x6b: {  	[sflag:s15] =	ssyncset.done $0x0  }
0x6c: {  	s31 =	sadd.s32 $0x2880, s30;
	[sflag:s15] =	ssyncadd.s32 $0xFFFFE000  }
0x6d: {  	[spmem:s2] =	stream.indirect.scatter.add.f32 [tilespmem:s19], [sflag:$0x6], $0x40, s31, s17, $0xb8;
	[tilespmem:$0x16E00] =	vst v63  }
0x6e: {  	_ =	swait.ge [sflag:s16], $0x2000  }
0x6f: {  	[sflag:s16] =	ssyncset.done $0x0  }
0x70: {  	s31 =	sadd.s32 $0x2900, s30;
	[sflag:s16] =	ssyncadd.s32 $0xFFFFE000  }
0x71: {  	[spmem:s2] =	stream.indirect.scatter.add.f32 [tilespmem:s21], [sflag:$0x7], $0x40, s31, s17, $0xb8;
	[tilespmem:$0x16E00] =	vst v63  }
0x72: {  	_ =	swait.ge [sflag:s24], $0x2000  }
0x73: {  	[sflag:s24] =	ssyncset.done $0x0  }
0x74: {  	s31 =	sadd.s32 $0x2980, s30;
	[sflag:s24] =	ssyncadd.s32 $0xFFFFE000  }
0x75: {  	[spmem:s2] =	stream.indirect.scatter.add.f32 [tilespmem:s23], [sflag:$0x8], $0x40, s31, s17, $0xb8;
	[tilespmem:$0x16E00] =	vst v63  }
0x76: {  	_ =	swait.ge [sflag:s25], $0x2000  }
0x77: {  	[sflag:s25] =	ssyncset.done $0x0  }
0x78: {  	s31 =	sadd.s32 $0x200, s30;
	[sflag:s25] =	ssyncadd.s32 $0xFFFFE000  }
0x79: {  	[tilespmem:s18], [sflag:$0x1] =	stream.indirect.gather [hbm4b:s4+s17], $0x40, s31, s17, $0xb8;
	[tilespmem:$0x16E00] =	vst v63  }
0x7a: {  	_ =	swait.ge [sflag:s26], $0x2000  }
0x7b: {  	[sflag:s26] =	ssyncset.done $0x0  }
0x7c: {  	s31 =	sadd.s32 $0x280, s30;
	[sflag:s26] =	ssyncadd.s32 $0xFFFFE000  }
0x7d: {  	[tilespmem:s19], [sflag:$0x2] =	stream.indirect.gather [hbm4b:s4+s17], $0x40, s31, s17, $0xb8;
	[tilespmem:$0x16E00] =	vst v63  }
0x7e: {  	_ =	swait.ge [sflag:s28], $0x2000  }
0x7f: {  	[sflag:s28] =	ssyncset.done $0x0  }
.Ltmp0:
0x80: {  	s31 =	sadd.s32 $0x300, s30;
	[sflag:s28] =	ssyncadd.s32 $0xFFFFE000;
	(pc) =	sbr.rel @p0 .LBB2_2-.Ltmp0, $4  }
0x81: {  	[tilespmem:s21], [sflag:$0x3] =	stream.indirect.gather [hbm4b:s4+s17], $0x40, s31, s17, $0xb8;
	[tilespmem:$0x16E00] =	vst v63  }
0x82: {  	_ =	swait.ge [sflag:s29], $0x2000  }
0x83: {  	[sflag:s29] =	ssyncset.done $0x0  }
0x84: {  	s30 =	sadd.s32 $0x380, s30;
	[sflag:s29] =	ssyncadd.s32 $0xFFFFE000  }
0x85: {  	[tilespmem:s23], [sflag:$0x4] =	stream.indirect.gather [hbm4b:s4+s17], $0x40, s30, s17, $0xb8;
	[tilespmem:$0x16E00] =	vst v63  }
0x86: {  	_ =	swait.ge [sflag:s14], $0x2000  }
0x87: {  	[sflag:s14] =	ssyncset.done $0x0  }
0x88: {  	s22 =	simm.s32 $0x4E00;
	[sflag:s14] =	ssyncadd.s32 $0xFFFFE000  }
0x89: {  	[spmem:s2] =	stream.indirect.scatter.add.f32 [tilespmem:s18], [sflag:$0x5], $0x40, s22, s17, $0xb8;
	[tilespmem:$0x16E00] =	vst v63  }
0x8a: {  	_ =	swait.ge [sflag:s15], $0x2000  }
0x8b: {  	[sflag:s15] =	ssyncset.done $0x0  }
0x8c: {  	s30 =	simm.s32 $0x4E80;
	[sflag:s15] =	ssyncadd.s32 $0xFFFFE000  }
0x8d: {  	[spmem:s2] =	stream.indirect.scatter.add.f32 [tilespmem:s19], [sflag:$0x6], $0x40, s30, s17, $0xb8;
	[tilespmem:$0x16E00] =	vst v63  }
0x8e: {  	_ =	swait.ge [sflag:s16], $0x2000  }
0x8f: {  	[sflag:s16] =	ssyncset.done $0x0  }
0x90: {  	[sflag:s16] =	ssyncadd.s32 $0xFFFFE000  }
0x91: {  	[spmem:s2] =	stream.indirect.scatter.add.f32 [tilespmem:s21], [sflag:$0x7], $0x40, s1, s17, $0xb8;
	[tilespmem:$0x16E00] =	vst v63  }
0x92: {  	_ =	swait.ge [sflag:s24], $0x2000  }
0x93: {  	[sflag:s24] =	ssyncset.done $0x0  }
0x94: {  	[sflag:s24] =	ssyncadd.s32 $0xFFFFE000  }
0x95: {  	[spmem:s2] =	stream.indirect.scatter.add.f32 [tilespmem:s23], [sflag:$0x8], $0x40, s0, s17, $0xb8;
	[tilespmem:$0x16E00] =	vst v63  }
0x96: {  	_ =	swait.ge [sflag:s25], $0x2000  }
0x97: {  	[sflag:s25] =	ssyncset.done $0x0  }
0x98: {  	[sflag:s25] =	ssyncadd.s32 $0xFFFFE000  }
0x99: {  	_ =	swait.ge [sflag:s26], $0x2000  }
0x9a: {  	[sflag:s26] =	ssyncset.done $0x0  }
0x9b: {  	[sflag:s26] =	ssyncadd.s32 $0xFFFFE000  }
0x9c: {  	_ =	swait.ge [sflag:s28], $0x2000  }
0x9d: {  	[sflag:s28] =	ssyncset.done $0x0  }
0x9e: {  	[sflag:s28] =	ssyncadd.s32 $0xFFFFE000  }
0x9f: {  	_ =	swait.ge [sflag:s29], $0x2000  }
0xa0: {  	s20 =	sadd.s32 $0x1, s20;
	[sflag:s29] =	ssyncset.done $0x0  }
0xa1: {  	p0 =	sne.s32 s20, s11;
	[sflag:s29] =	ssyncadd.s32 $0xFFFFE000  }
.Ltmp1:
0xa2: {  	s31 =	sor.u32 $0x1C09, s5;
	[bflag:$0x0] =	sbarrier.arrive $0xFFFF;
	(pc) =	sbr.rel @p0 .LBB2_1-.Ltmp1, $4  }
0xa3: {  	[hbm:s10], [sflag:s31] =	dma.local [spmem:s12], $0x13C0  }
0xa4: {  	_ =	swait.ge [sflag:s13], $0x13C0  }
0xa5: {  	[sflag:s13] =	ssyncset.done $0x0  }
0xa6: {  	[sflag:s13] =	ssyncadd.s32 $0xFFFFEC40  }
0xa7: {  	_ =	sfence.sel $0x180000  }
0xa8: {  	[bflag:$0x0] =	sbarrier.arrive $0xFFFF  }
0xa9: {  	_ =	strace $0x9000004A  }
0xaa: {  	s0 =	stileid.u32;
	[bflag:$0x2] =	sbarrier.arrive $0xFFFF  }
0xab: {  	p0 =	sne.s32 s0, $0x0;
	s0 =	rddreg [dreg:$0x2]  }
0xac: {  	s0 =	sadd.s32 @!p0 $0x100000, s0  }
0xad: {  	[sflag:s0] =	ssyncadd.tile.s32 @!p0 $0x1;
	_ =	shalt  }
.Lfunc_end2:
_tile_overlayer_lowered:
.L_overlay_start_2:
0xae: {  	(tag) =	ssettag $0x2  }
0xaf: {  	s0 =	rddreg [dreg:$0x0];
	s2 =	stileid.u32  }
0xb0: {  	s1 =	rddreg [dreg:$0x1];
	p0 =	sne.s32 s2, $0x0  }
0xb1: {  	s3 =	rddreg [dreg:$0x2];
	[bflag:$0x3] =	sbarrier.arrive $0xFFFF;
	s2 =	simm.s32 @!p0 $0x1C09  }
0xb2: {  	[timem:s3], [sflag:s2] =	dma.local @!p0 [hbm:s0], s1  }
0xb3: {  	s0 =	simm.s32 @!p0 $0x9  }
0xb4: {  	_ =	swait.ge @!p0 [sflag:s0], s1  }
0xb5: {  	s1 =	ssub.s32 @!p0 $0x0, s1;
	[sflag:s0] =	ssyncset.done @!p0 $0x0  }
0xb6: {  	[sflag:s0] =	ssyncadd.s32 @!p0 s1  }
0xb7: {  	[bflag:$0x3] =	sbarrier.arrive $0xFFFF  }
0xb8: {  	_ =	shalt  }

// kernel: kernel.18.cloned.1.call-start
scs
__scs_entry_jumppad:
0x0: {  	(pc) =	sbr.rel $0x88, $3  }
0x1: {  	(tag) =	ssettag $0x0;
	lr =	simm.s32 $0x1  }
0x2: {  	[smem:$0x3F96] =	sst lr;
	_ =	strace $0xD0000000  }
0x3: {  	_ = 	snop  }
0x4: {  	_ = 	snop  }
0x5: {  	_ = 	snop  }
0x6: {  	_ = 	snop  }
0x7: {  	_ = 	snop  }
__scs_overlays_trampoline_lowered:
0x8: {  	[smem:$0x3FA5] =	sst s0  }
0x9: {  	[smem:$0x3FA6] =	sst s1  }
0xa: {  	[smem:$0x3FA7] =	sst s2  }
0xb: {  	[smem:$0x3FA8] =	sst s3  }
0xc: {  	[smem:$0x3FA9] =	sst s4  }
0xd: {  	[smem:$0x3FAA] =	sst s5  }
0xe: {  	[smem:$0x3FAB] =	sst s6  }
0xf: {  	[smem:$0x3FAC] =	sst s7  }
0x10: {  	[smem:$0x3FAD] =	sst s8  }
0x11: {  	[smem:$0x3FAE] =	sst s9;
	s0 =	simm.s32 @!p0 $0x0  }
0x12: {  	s1 =	sld [smem:$0x3F94];
	s0 =	simm.s32 @p0 $0x1  }
0x13: {  	[smem:$0x3FAF] =	sst s0;
	s0 =	simm.s32 @!p1 $0x0  }
0x14: {  	s2 =	sld [smem:$0x3F93];
	s0 =	simm.s32 @p1 $0x1  }
0x15: {  	[smem:$0x3FB0] =	sst s0;
	s0 =	simm.s32 @!p2 $0x0  }
0x16: {  	s3 =	sld [smem:$0x3FDB];
	s0 =	simm.s32 @p2 $0x1  }
0x17: {  	s4 =	simm.s32 $0x1BF5;
	[smem:$0x3FB2] =	sst s0  }
0x18: {  	s0 =	sld [smem:$0x3F95];
	_ =	swait.ge [sflag:s4], $0x0  }
0x19: {  	s7 =	sld [smem:$0x3F96]  }
0x1a: {  	s8 =	sadd.s32 $0xFFFFE003, lr  }
0x1b: {  	s9 =	sadd.s32 $0xFFFFFEF7, lr;
	s5 =	simm.s32 $0xFFFFFFFF;
	p2 =	slt.u32 s8, $0xFFFFF086  }
0x1c: {  	p1 =	slt.u32 s9, $0xF7A;
	s5 =	simm.s32 @!p2 $0x0  }
0x1d: {  	s5 =	simm.s32 @p1 $0x1;
	p0 =	seq.s32 s7, s2  }
0x1e: {  	s7 =	smul.u32 @!p0 $0xF7A, s2;
	p2 =	seq.s32 @!p0 s5, $0x0  }
0x1f: {  	s9 =	smul.u32 $0xF7A, s1;
	s8 =	simm.s32 @!p0 $0x1BF5;
	p2 =	por !p2, p0  }
0x20: {  	[sflag:s8] =	ssyncset.s32 @!p0 $0xFFFFF086;
	s6 =	sadd.s32 @!p0 s3, s7;
	s7 =	simm.s32 @!p0 $0x108  }
0x21: {  	s3 =	sadd.s32 s3, s9;
	s6 =	sadd.s32 @!p0 $0x88, s6;
	s7 =	simm.s32 @p2 $0x1082  }
0x22: {  	[simem:s7], [sflag:s8] =	dma.local @!p0 [hbm:s6], $0xF7A  }
0x23: {  	s9 =	sor.u32 $0xD0000000, s2;
	s6 =	simm.s32 $0x108;
	_ =	swait.ge @!p0 [sflag:s8], $0x0  }
0x24: {  	s3 =	sadd.s32 $0x88, s3;
	s6 =	simm.s32 @!p1 $0x1082;
	[sflag:s4] =	ssyncset.s32 $0xFFFFF086  }
0x25: {  	[simem:s6], [sflag:s4] =	dma.local [hbm:s3], $0xF7A  }
0x26: {  	[smem:$0x3F96] =	sst s1;
	(tag) =	ssettag s2;
	_ =	strace s9  }
0x27: {  	s1 =	sld [smem:$0x3FA6]  }
0x28: {  	s2 =	sld [smem:$0x3FA7]  }
0x29: {  	s4 =	sld [smem:$0x3FA9]  }
0x2a: {  	p0 =	seq.s32 s5, $0x0;
	s5 =	sld [smem:$0x3FAA]  }
0x2b: {  	s6 =	sld [smem:$0x3FAB]  }
0x2c: {  	s7 =	sld [smem:$0x3FAC]  }
0x2d: {  	s3 =	simm.s32 $0x108;
	s8 =	sld [smem:$0x3FAD]  }
0x2e: {  	s3 =	simm.s32 @!p0 $0x1082;
	s9 =	sld [smem:$0x3FAE]  }
0x2f: {  	lr =	sadd.s32 s0, s3;
	s0 =	sld [smem:$0x3FA5]  }
0x30: {  	s3 =	sld [smem:$0x3FA8]  }
0x31: {  	[smem:$0x3FB1] =	sst s10  }
0x32: {  	s10 =	sld [smem:$0x3FAF];
	_ =	sdelay $0x3  }
0x33: {  	p0 =	seq.s32 s10, $0x1;
	s10 =	sld [smem:$0x3FB1];
	_ =	sdelay $0x3  }
0x34: {  	[smem:$0x3FB1] =	sst s10  }
0x35: {  	s10 =	sld [smem:$0x3FB0];
	_ =	sdelay $0x3  }
0x36: {  	p1 =	seq.s32 s10, $0x1;
	s10 =	sld [smem:$0x3FB1];
	_ =	sdelay $0x3  }
0x37: {  	[smem:$0x3FB1] =	sst s10  }
0x38: {  	s10 =	sld [smem:$0x3FB2]  }
0x39: {  	_ = 	snop;
	(pc) =	sbr.ind lr, $3  }
0x3a: {  	_ = 	snop  }
0x3b: {  	_ = 	snop  }
0x3c: {  	p2 =	seq.s32 s10, $0x1;
	s10 =	sld [smem:$0x3FB1]  }
0x3d: {  	_ =	shalt  }
0x3e: {  	_ =	shalt  }
0x3f: {  	_ =	shalt  }
0x40: {  	_ =	shalt  }
0x41: {  	_ =	shalt  }
0x42: {  	_ =	shalt  }
0x43: {  	_ =	shalt  }
0x44: {  	_ =	shalt  }
0x45: {  	_ =	shalt  }
0x46: {  	_ =	shalt  }
0x47: {  	_ =	shalt  }
0x48: {  	_ =	shalt  }
0x49: {  	_ =	shalt  }
0x4a: {  	_ =	shalt  }
0x4b: {  	_ =	shalt  }
0x4c: {  	_ =	shalt  }
0x4d: {  	_ =	shalt  }
0x4e: {  	_ =	shalt  }
0x4f: {  	_ =	shalt  }
0x50: {  	_ =	shalt  }
0x51: {  	_ =	shalt  }
0x52: {  	_ =	shalt  }
0x53: {  	_ =	shalt  }
0x54: {  	_ =	shalt  }
0x55: {  	_ =	shalt  }
0x56: {  	_ =	shalt  }
0x57: {  	_ =	shalt  }
0x58: {  	_ =	shalt  }
0x59: {  	_ =	shalt  }
0x5a: {  	_ =	shalt  }
0x5b: {  	_ =	shalt  }
0x5c: {  	_ =	shalt  }
0x5d: {  	_ =	shalt  }
0x5e: {  	_ =	shalt  }
0x5f: {  	_ =	shalt  }
0x60: {  	_ =	shalt  }
0x61: {  	_ =	shalt  }
0x62: {  	_ =	shalt  }
0x63: {  	_ =	shalt  }
0x64: {  	_ =	shalt  }
0x65: {  	_ =	shalt  }
0x66: {  	_ =	shalt  }
0x67: {  	_ =	shalt  }
0x68: {  	_ =	shalt  }
0x69: {  	_ =	shalt  }
0x6a: {  	_ =	shalt  }
0x6b: {  	_ =	shalt  }
0x6c: {  	_ =	shalt  }
0x6d: {  	_ =	shalt  }
0x6e: {  	_ =	shalt  }
0x6f: {  	_ =	shalt  }
0x70: {  	_ =	shalt  }
0x71: {  	_ =	shalt  }
0x72: {  	_ =	shalt  }
0x73: {  	_ =	shalt  }
0x74: {  	_ =	shalt  }
0x75: {  	_ =	shalt  }
0x76: {  	_ =	shalt  }
0x77: {  	_ =	shalt  }
0x78: {  	_ =	shalt  }
0x79: {  	_ =	shalt  }
0x7a: {  	_ =	shalt  }
0x7b: {  	_ =	shalt  }
0x7c: {  	_ =	shalt  }
0x7d: {  	_ =	shalt  }
0x7e: {  	_ =	shalt  }
0x7f: {  	_ =	shalt  }
0x80: {  	_ =	shalt  }
0x81: {  	_ =	shalt  }
0x82: {  	_ =	shalt  }
0x83: {  	_ =	shalt  }
0x84: {  	_ =	shalt  }
0x85: {  	_ =	shalt  }
0x86: {  	_ =	shalt  }
0x87: {  	_ =	shalt  }
.Lfunc_end0:
.L_simem_size_0:
called_computation.2_lowered:
.L_overlay_start_0:
0x88: {  	s2 =	sld [smem:$0x3FD9]  }
0x89: {  	s3 =	sld [smem:$0x3FFE];
	_ =	sdelay $0x1  }
0x8a: {  	s1 =	srdreg.scid  }
0x8b: {  	s0 =	sand.u32 $0x1, s1  }
0x8c: {  	s16 =	sshll.u32 s0, $0xA;
	s2 =	sadd.s32 s3, s2  }
0x8d: {  	s2 =	sadd.s32 s2, s16  }
0x8e: {  	[smem:$0x3FBD] =	sst s2  }
0x8f: {  	_ = 	snop  }
0x90: {  	(tm) =	ssettm $0x1  }
0x91: {  	s17 =	sld [smem:$0x3FFB];
	_ =	sdelay $0x3  }
0x92: {  	_ =	strace s17  }
0x93: {  	s2 =	sld [smem:$0x3FFC];
	_ =	sdelay $0x3  }
0x94: {  	_ =	strace s2  }
0x95: {  	s2 =	sld [smem:$0x3FFD];
	_ =	sdelay $0x3  }
0x96: {  	_ =	strace s2  }
0x97: {  	_ =	strace $0x8FFFFFFF  }
0x98: {  	s18 =	sld [smem:$0x3FDB];
	_ =	sdelay $0x1  }
0x99: {  	s19 =	simm.s32 $_scs_section_size  }
0x9a: {  	s4 =	simm.s32 $_size__tile_overlayer_lowered;
	s5 =	simm.s32 $_tile_overlayer_lowered  }
0x9b: {  	s22 =	simm.s32 $0x1BFF;
	s21 =	sshll.u32 s5, $0x1;
	s2 =	sadd.s32 s19, s18  }
0x9c: {  	s6 =	simm.s32 $0x0;
	s20 =	sshll.u32 s4, $0x1;
	s4 =	sadd.s32 s21, s2  }
0x9d: {  	[timem:s6], [sflag:s22] =	dma.local [hbm:s4], s20  }
0x9e: {  	_ =	swait.ge [sflag:s22], s20  }
0x9f: {  	s3 =	ssub.s32 $0x0, s20;
	[sflag:s22] =	ssyncset.done $0x0  }
0xa0: {  	[sflag:s22] =	ssyncadd.s32 s3;
	_ =	sdelay $0x1  }
0xa1: {  	s23 =	simm.s32 $0x1B8B  }
0xa2: {  	_ =	swait.ge [sflag:s23], $0x1  }
0xa3: {  	[sflag:s23] =	ssyncset.done $0x0  }
0xa4: {  	s25 =	simm.s32 $0x1B8E;
	s24 =	sld [smem:$0x3FFE];
	[sflag:s23] =	ssyncadd.s32 $0xFFFFFFFF  }
0xa5: {  	s26 =	simm.s32 $execute0_lowered;
	[smem:$0x3FD2] =	sst s25  }
0xa6: {  	s4 =	sshll.u32 s26, $0x1;
	_ =	strace $0x8000004C;
	[dreg:$0x1] =	wrdreg $0xFFFFFFFF  }
0xa7: {  	s28 =	simm.s32 $_size_execute0_lowered;
	s2 =	sadd.s32 s2, s4;
	[dreg:$0x0] =	wrdreg $0x0  }
0xa8: {  	s4 =	sshll.u32 s28, $0x1;
	[dreg:$0x2] =	wrdreg s2  }
0xa9: {  	[dreg:$0x3] =	wrdreg s4  }
0xaa: {  	[dreg:$0x4] =	wrdreg $0xC0  }
0xab: {  	_ =	task [dreg:s6], $0x5FFFF  }
0xac: {  	[dreg:$0x1] =	wrdreg $0xFFFFFFFF  }
0xad: {  	[dreg:$0x0] =	wrdreg $0x60  }
0xae: {  	[dreg:$0x2] =	wrdreg s24  }
0xaf: {  	[dreg:$0x3] =	wrdreg $0x70000  }
0xb0: {  	[dreg:$0x4] =	wrdreg $0x9  }
0xb1: {  	_ =	task.clear_ibuf [dreg:s6], $0x5FFFF;
	_ =	strace $0x9000004C  }
0xb2: {  	s29 =	simm.s32 $0x9;
	_ =	strace $0x8000004E  }
0xb3: {  	_ =	swait.ge [sflag:s29], $0x1  }
0xb4: {  	[sflag:s29] =	ssyncadd.s32 $0xFFFFFFFF  }
0xb5: {  	_ =	strace $0x9000004E  }
0xb6: {  	_ =	sfence  }
0xb7: {  	s30 =	sld [smem:$0x0];
	_ =	sdelay $0x2  }
0xb8: {  	s31 =	sshll.u32 s1, $0xD;
	s1 =	sshrl.u32 s1, $0x2  }
0xb9: {  	s3 =	sand.u32 $0x4000, s31;
	s1 =	sadd.s32 s1, s30  }
0xba: {  	s0 =	sor.u32 s3, s0;
	s1 =	sshll.u32 s1, $0x11  }
0xbb: {  	s0 =	sor.u32 s1, s0  }
0xbc: {  	s0 =	sadd.s32 $0x8F2B, s0  }
0xbd: {  	[sflag:s0] =	ssyncadd.remote.s32 $0x1  }
0xbe: {  	_ =	sfence.sel $0xFFFF  }
0xbf: {  	[dreg:$0x0] =	wrdreg $0xFFFFFFFF;
	(pc) =	sbr.abs _section_cstart, $3  }
0xc0: {  	[dreg:$0x1] =	wrdreg $0xFFFFFFFF  }
0xc1: {  	_ =	task.clear_ibuf [dreg:s6], $0x2FFFF;
	_ =	strace $0x9FFFFFFF  }
0xc2: {  	(tm) =	ssettm $0x7FFFFFFF  }
0xc3: {  	_ =	shalt  }
tec
execute0_lowered:
.L_overlay_start_1:
0x0: {  	(tag) =	ssettag $0x1  }
0x1: {  	s0 =	srdreg.scid;
	s5 =	rddreg [dreg:$0x0]  }
0x2: {  	s11 =	stileid.u32;
	s2 =	rddreg [dreg:$0x1];
	s3 =	simm.s32 $0x0  }
0x3: {  	s14 =	simm.s32 $0x1;
	s15 =	simm.s32 $0x2;
	s16 =	simm.s32 $0x3  }
0x4: {  	s17 =	simm.s32 $0x80;
	s18 =	simm.s32 $0x5000;
	s19 =	simm.s32 $0x5800  }
0x5: {  	s21 =	simm.s32 $0x6000;
	s23 =	simm.s32 $0x6800;
	s24 =	simm.s32 $0x4  }
0x6: {  	s25 =	simm.s32 $0x5;
	s26 =	simm.s32 $0x6;
	s28 =	simm.s32 $0x7  }
0x7: {  	s29 =	simm.s32 $0x8;
	s20 =	simm.s32 $0x0;
	s0 =	sand.u32 $0x1, s0  }
0x8: {  	s6 =	smul.u32 $0x2780, s11;
	[smem:$0x7FF] =	sst s3;
	s4 =	sadd.s32 $0x15800, s5  }
0x9: {  	v1 =	vlaneseq.u32;
	s13 =	sshll.u32 s11, $0x4;
	s1 =	sshll.u32 s0, $0x4;
	s7 =	smul.u32 $0x27800, s0  }
0xa: {  	_ =	strace $0x8000004D;
	s0 =	ssub.s32 $0x2, s0;
	v0 =	vor.u32 s13, v1;
	s13 =	simm.s32 $0x9  }
0xb: {  	s1 =	sor.u32 s11, s1;
	s8 =	sshrl.u32 s6, $0x3;
	s31 =	sshrl.u32 s0, $0x1  }
0xc: {  	s12 =	sadd.s32 s6, s2;
	s1 =	smul.u32 $0x4E2, s1;
	s7 =	sadd.s32 s6, s7  }
0xd: {  	s8 =	sadd.s32 s8, s5;
	s0 =	ssub.s32 s0, s31;
	s12 =	sshrl.u32 s12, $0x3  }
0xe: {  	s7 =	sshrl.u32 s7, $0x3;
	s6 =	sadd.s32 $0x3D000, s8;
	s1 =	sadd.s32 s1, s5  }
0xf: {  	s10 =	sadd.s32 s7, s5;
	s5 =	sshll.u32 s11, $0x6;
	s11 =	smax.u32 s0, $0x1  }
0x10: {  	s0 =	simm.s32 $0x4F80;
	s7 =	sor.u32 $0x1C01, s5;
	s8 =	sadd.s32 $0xBA00, s1  }
0x11: {  	v1 =	vor.u32 $0x2770, v1;
	s9 =	sadd.s32 $0x1C00, s1;
	s10 =	sadd.s32 $0x1A800, s10;
	s1 =	simm.s32 $0x4F00  }
.LBB2_1:
0x12: {  	[spmem:s12], [sflag:s7] =	dma.local [hbm:s6], $0x4F0  }
0x13: {  	[tilespmem:s3], [sflag:$0x2] =	stream.linear.gather [hbm4b:s8+s3], $0x2710, $0x38;
	[tilespmem:$0x9780] =	vst v63  }
0x14: {  	s22 =	simm.s32 $0x2800  }
0x15: {  	[tilespmem:s22], [sflag:$0x3] =	stream.linear.gather [hbm4b:s9+s3], $0x2710, $0x38;
	[tilespmem:$0x9780] =	vst v63  }
0x16: {  	_ =	swait.ge [sflag:s14], $0x4F0  }
0x17: {  	[sflag:s14] =	ssyncset.done $0x0  }
0x18: {  	[sflag:s14] =	ssyncadd.s32 $0xFFFFFB10  }
0x19: {  	_ =	swait.ge [sflag:s15], $0x2710  }
0x1a: {  	[sflag:s15] =	ssyncset.done $0x0  }
0x1b: {  	[sflag:s15] =	ssyncadd.s32 $0xFFFFD8F0  }
0x1c: {  	_ =	swait.ge [sflag:s16], $0x2710  }
0x1d: {  	[sflag:s16] =	ssyncset.done $0x0  }
0x1e: {  	[sflag:s16] =	ssyncadd.s32 $0xFFFFD8F0  }
0x1f: {  	[tilespmem:$0x2710] =	vst v0  }
0x20: {  	[tilespmem:$0x4F10] =	vst v1  }
0x21: {  	[tilespmem:$0x2720] =	vst v0  }
0x22: {  	[tilespmem:$0x4F20] =	vst v1  }
0x23: {  	[tilespmem:$0x2730] =	vst v0  }
0x24: {  	[tilespmem:$0x4F30] =	vst v1  }
0x25: {  	[tilespmem:$0x2740] =	vst v0  }
0x26: {  	[tilespmem:$0x4F40] =	vst v1  }
0x27: {  	[tilespmem:$0x2750] =	vst v0  }
0x28: {  	[tilespmem:$0x4F50] =	vst v1  }
0x29: {  	[tilespmem:$0x2760] =	vst v0  }
0x2a: {  	[tilespmem:$0x4F60] =	vst v1  }
0x2b: {  	[tilespmem:$0x2770] =	vst v0  }
0x2c: {  	[tilespmem:$0x4F70] =	vst v1  }
0x2d: {  	[tilespmem:$0x2780] =	vst v0  }
0x2e: {  	[tilespmem:$0x4F80] =	vst v1  }
0x2f: {  	[tilespmem:$0x2790] =	vst v0  }
0x30: {  	[tilespmem:$0x4F90] =	vst v1  }
0x31: {  	[tilespmem:$0x27A0] =	vst v0  }
0x32: {  	[tilespmem:$0x4FA0] =	vst v1  }
0x33: {  	[tilespmem:$0x27B0] =	vst v0  }
0x34: {  	[tilespmem:$0x4FB0] =	vst v1  }
0x35: {  	[tilespmem:$0x27C0] =	vst v0  }
0x36: {  	[tilespmem:$0x4FC0] =	vst v1  }
0x37: {  	[tilespmem:$0x27D0] =	vst v0  }
0x38: {  	[tilespmem:$0x4FD0] =	vst v1  }
0x39: {  	[tilespmem:$0x27E0] =	vst v0  }
0x3a: {  	[tilespmem:$0x4FE0] =	vst v1  }
0x3b: {  	[tilespmem:$0x27F0] =	vst v0  }
0x3c: {  	[tilespmem:$0x4FF0] =	vst v1  }
0x3d: {  	[bflag:$0x0] =	sbarrier.arrive $0xFFFF  }
0x3e: {  	[tilespmem:s18], [sflag:$0x1] =	stream.indirect.gather [hbm4b:s4+s17], $0x10, s3, s17, $0xb8;
	[tilespmem:$0x9780] =	vst v63  }
0x3f: {  	_ = 	snop  }
0x40: {  	[tilespmem:s19], [sflag:$0x2] =	stream.indirect.gather [hbm4b:s4+s17], $0x10, s17, s17, $0xb8;
	[tilespmem:$0x9780] =	vst v63  }
0x41: {  	s31 =	simm.s32 $0x100  }
0x42: {  	[tilespmem:s21], [sflag:$0x3] =	stream.indirect.gather [hbm4b:s4+s17], $0x10, s31, s17, $0xb8;
	[tilespmem:$0x9780] =	vst v63  }
0x43: {  	s31 =	simm.s32 $0x180  }
0x44: {  	[tilespmem:s23], [sflag:$0x4] =	stream.indirect.gather [hbm4b:s4+s17], $0x10, s31, s17, $0xb8;
	[tilespmem:$0x9780] =	vst v63  }
0x45: {  	_ =	swait.ge [sflag:s14], $0x800  }
0x46: {  	[sflag:s14] =	ssyncset.done $0x0  }
0x47: {  	s31 =	simm.s32 $0x2800;
	[sflag:s14] =	ssyncadd.s32 $0xFFFFF800  }
0x48: {  	[spmem:s2] =	stream.indirect.scatter.add.f32 [tilespmem:s18], [sflag:$0x5], $0x10, s31, s17, $0xb8;
	[tilespmem:$0x9780] =	vst v63  }
0x49: {  	_ =	swait.ge [sflag:s15], $0x800  }
0x4a: {  	[sflag:s15] =	ssyncset.done $0x0  }
0x4b: {  	s31 =	simm.s32 $0x2880;
	[sflag:s15] =	ssyncadd.s32 $0xFFFFF800  }
0x4c: {  	[spmem:s2] =	stream.indirect.scatter.add.f32 [tilespmem:s19], [sflag:$0x6], $0x10, s31, s17, $0xb8;
	[tilespmem:$0x9780] =	vst v63  }
0x4d: {  	_ =	swait.ge [sflag:s16], $0x800  }
0x4e: {  	[sflag:s16] =	ssyncset.done $0x0  }
0x4f: {  	s31 =	simm.s32 $0x2900;
	[sflag:s16] =	ssyncadd.s32 $0xFFFFF800  }
0x50: {  	[spmem:s2] =	stream.indirect.scatter.add.f32 [tilespmem:s21], [sflag:$0x7], $0x10, s31, s17, $0xb8;
	[tilespmem:$0x9780] =	vst v63  }
0x51: {  	_ =	swait.ge [sflag:s24], $0x800  }
0x52: {  	[sflag:s24] =	ssyncset.done $0x0  }
0x53: {  	s31 =	simm.s32 $0x2980;
	[sflag:s24] =	ssyncadd.s32 $0xFFFFF800  }
0x54: {  	[spmem:s2] =	stream.indirect.scatter.add.f32 [tilespmem:s23], [sflag:$0x8], $0x10, s31, s17, $0xb8;
	[tilespmem:$0x9780] =	vst v63  }
0x55: {  	_ =	swait.ge [sflag:s25], $0x800  }
0x56: {  	[sflag:s25] =	ssyncset.done $0x0  }
0x57: {  	s31 =	simm.s32 $0x200;
	[sflag:s25] =	ssyncadd.s32 $0xFFFFF800  }
0x58: {  	[tilespmem:s18], [sflag:$0x1] =	stream.indirect.gather [hbm4b:s4+s17], $0x10, s31, s17, $0xb8;
	[tilespmem:$0x9780] =	vst v63  }
0x59: {  	_ =	swait.ge [sflag:s26], $0x800  }
0x5a: {  	[sflag:s26] =	ssyncset.done $0x0  }
0x5b: {  	s31 =	simm.s32 $0x280;
	[sflag:s26] =	ssyncadd.s32 $0xFFFFF800  }
0x5c: {  	[tilespmem:s19], [sflag:$0x2] =	stream.indirect.gather [hbm4b:s4+s17], $0x10, s31, s17, $0xb8;
	[tilespmem:$0x9780] =	vst v63  }
0x5d: {  	_ =	swait.ge [sflag:s28], $0x800  }
0x5e: {  	[sflag:s28] =	ssyncset.done $0x0  }
0x5f: {  	s31 =	simm.s32 $0x300;
	[sflag:s28] =	ssyncadd.s32 $0xFFFFF800  }
0x60: {  	[tilespmem:s21], [sflag:$0x3] =	stream.indirect.gather [hbm4b:s4+s17], $0x10, s31, s17, $0xb8;
	[tilespmem:$0x9780] =	vst v63  }
0x61: {  	_ =	swait.ge [sflag:s29], $0x800  }
0x62: {  	[sflag:s29] =	ssyncset.done $0x0  }
0x63: {  	s30 =	simm.s32 $0x380;
	s22 =	simm.s32 $0x800;
	[sflag:s29] =	ssyncadd.s32 $0xFFFFF800  }
.LBB2_2:
0x64: {  	[tilespmem:s23], [sflag:$0x4] =	stream.indirect.gather [hbm4b:s4+s17], $0x10, s30, s17, $0xb8;
	[tilespmem:$0x9780] =	vst v63  }
0x65: {  	s30 =	smov.u32 s22  }
0x66: {  	p0 =	sne.s32 s22, $0x9000;
	s22 =	sadd.s32 $0x800, s22;
	_ =	swait.ge [sflag:s14], $0x800  }
0x67: {  	s30 =	sshra.s32 s30, $0x2;
	[sflag:s14] =	ssyncset.done $0x0  }
0x68: {  	s31 =	sadd.s32 $0x2800, s30;
	[sflag:s14] =	ssyncadd.s32 $0xFFFFF800  }
0x69: {  	[spmem:s2] =	stream.indirect.scatter.add.f32 [tilespmem:s18], [sflag:$0x5], $0x10, s31, s17, $0xb8;
	[tilespmem:$0x9780] =	vst v63  }
0x6a: {  	_ =	swait.ge [sflag:s15], $0x800  }
0x6b: {  	[sflag:s15] =	ssyncset.done $0x0  }
0x6c: {  	s31 =	sadd.s32 $0x2880, s30;
	[sflag:s15] =	ssyncadd.s32 $0xFFFFF800  }
0x6d: {  	[spmem:s2] =	stream.indirect.scatter.add.f32 [tilespmem:s19], [sflag:$0x6], $0x10, s31, s17, $0xb8;
	[tilespmem:$0x9780] =	vst v63  }
0x6e: {  	_ =	swait.ge [sflag:s16], $0x800  }
0x6f: {  	[sflag:s16] =	ssyncset.done $0x0  }
0x70: {  	s31 =	sadd.s32 $0x2900, s30;
	[sflag:s16] =	ssyncadd.s32 $0xFFFFF800  }
0x71: {  	[spmem:s2] =	stream.indirect.scatter.add.f32 [tilespmem:s21], [sflag:$0x7], $0x10, s31, s17, $0xb8;
	[tilespmem:$0x9780] =	vst v63  }
0x72: {  	_ =	swait.ge [sflag:s24], $0x800  }
0x73: {  	[sflag:s24] =	ssyncset.done $0x0  }
0x74: {  	s31 =	sadd.s32 $0x2980, s30;
	[sflag:s24] =	ssyncadd.s32 $0xFFFFF800  }
0x75: {  	[spmem:s2] =	stream.indirect.scatter.add.f32 [tilespmem:s23], [sflag:$0x8], $0x10, s31, s17, $0xb8;
	[tilespmem:$0x9780] =	vst v63  }
0x76: {  	_ =	swait.ge [sflag:s25], $0x800  }
0x77: {  	[sflag:s25] =	ssyncset.done $0x0  }
0x78: {  	s31 =	sadd.s32 $0x200, s30;
	[sflag:s25] =	ssyncadd.s32 $0xFFFFF800  }
0x79: {  	[tilespmem:s18], [sflag:$0x1] =	stream.indirect.gather [hbm4b:s4+s17], $0x10, s31, s17, $0xb8;
	[tilespmem:$0x9780] =	vst v63  }
0x7a: {  	_ =	swait.ge [sflag:s26], $0x800  }
0x7b: {  	[sflag:s26] =	ssyncset.done $0x0  }
0x7c: {  	s31 =	sadd.s32 $0x280, s30;
	[sflag:s26] =	ssyncadd.s32 $0xFFFFF800  }
0x7d: {  	[tilespmem:s19], [sflag:$0x2] =	stream.indirect.gather [hbm4b:s4+s17], $0x10, s31, s17, $0xb8;
	[tilespmem:$0x9780] =	vst v63  }
0x7e: {  	_ =	swait.ge [sflag:s28], $0x800  }
0x7f: {  	[sflag:s28] =	ssyncset.done $0x0  }
.Ltmp0:
0x80: {  	s31 =	sadd.s32 $0x300, s30;
	[sflag:s28] =	ssyncadd.s32 $0xFFFFF800;
	(pc) =	sbr.rel @p0 .LBB2_2-.Ltmp0, $4  }
0x81: {  	[tilespmem:s21], [sflag:$0x3] =	stream.indirect.gather [hbm4b:s4+s17], $0x10, s31, s17, $0xb8;
	[tilespmem:$0x9780] =	vst v63  }
0x82: {  	_ =	swait.ge [sflag:s29], $0x800  }
0x83: {  	[sflag:s29] =	ssyncset.done $0x0  }
0x84: {  	s30 =	sadd.s32 $0x380, s30;
	[sflag:s29] =	ssyncadd.s32 $0xFFFFF800  }
0x85: {  	[tilespmem:s23], [sflag:$0x4] =	stream.indirect.gather [hbm4b:s4+s17], $0x10, s30, s17, $0xb8;
	[tilespmem:$0x9780] =	vst v63  }
0x86: {  	_ =	swait.ge [sflag:s14], $0x800  }
0x87: {  	[sflag:s14] =	ssyncset.done $0x0  }
0x88: {  	s22 =	simm.s32 $0x4E00;
	[sflag:s14] =	ssyncadd.s32 $0xFFFFF800  }
0x89: {  	[spmem:s2] =	stream.indirect.scatter.add.f32 [tilespmem:s18], [sflag:$0x5], $0x10, s22, s17, $0xb8;
	[tilespmem:$0x9780] =	vst v63  }
0x8a: {  	_ =	swait.ge [sflag:s15], $0x800  }
0x8b: {  	[sflag:s15] =	ssyncset.done $0x0  }
0x8c: {  	s30 =	simm.s32 $0x4E80;
	[sflag:s15] =	ssyncadd.s32 $0xFFFFF800  }
0x8d: {  	[spmem:s2] =	stream.indirect.scatter.add.f32 [tilespmem:s19], [sflag:$0x6], $0x10, s30, s17, $0xb8;
	[tilespmem:$0x9780] =	vst v63  }
0x8e: {  	_ =	swait.ge [sflag:s16], $0x800  }
0x8f: {  	[sflag:s16] =	ssyncset.done $0x0  }
0x90: {  	[sflag:s16] =	ssyncadd.s32 $0xFFFFF800  }
0x91: {  	[spmem:s2] =	stream.indirect.scatter.add.f32 [tilespmem:s21], [sflag:$0x7], $0x10, s1, s17, $0xb8;
	[tilespmem:$0x9780] =	vst v63  }
0x92: {  	_ =	swait.ge [sflag:s24], $0x800  }
0x93: {  	[sflag:s24] =	ssyncset.done $0x0  }
0x94: {  	[sflag:s24] =	ssyncadd.s32 $0xFFFFF800  }
0x95: {  	[spmem:s2] =	stream.indirect.scatter.add.f32 [tilespmem:s23], [sflag:$0x8], $0x10, s0, s17, $0xb8;
	[tilespmem:$0x9780] =	vst v63  }
0x96: {  	_ =	swait.ge [sflag:s25], $0x800  }
0x97: {  	[sflag:s25] =	ssyncset.done $0x0  }
0x98: {  	[sflag:s25] =	ssyncadd.s32 $0xFFFFF800  }
0x99: {  	_ =	swait.ge [sflag:s26], $0x800  }
0x9a: {  	[sflag:s26] =	ssyncset.done $0x0  }
0x9b: {  	[sflag:s26] =	ssyncadd.s32 $0xFFFFF800  }
0x9c: {  	_ =	swait.ge [sflag:s28], $0x800  }
0x9d: {  	[sflag:s28] =	ssyncset.done $0x0  }
0x9e: {  	[sflag:s28] =	ssyncadd.s32 $0xFFFFF800  }
0x9f: {  	_ =	swait.ge [sflag:s29], $0x800  }
0xa0: {  	s20 =	sadd.s32 $0x1, s20;
	[sflag:s29] =	ssyncset.done $0x0  }
0xa1: {  	p0 =	sne.s32 s20, s11;
	[sflag:s29] =	ssyncadd.s32 $0xFFFFF800  }
.Ltmp1:
0xa2: {  	s31 =	sor.u32 $0x1C09, s5;
	[bflag:$0x0] =	sbarrier.arrive $0xFFFF;
	(pc) =	sbr.rel @p0 .LBB2_1-.Ltmp1, $4  }
0xa3: {  	[hbm:s10], [sflag:s31] =	dma.local [spmem:s12], $0x4F0  }
0xa4: {  	_ =	swait.ge [sflag:s13], $0x4F0  }
0xa5: {  	[sflag:s13] =	ssyncset.done $0x0  }
0xa6: {  	[sflag:s13] =	ssyncadd.s32 $0xFFFFFB10  }
0xa7: {  	_ =	sfence.sel $0x180000  }
0xa8: {  	[bflag:$0x0] =	sbarrier.arrive $0xFFFF  }
0xa9: {  	_ =	strace $0x9000004D  }
0xaa: {  	s0 =	stileid.u32;
	[bflag:$0x2] =	sbarrier.arrive $0xFFFF  }
0xab: {  	p0 =	sne.s32 s0, $0x0;
	s0 =	rddreg [dreg:$0x2]  }
0xac: {  	s0 =	sadd.s32 @!p0 $0x100000, s0  }
0xad: {  	[sflag:s0] =	ssyncadd.tile.s32 @!p0 $0x1;
	_ =	shalt  }
.Lfunc_end2:
_tile_overlayer_lowered:
.L_overlay_start_2:
0xae: {  	(tag) =	ssettag $0x2  }
0xaf: {  	s0 =	rddreg [dreg:$0x0];
	s2 =	stileid.u32  }
0xb0: {  	s1 =	rddreg [dreg:$0x1];
	p0 =	sne.s32 s2, $0x0  }
0xb1: {  	s3 =	rddreg [dreg:$0x2];
	[bflag:$0x3] =	sbarrier.arrive $0xFFFF;
	s2 =	simm.s32 @!p0 $0x1C09  }
0xb2: {  	[timem:s3], [sflag:s2] =	dma.local @!p0 [hbm:s0], s1  }
0xb3: {  	s0 =	simm.s32 @!p0 $0x9  }
0xb4: {  	_ =	swait.ge @!p0 [sflag:s0], s1  }
0xb5: {  	s1 =	ssub.s32 @!p0 $0x0, s1;
	[sflag:s0] =	ssyncset.done @!p0 $0x0  }
0xb6: {  	[sflag:s0] =	ssyncadd.s32 @!p0 s1  }
0xb7: {  	[bflag:$0x3] =	sbarrier.arrive $0xFFFF  }
0xb8: {  	_ =	shalt  }

</sc_bundles>
